<compile_context>
chip_gen: v7x
topology: tpu7x:2x2x1
jax: 0.10.2.dev20260603
libtpu: 0.0.44.dev20260713+nightly
codegen_flags: <defaults>
</compile_context>

<pallas_src>
import functools

import jax
import jax.numpy as jnp
from jax import lax
from jax.experimental import pallas as pl
from jax.experimental.pallas import tpu as pltpu
from jax.experimental.pallas import tpu_sc as plsc

N = 10000
NP = 10240
E = 320000
HID = 64

NC = 2
NS = 16
NW = NC * NS
EPW = E // NW
CH = 80
NCHUNK = EPW // CH
RPT = NP // NS
ZROWS = 128



_sc_mesh = plsc.VectorSubcoreMesh(core_axis_name="c", subcore_axis_name="s")


@functools.partial(
    pl.kernel,
    mesh=_sc_mesh,
    compiler_params=pltpu.CompilerParams(use_tc_tiling_on_sc=False),
    out_type=jax.ShapeDtypeStruct((NC, NP, HID), jnp.float32),
    scratch_types=[
        pltpu.VMEM((NCHUNK, CH), jnp.int32),
        pltpu.VMEM((NCHUNK, CH), jnp.int32),
        pltpu.VMEM((CH, HID), jnp.float32),
        pltpu.VMEM((CH, HID), jnp.float32),
        pltpu.VMEM((ZROWS, HID), jnp.float32),
        pltpu.VMEM_SHARED((NP, HID), jnp.float32),
        pltpu.SemaphoreType.DMA,
        pltpu.SemaphoreType.DMA,
    ],
)
def _edge_scatter(y_hbm, src_hbm, dst_hbm, zout_hbm,
                  sidx, didx, rows0, rows1, zbuf, zsh, sem0, sem1):
    c = lax.axis_index("c")
    s = lax.axis_index("s")
    wid = c * NS + s

    pltpu.sync_copy(src_hbm.at[wid], sidx)
    pltpu.sync_copy(dst_hbm.at[wid], didx)

    def _zrow(r, carry):
        for q in range(HID // 16):
            zbuf[r, pl.ds(q * 16, 16)] = jnp.zeros((16,), jnp.float32)
        return carry
    lax.fori_loop(0, ZROWS, _zrow, 0)
    for k in range(RPT // ZROWS):
        pltpu.sync_copy(zbuf, zsh.at[pl.ds(s * RPT + k * ZROWS, ZROWS)])
    plsc.subcore_barrier()

    rows = (rows0, rows1)
    sems = (sem0, sem1)

    pltpu.async_copy(y_hbm.at[sidx.at[0]], rows0, sem0)

    def _body(k, carry):
        for b in range(2):
            j = 2 * k + b
            pltpu.make_async_copy(y_hbm.at[pl.ds(0, CH)], rows[b], sems[b]).wait()
            pltpu.async_copy(y_hbm.at[sidx.at[j + 1]], rows[1 - b], sems[1 - b])
            pltpu.sync_copy(rows[b], zsh.at[didx.at[j]], add=True)
        return carry
    lax.fori_loop(0, (NCHUNK - 1) // 2, _body, 0)

    pltpu.make_async_copy(y_hbm.at[pl.ds(0, CH)], rows0, sem0).wait()
    pltpu.sync_copy(rows0, zsh.at[didx.at[NCHUNK - 1]], add=True)

    plsc.subcore_barrier()

    for k in range(RPT // ZROWS):
        base = s * RPT + k * ZROWS
        pltpu.sync_copy(zsh.at[pl.ds(base, ZROWS)],
                        zout_hbm.at[c, pl.ds(base, ZROWS)])



def _row_mask():
    return lax.broadcasted_iota(jnp.int32, (NP, 1), 0) < N


def _tc0_body(x_ref, w0_ref, degc_ref, dinv_ref, y_ref):
    degc = degc_ref[...]
    deg = degc[0] + degc[1] + 1.0
    dinv = lax.rsqrt(deg)
    xw = jnp.dot(x_ref[...], w0_ref[...], preferred_element_type=jnp.float32)
    dinv_ref[...] = dinv
    y_ref[...] = xw * dinv


_tc0 = pl.pallas_call(
    _tc0_body,
    out_shape=(jax.ShapeDtypeStruct((NP, 1), jnp.float32),
               jax.ShapeDtypeStruct((NP, HID), jnp.float32)),
)


def _bn_relu(h, g, be):
    mask = _row_mask()
    hm = jnp.where(mask, h, 0.0)
    mean = jnp.sum(hm, axis=0, keepdims=True) / N
    dev = jnp.where(mask, h - mean, 0.0)
    var = jnp.sum(dev * dev, axis=0, keepdims=True) / N
    hn = (h - mean) * lax.rsqrt(var + 1e-5) * g + be
    return jnp.where(mask, jnp.maximum(hn, 0.0), 0.0)


def _tc_mid_body(zp_ref, y_ref, dinv_ref, b_ref, g_ref, be_ref, w_ref, yo_ref):
    zp = zp_ref[...]
    dinv = dinv_ref[...]
    h = (zp[0] + zp[1] + y_ref[...]) * dinv + b_ref[...]
    h = _bn_relu(h, g_ref[...], be_ref[...])
    yo_ref[...] = jnp.dot(h, w_ref[...], preferred_element_type=jnp.float32) * dinv


_tc_mid = pl.pallas_call(
    _tc_mid_body,
    out_shape=jax.ShapeDtypeStruct((NP, HID), jnp.float32),
)


def _tc_fin_body(zp_ref, y_ref, dinv_ref, b_ref, g_ref, be_ref,
                 wo_ref, bo_ref, o_ref):
    zp = zp_ref[...]
    h = (zp[0] + zp[1] + y_ref[...]) * dinv_ref[...] + b_ref[...]
    h = _bn_relu(h, g_ref[...], be_ref[...])
    o_ref[...] = jnp.dot(h, wo_ref[...], preferred_element_type=jnp.float32) \
        + bo_ref[...]


_tc_fin = pl.pallas_call(
    _tc_fin_body,
    out_shape=jax.ShapeDtypeStruct((NP, 1), jnp.float32),
)



def kernel(x, edge_index, W0, b0, W1, b1, W2, b2,
           g0, be0, g1, be1, g2, be2, Wo, bo):
    ei = edge_index.astype(jnp.int32)
    src_r = ei[0].reshape(NW, NCHUNK, CH)
    dst_r = ei[1].reshape(NW, NCHUNK, CH)

    xp = jnp.pad(x, ((0, NP - N), (0, 0)))

    ones_tab = jnp.ones((NP, HID), jnp.float32)
    degp = _edge_scatter(ones_tab, src_r, dst_r)
    degc = degp[:, :, 0:1]

    dinv, y = _tc0(xp, W0, degc)

    b0r, g0r, be0r = b0.reshape(1, HID), g0.reshape(1, HID), be0.reshape(1, HID)
    b1r, g1r, be1r = b1.reshape(1, HID), g1.reshape(1, HID), be1.reshape(1, HID)
    b2r, g2r, be2r = b2.reshape(1, HID), g2.reshape(1, HID), be2.reshape(1, HID)

    zp = _edge_scatter(y, src_r, dst_r)
    y = _tc_mid(zp, y, dinv, b0r, g0r, be0r, W1)
    zp = _edge_scatter(y, src_r, dst_r)
    y = _tc_mid(zp, y, dinv, b1r, g1r, be1r, W2)
    zp = _edge_scatter(y, src_r, dst_r)
    out = _tc_fin(zp, y, dinv, b2r, g2r, be2r, Wo, bo.reshape(1, 1))
    return out[:N].reshape(N)

# --- scband reference (transcript-rebuilt; emitter-appended) ---
"""Pipeline reference for scband-gcn-5454608466410 (READ-ONLY COPY).

The authoritative reference and input builder live on the scoring server;
editing this copy changes nothing except your own understanding.
"""

import jax, jax.numpy as jnp
import numpy as np

N_NODES = 10000
N_EDGES = 320000
IN_CH = 128
HID = 64


def _glorot(key, shape):
    fan_in, fan_out = shape[0], shape[1]
    lim = float(np.sqrt(6.0 / (fan_in + fan_out)))
    return jax.random.uniform(key, shape, jnp.float32, -lim, lim)


def setup_inputs(seed: int = 0) -> dict:
    key = jax.random.key(seed)
    ks = [jax.random.fold_in(key, i) for i in range(20)]
    inp = {}
    inp['x'] = jax.random.normal(ks[0], (N_NODES, IN_CH), dtype=jnp.float32)
    inp['edge_index'] = jax.random.randint(ks[1], (2, N_EDGES), 0, N_NODES, dtype=jnp.int64)
    # GCNConv weights: layer 0 (128->64), layers 1,2 (64->64)
    inp['W0'] = _glorot(ks[2], (IN_CH, HID)); inp['b0'] = jnp.zeros((HID,), jnp.float32)
    inp['W1'] = _glorot(ks[3], (HID, HID)); inp['b1'] = jnp.zeros((HID,), jnp.float32)
    inp['W2'] = _glorot(ks[4], (HID, HID)); inp['b2'] = jnp.zeros((HID,), jnp.float32)
    # BatchNorm params
    inp['g0'] = jnp.ones((HID,), jnp.float32); inp['be0'] = jnp.zeros((HID,), jnp.float32)
    inp['g1'] = jnp.ones((HID,), jnp.float32); inp['be1'] = jnp.zeros((HID,), jnp.float32)
    inp['g2'] = jnp.ones((HID,), jnp.float32); inp['be2'] = jnp.zeros((HID,), jnp.float32)
    # output head Linear(64, 1)
    inp['Wo'] = _glorot(ks[5], (HID, 1)); inp['bo'] = jnp.zeros((1,), jnp.float32)
    return inp


def _gcn_conv(x, edge_index, W, b):
    n = x.shape[0]
    loop = jnp.arange(n, dtype=edge_index.dtype)
    src = jnp.concatenate([edge_index[0], loop])
    dst = jnp.concatenate([edge_index[1], loop])
    deg = jnp.zeros((n,), jnp.float32).at[dst].add(1.0)
    dinv = jnp.where(deg > 0, 1.0 / jnp.sqrt(deg), 0.0)
    norm = dinv[src] * dinv[dst]
    xw = x @ W
    msg = xw[src] * norm[:, None]
    out = jnp.zeros((n, W.shape[1]), jnp.float32).at[dst].add(msg)
    return out + b


def _batchnorm(x, gamma, beta, eps=1e-5):
    mean = jnp.mean(x, axis=0)
    var = jnp.var(x, axis=0)
    return (x - mean) / jnp.sqrt(var + eps) * gamma + beta


def reference(x, edge_index, W0, b0, W1, b1, W2, b2, g0, be0, g1, be1, g2, be2, Wo, bo):
    h = x
    for (W, b, g, be) in ((W0, b0, g0, be0), (W1, b1, g1, be1), (W2, b2, g2, be2)):
        h = _gcn_conv(h, edge_index, W, b)
        h = _batchnorm(h, g, be)
        h = jax.nn.relu(h)
        # dropout is identity in deterministic reference
    out = h @ Wo + bo
    return jnp.squeeze(out, axis=-1)

if __name__ == "__main__":
    import jax
    _d = setup_inputs()
    print(jax.jit(kernel)(*tuple(_d.values())))

</pallas_src>

<mosaic_0001>
#map = affine_map<(d0, d1) -> (0, 0)>
#map1 = affine_map<(d0, d1) -> (0, 0, 0)>
module attributes {stable_mosaic.version = 14 : i64} {
  func.func @_edge_scatter(%arg0: i32, %arg1: i32, %arg2: memref<10240x64xf32, #tpu.memory_space<hbm>>, %arg3: memref<32x125x80xi32, #tpu.memory_space<hbm>>, %arg4: memref<32x125x80xi32, #tpu.memory_space<hbm>>, %arg5: memref<2x10240x64xf32, #tpu.memory_space<hbm>>, %arg6: memref<125x80xi32, #tpu.memory_space<vmem>>, %arg7: memref<125x80xi32, #tpu.memory_space<vmem>>, %arg8: memref<80x64xf32, #tpu.memory_space<vmem>>, %arg9: memref<80x64xf32, #tpu.memory_space<vmem>>, %arg10: memref<128x64xf32, #tpu.memory_space<vmem>>, %arg11: memref<10240x64xf32, #tpu.memory_space<vmem_shared>>, %arg12: memref<!tpu.dma_semaphore, #tpu.memory_space<semaphore_mem>>, %arg13: memref<!tpu.dma_semaphore, #tpu.memory_space<semaphore_mem>>) attributes {dimension_semantics = [#tpu.dimension_semantics<core_parallel>, #tpu.dimension_semantics<subcore_parallel>], iteration_bounds = array<i64: 2, 16>, scalar_prefetch = 0 : i64, scratch_operands = 8 : i64, tpu.core_type = #tpu.core_type<sc_vector_subcore>, window_params = [{transform_indices = #map}, {transform_indices = #map1}, {transform_indices = #map1}, {transform_indices = #map1}]} {
    %mul3A = arith.constant 16 : i32
    %mul3A_0 = arith.muli %arg0, %mul3A : i32
    %add3A = arith.addi %mul3A_0, %arg1 : i32
    "tpu.region"() ({
      %run_scoped3A_64 = tpu.sem_alloc : memref<!tpu.dma_semaphore, #tpu.memory_space<semaphore_mem>>
      %dma_start3A_65 = arith.constant 0 : i32
      %dma_start3A_66 = arith.constant 0 : i32
      %dma_start3A_67 = tpu.memref_slice %arg3[%add3A, %dma_start3A_65, %dma_start3A_66] : memref<32x125x80xi32, #tpu.memory_space<hbm>> -> memref<1x125x80xi32, #tpu.memory_space<hbm>>
      %dma_start3A_68 = tpu.memref_squeeze %dma_start3A_67 : memref<1x125x80xi32, #tpu.memory_space<hbm>> -> memref<125x80xi32, #tpu.memory_space<hbm>>
      %dma_start3A_69 = arith.constant 0 : i32
      %dma_start3A_70 = arith.constant 0 : i32
      %dma_start3A_71 = tpu.memref_slice %arg3[%add3A, %dma_start3A_69, %dma_start3A_70] : memref<32x125x80xi32, #tpu.memory_space<hbm>> -> memref<1x125x80xi32, #tpu.memory_space<hbm>>
      %dma_start3A_72 = tpu.memref_squeeze %dma_start3A_71 : memref<1x125x80xi32, #tpu.memory_space<hbm>> -> memref<125x80xi32, #tpu.memory_space<hbm>>
      tpu.enqueue_dma source(%dma_start3A_72 : memref<125x80xi32, #tpu.memory_space<hbm>>) target(%arg6 : memref<125x80xi32, #tpu.memory_space<vmem>>) target_semaphore(%run_scoped3A_64 : memref<!tpu.dma_semaphore, #tpu.memory_space<semaphore_mem>>)
      %dma_wait3A_73 = arith.constant 0 : i32
      %dma_wait3A_74 = arith.constant 0 : i32
      %dma_wait3A_75 = tpu.memref_slice %arg3[%add3A, %dma_wait3A_73, %dma_wait3A_74] : memref<32x125x80xi32, #tpu.memory_space<hbm>> -> memref<1x125x80xi32, #tpu.memory_space<hbm>>
      %dma_wait3A_76 = tpu.memref_squeeze %dma_wait3A_75 : memref<1x125x80xi32, #tpu.memory_space<hbm>> -> memref<125x80xi32, #tpu.memory_space<hbm>>
      %dma_wait3A_77 = arith.constant 0 : i32
      %dma_wait3A_78 = arith.constant 0 : i32
      %dma_wait3A_79 = tpu.memref_slice %arg3[%add3A, %dma_wait3A_77, %dma_wait3A_78] : memref<32x125x80xi32, #tpu.memory_space<hbm>> -> memref<1x125x80xi32, #tpu.memory_space<hbm>>
      %dma_wait3A_80 = tpu.memref_squeeze %dma_wait3A_79 : memref<1x125x80xi32, #tpu.memory_space<hbm>> -> memref<125x80xi32, #tpu.memory_space<hbm>>
      tpu.wait_dma2 semaphore(%run_scoped3A_64 : memref<!tpu.dma_semaphore, #tpu.memory_space<semaphore_mem>>) src(%dma_wait3A_80 : memref<125x80xi32, #tpu.memory_space<hbm>>) dst(%arg6 : memref<125x80xi32, #tpu.memory_space<vmem>>)
      tpu.yield
    }) : () -> ()
    "tpu.region"() ({
      %run_scoped3A_64 = tpu.sem_alloc : memref<!tpu.dma_semaphore, #tpu.memory_space<semaphore_mem>>
      %dma_start3A_65 = arith.constant 0 : i32
      %dma_start3A_66 = arith.constant 0 : i32
      %dma_start3A_67 = tpu.memref_slice %arg4[%add3A, %dma_start3A_65, %dma_start3A_66] : memref<32x125x80xi32, #tpu.memory_space<hbm>> -> memref<1x125x80xi32, #tpu.memory_space<hbm>>
      %dma_start3A_68 = tpu.memref_squeeze %dma_start3A_67 : memref<1x125x80xi32, #tpu.memory_space<hbm>> -> memref<125x80xi32, #tpu.memory_space<hbm>>
      %dma_start3A_69 = arith.constant 0 : i32
      %dma_start3A_70 = arith.constant 0 : i32
      %dma_start3A_71 = tpu.memref_slice %arg4[%add3A, %dma_start3A_69, %dma_start3A_70] : memref<32x125x80xi32, #tpu.memory_space<hbm>> -> memref<1x125x80xi32, #tpu.memory_space<hbm>>
      %dma_start3A_72 = tpu.memref_squeeze %dma_start3A_71 : memref<1x125x80xi32, #tpu.memory_space<hbm>> -> memref<125x80xi32, #tpu.memory_space<hbm>>
      tpu.enqueue_dma source(%dma_start3A_72 : memref<125x80xi32, #tpu.memory_space<hbm>>) target(%arg7 : memref<125x80xi32, #tpu.memory_space<vmem>>) target_semaphore(%run_scoped3A_64 : memref<!tpu.dma_semaphore, #tpu.memory_space<semaphore_mem>>)
      %dma_wait3A_73 = arith.constant 0 : i32
      %dma_wait3A_74 = arith.constant 0 : i32
      %dma_wait3A_75 = tpu.memref_slice %arg4[%add3A, %dma_wait3A_73, %dma_wait3A_74] : memref<32x125x80xi32, #tpu.memory_space<hbm>> -> memref<1x125x80xi32, #tpu.memory_space<hbm>>
      %dma_wait3A_76 = tpu.memref_squeeze %dma_wait3A_75 : memref<1x125x80xi32, #tpu.memory_space<hbm>> -> memref<125x80xi32, #tpu.memory_space<hbm>>
      %dma_wait3A_77 = arith.constant 0 : i32
      %dma_wait3A_78 = arith.constant 0 : i32
      %dma_wait3A_79 = tpu.memref_slice %arg4[%add3A, %dma_wait3A_77, %dma_wait3A_78] : memref<32x125x80xi32, #tpu.memory_space<hbm>> -> memref<1x125x80xi32, #tpu.memory_space<hbm>>
      %dma_wait3A_80 = tpu.memref_squeeze %dma_wait3A_79 : memref<1x125x80xi32, #tpu.memory_space<hbm>> -> memref<125x80xi32, #tpu.memory_space<hbm>>
      tpu.wait_dma2 semaphore(%run_scoped3A_64 : memref<!tpu.dma_semaphore, #tpu.memory_space<semaphore_mem>>) src(%dma_wait3A_80 : memref<125x80xi32, #tpu.memory_space<hbm>>) dst(%arg7 : memref<125x80xi32, #tpu.memory_space<vmem>>)
      tpu.yield
    }) : () -> ()
    %scan3A = arith.constant 0 : i32
    %scan3A_1 = arith.constant 0 : i32
    %scan3A_2 = arith.constant 128 : i32
    %scan3A_3 = arith.addi %scan3A_1, %scan3A_2 : i32
    %scan3A_4 = arith.constant 1 : i32
    scf.for %scan3A_64 = %scan3A_1 to %scan3A_3 step %scan3A_4  : i32 {
      %broadcast_in_dim3A = arith.constant 0.000000e+00 : f32
      %broadcast_in_dim3A_65 = vector.broadcast %broadcast_in_dim3A : f32 to vector<16xf32>
      %swap3A = arith.index_cast %scan3A_64 : i32 to index
      %swap3A_66 = arith.constant 0 : index
      %swap3A_67 = tpu.vector_load %arg10[%swap3A, %swap3A_66] {strides = array<i32>} : memref<128x64xf32, #tpu.memory_space<vmem>>, vector<1x16xf32>,
      %swap3A_68 = vector.shape_cast %swap3A_67 : vector<1x16xf32> to vector<16xf32>
      %swap3A_69 = vector.shape_cast %broadcast_in_dim3A_65 : vector<16xf32> to vector<1x16xf32>
      tpu.vector_store %arg10[%swap3A, %swap3A_66], %swap3A_69 {strides = array<i32>} : memref<128x64xf32, #tpu.memory_space<vmem>>, vector<1x16xf32>,
      %broadcast_in_dim3A_70 = arith.constant 0.000000e+00 : f32
      %broadcast_in_dim3A_71 = vector.broadcast %broadcast_in_dim3A_70 : f32 to vector<16xf32>
      %swap3A_72 = arith.index_cast %scan3A_64 : i32 to index
      %swap3A_73 = arith.constant 16 : index
      %swap3A_74 = tpu.vector_load %arg10[%swap3A_72, %swap3A_73] {strides = array<i32>} : memref<128x64xf32, #tpu.memory_space<vmem>>, vector<1x16xf32>,
      %swap3A_75 = vector.shape_cast %swap3A_74 : vector<1x16xf32> to vector<16xf32>
      %swap3A_76 = vector.shape_cast %broadcast_in_dim3A_71 : vector<16xf32> to vector<1x16xf32>
      tpu.vector_store %arg10[%swap3A_72, %swap3A_73], %swap3A_76 {strides = array<i32>} : memref<128x64xf32, #tpu.memory_space<vmem>>, vector<1x16xf32>,
      %broadcast_in_dim3A_77 = arith.constant 0.000000e+00 : f32
      %broadcast_in_dim3A_78 = vector.broadcast %broadcast_in_dim3A_77 : f32 to vector<16xf32>
      %swap3A_79 = arith.index_cast %scan3A_64 : i32 to index
      %swap3A_80 = arith.constant 32 : index
      %swap3A_81 = tpu.vector_load %arg10[%swap3A_79, %swap3A_80] {strides = array<i32>} : memref<128x64xf32, #tpu.memory_space<vmem>>, vector<1x16xf32>,
      %swap3A_82 = vector.shape_cast %swap3A_81 : vector<1x16xf32> to vector<16xf32>
      %swap3A_83 = vector.shape_cast %broadcast_in_dim3A_78 : vector<16xf32> to vector<1x16xf32>
      tpu.vector_store %arg10[%swap3A_79, %swap3A_80], %swap3A_83 {strides = array<i32>} : memref<128x64xf32, #tpu.memory_space<vmem>>, vector<1x16xf32>,
      %broadcast_in_dim3A_84 = arith.constant 0.000000e+00 : f32
      %broadcast_in_dim3A_85 = vector.broadcast %broadcast_in_dim3A_84 : f32 to vector<16xf32>
      %swap3A_86 = arith.index_cast %scan3A_64 : i32 to index
      %swap3A_87 = arith.constant 48 : index
      %swap3A_88 = tpu.vector_load %arg10[%swap3A_86, %swap3A_87] {strides = array<i32>} : memref<128x64xf32, #tpu.memory_space<vmem>>, vector<1x16xf32>,
      %swap3A_89 = vector.shape_cast %swap3A_88 : vector<1x16xf32> to vector<16xf32>
      %swap3A_90 = vector.shape_cast %broadcast_in_dim3A_85 : vector<16xf32> to vector<1x16xf32>
      tpu.vector_store %arg10[%swap3A_86, %swap3A_87], %swap3A_90 {strides = array<i32>} : memref<128x64xf32, #tpu.memory_space<vmem>>, vector<1x16xf32>,
    }
    %scan3A_5 = arith.constant 128 : i32
    %mul3A_6 = arith.constant 640 : i32
    %mul3A_7 = arith.muli %arg1, %mul3A_6 : i32
    %add3A_8 = arith.constant 0 : i32
    %add3A_9 = arith.addi %mul3A_7, %add3A_8 : i32
    "tpu.region"() ({
      %run_scoped3A_64 = tpu.sem_alloc : memref<!tpu.dma_semaphore, #tpu.memory_space<semaphore_mem>>
      %dma_start3A_65 = arith.constant 0 : i32
      %dma_start3A_66 = tpu.memref_slice %arg11[%add3A_9, %dma_start3A_65] : memref<10240x64xf32, #tpu.memory_space<vmem_shared>> -> memref<128x64xf32, #tpu.memory_space<vmem_shared>>
      %dma_start3A_67 = arith.constant 0 : i32
      %dma_start3A_68 = tpu.memref_slice %arg11[%add3A_9, %dma_start3A_67] : memref<10240x64xf32, #tpu.memory_space<vmem_shared>> -> memref<128x64xf32, #tpu.memory_space<vmem_shared>>
      tpu.enqueue_dma source(%arg10 : memref<128x64xf32, #tpu.memory_space<vmem>>) target(%dma_start3A_68 : memref<128x64xf32, #tpu.memory_space<vmem_shared>>) target_semaphore(%run_scoped3A_64 : memref<!tpu.dma_semaphore, #tpu.memory_space<semaphore_mem>>)
      %dma_wait3A_69 = arith.constant 0 : i32
      %dma_wait3A_70 = tpu.memref_slice %arg11[%add3A_9, %dma_wait3A_69] : memref<10240x64xf32, #tpu.memory_space<vmem_shared>> -> memref<128x64xf32, #tpu.memory_space<vmem_shared>>
      %dma_wait3A_71 = arith.constant 0 : i32
      %dma_wait3A_72 = tpu.memref_slice %arg11[%add3A_9, %dma_wait3A_71] : memref<10240x64xf32, #tpu.memory_space<vmem_shared>> -> memref<128x64xf32, #tpu.memory_space<vmem_shared>>
      tpu.wait_dma2 semaphore(%run_scoped3A_64 : memref<!tpu.dma_semaphore, #tpu.memory_space<semaphore_mem>>) src(%arg10 : memref<128x64xf32, #tpu.memory_space<vmem>>) dst(%dma_wait3A_72 : memref<128x64xf32, #tpu.memory_space<vmem_shared>>)
      tpu.yield
    }) : () -> ()
    %mul3A_10 = arith.constant 640 : i32
    %mul3A_11 = arith.muli %arg1, %mul3A_10 : i32
    %add3A_12 = arith.constant 128 : i32
    %add3A_13 = arith.addi %mul3A_11, %add3A_12 : i32
    "tpu.region"() ({
      %run_scoped3A_64 = tpu.sem_alloc : memref<!tpu.dma_semaphore, #tpu.memory_space<semaphore_mem>>
      %dma_start3A_65 = arith.constant 0 : i32
      %dma_start3A_66 = tpu.memref_slice %arg11[%add3A_13, %dma_start3A_65] : memref<10240x64xf32, #tpu.memory_space<vmem_shared>> -> memref<128x64xf32, #tpu.memory_space<vmem_shared>>
      %dma_start3A_67 = arith.constant 0 : i32
      %dma_start3A_68 = tpu.memref_slice %arg11[%add3A_13, %dma_start3A_67] : memref<10240x64xf32, #tpu.memory_space<vmem_shared>> -> memref<128x64xf32, #tpu.memory_space<vmem_shared>>
      tpu.enqueue_dma source(%arg10 : memref<128x64xf32, #tpu.memory_space<vmem>>) target(%dma_start3A_68 : memref<128x64xf32, #tpu.memory_space<vmem_shared>>) target_semaphore(%run_scoped3A_64 : memref<!tpu.dma_semaphore, #tpu.memory_space<semaphore_mem>>)
      %dma_wait3A_69 = arith.constant 0 : i32
      %dma_wait3A_70 = tpu.memref_slice %arg11[%add3A_13, %dma_wait3A_69] : memref<10240x64xf32, #tpu.memory_space<vmem_shared>> -> memref<128x64xf32, #tpu.memory_space<vmem_shared>>
      %dma_wait3A_71 = arith.constant 0 : i32
      %dma_wait3A_72 = tpu.memref_slice %arg11[%add3A_13, %dma_wait3A_71] : memref<10240x64xf32, #tpu.memory_space<vmem_shared>> -> memref<128x64xf32, #tpu.memory_space<vmem_shared>>
      tpu.wait_dma2 semaphore(%run_scoped3A_64 : memref<!tpu.dma_semaphore, #tpu.memory_space<semaphore_mem>>) src(%arg10 : memref<128x64xf32, #tpu.memory_space<vmem>>) dst(%dma_wait3A_72 : memref<128x64xf32, #tpu.memory_space<vmem_shared>>)
      tpu.yield
    }) : () -> ()
    %mul3A_14 = arith.constant 640 : i32
    %mul3A_15 = arith.muli %arg1, %mul3A_14 : i32
    %add3A_16 = arith.constant 256 : i32
    %add3A_17 = arith.addi %mul3A_15, %add3A_16 : i32
    "tpu.region"() ({
      %run_scoped3A_64 = tpu.sem_alloc : memref<!tpu.dma_semaphore, #tpu.memory_space<semaphore_mem>>
      %dma_start3A_65 = arith.constant 0 : i32
      %dma_start3A_66 = tpu.memref_slice %arg11[%add3A_17, %dma_start3A_65] : memref<10240x64xf32, #tpu.memory_space<vmem_shared>> -> memref<128x64xf32, #tpu.memory_space<vmem_shared>>
      %dma_start3A_67 = arith.constant 0 : i32
      %dma_start3A_68 = tpu.memref_slice %arg11[%add3A_17, %dma_start3A_67] : memref<10240x64xf32, #tpu.memory_space<vmem_shared>> -> memref<128x64xf32, #tpu.memory_space<vmem_shared>>
      tpu.enqueue_dma source(%arg10 : memref<128x64xf32, #tpu.memory_space<vmem>>) target(%dma_start3A_68 : memref<128x64xf32, #tpu.memory_space<vmem_shared>>) target_semaphore(%run_scoped3A_64 : memref<!tpu.dma_semaphore, #tpu.memory_space<semaphore_mem>>)
      %dma_wait3A_69 = arith.constant 0 : i32
      %dma_wait3A_70 = tpu.memref_slice %arg11[%add3A_17, %dma_wait3A_69] : memref<10240x64xf32, #tpu.memory_space<vmem_shared>> -> memref<128x64xf32, #tpu.memory_space<vmem_shared>>
      %dma_wait3A_71 = arith.constant 0 : i32
      %dma_wait3A_72 = tpu.memref_slice %arg11[%add3A_17, %dma_wait3A_71] : memref<10240x64xf32, #tpu.memory_space<vmem_shared>> -> memref<128x64xf32, #tpu.memory_space<vmem_shared>>
      tpu.wait_dma2 semaphore(%run_scoped3A_64 : memref<!tpu.dma_semaphore, #tpu.memory_space<semaphore_mem>>) src(%arg10 : memref<128x64xf32, #tpu.memory_space<vmem>>) dst(%dma_wait3A_72 : memref<128x64xf32, #tpu.memory_space<vmem_shared>>)
      tpu.yield
    }) : () -> ()
    %mul3A_18 = arith.constant 640 : i32
    %mul3A_19 = arith.muli %arg1, %mul3A_18 : i32
    %add3A_20 = arith.constant 384 : i32
    %add3A_21 = arith.addi %mul3A_19, %add3A_20 : i32
    "tpu.region"() ({
      %run_scoped3A_64 = tpu.sem_alloc : memref<!tpu.dma_semaphore, #tpu.memory_space<semaphore_mem>>
      %dma_start3A_65 = arith.constant 0 : i32
      %dma_start3A_66 = tpu.memref_slice %arg11[%add3A_21, %dma_start3A_65] : memref<10240x64xf32, #tpu.memory_space<vmem_shared>> -> memref<128x64xf32, #tpu.memory_space<vmem_shared>>
      %dma_start3A_67 = arith.constant 0 : i32
      %dma_start3A_68 = tpu.memref_slice %arg11[%add3A_21, %dma_start3A_67] : memref<10240x64xf32, #tpu.memory_space<vmem_shared>> -> memref<128x64xf32, #tpu.memory_space<vmem_shared>>
      tpu.enqueue_dma source(%arg10 : memref<128x64xf32, #tpu.memory_space<vmem>>) target(%dma_start3A_68 : memref<128x64xf32, #tpu.memory_space<vmem_shared>>) target_semaphore(%run_scoped3A_64 : memref<!tpu.dma_semaphore, #tpu.memory_space<semaphore_mem>>)
      %dma_wait3A_69 = arith.constant 0 : i32
      %dma_wait3A_70 = tpu.memref_slice %arg11[%add3A_21, %dma_wait3A_69] : memref<10240x64xf32, #tpu.memory_space<vmem_shared>> -> memref<128x64xf32, #tpu.memory_space<vmem_shared>>
      %dma_wait3A_71 = arith.constant 0 : i32
      %dma_wait3A_72 = tpu.memref_slice %arg11[%add3A_21, %dma_wait3A_71] : memref<10240x64xf32, #tpu.memory_space<vmem_shared>> -> memref<128x64xf32, #tpu.memory_space<vmem_shared>>
      tpu.wait_dma2 semaphore(%run_scoped3A_64 : memref<!tpu.dma_semaphore, #tpu.memory_space<semaphore_mem>>) src(%arg10 : memref<128x64xf32, #tpu.memory_space<vmem>>) dst(%dma_wait3A_72 : memref<128x64xf32, #tpu.memory_space<vmem_shared>>)
      tpu.yield
    }) : () -> ()
    %mul3A_22 = arith.constant 640 : i32
    %mul3A_23 = arith.muli %arg1, %mul3A_22 : i32
    %add3A_24 = arith.constant 512 : i32
    %add3A_25 = arith.addi %mul3A_23, %add3A_24 : i32
    "tpu.region"() ({
      %run_scoped3A_64 = tpu.sem_alloc : memref<!tpu.dma_semaphore, #tpu.memory_space<semaphore_mem>>
      %dma_start3A_65 = arith.constant 0 : i32
      %dma_start3A_66 = tpu.memref_slice %arg11[%add3A_25, %dma_start3A_65] : memref<10240x64xf32, #tpu.memory_space<vmem_shared>> -> memref<128x64xf32, #tpu.memory_space<vmem_shared>>
      %dma_start3A_67 = arith.constant 0 : i32
      %dma_start3A_68 = tpu.memref_slice %arg11[%add3A_25, %dma_start3A_67] : memref<10240x64xf32, #tpu.memory_space<vmem_shared>> -> memref<128x64xf32, #tpu.memory_space<vmem_shared>>
      tpu.enqueue_dma source(%arg10 : memref<128x64xf32, #tpu.memory_space<vmem>>) target(%dma_start3A_68 : memref<128x64xf32, #tpu.memory_space<vmem_shared>>) target_semaphore(%run_scoped3A_64 : memref<!tpu.dma_semaphore, #tpu.memory_space<semaphore_mem>>)
      %dma_wait3A_69 = arith.constant 0 : i32
      %dma_wait3A_70 = tpu.memref_slice %arg11[%add3A_25, %dma_wait3A_69] : memref<10240x64xf32, #tpu.memory_space<vmem_shared>> -> memref<128x64xf32, #tpu.memory_space<vmem_shared>>
      %dma_wait3A_71 = arith.constant 0 : i32
      %dma_wait3A_72 = tpu.memref_slice %arg11[%add3A_25, %dma_wait3A_71] : memref<10240x64xf32, #tpu.memory_space<vmem_shared>> -> memref<128x64xf32, #tpu.memory_space<vmem_shared>>
      tpu.wait_dma2 semaphore(%run_scoped3A_64 : memref<!tpu.dma_semaphore, #tpu.memory_space<semaphore_mem>>) src(%arg10 : memref<128x64xf32, #tpu.memory_space<vmem>>) dst(%dma_wait3A_72 : memref<128x64xf32, #tpu.memory_space<vmem_shared>>)
      tpu.yield
    }) : () -> ()
    %barrier3A = arith.constant 0 : index
    tpu.barrier barrier_id(%barrier3A)
    %dma_start3A = arith.constant 0 : i32
    %dma_start3A_26 = arith.constant 0 : i32
    %dma_start3A_27 = tpu.memref_slice %arg6[%dma_start3A, %dma_start3A_26] : memref<125x80xi32, #tpu.memory_space<vmem>> -> memref<1x80xi32, #tpu.memory_space<vmem>>
    %dma_start3A_28 = tpu.memref_squeeze %dma_start3A_27 : memref<1x80xi32, #tpu.memory_space<vmem>> -> memref<80xi32, #tpu.memory_space<vmem>>
    %dma_start3A_29 = arith.constant 0 : i32
    %dma_start3A_30 = arith.constant 0 : i32
    %dma_start3A_31 = tpu.memref_slice %arg2[%dma_start3A_29, %dma_start3A_30] : memref<10240x64xf32, #tpu.memory_space<hbm>> -> memref<10240x64xf32, #tpu.memory_space<hbm>>
    tpu.enqueue_indirect_dma source(%dma_start3A_31 : memref<10240x64xf32, #tpu.memory_space<hbm>>) target(%arg8 : memref<80x64xf32, #tpu.memory_space<vmem>>) offsets(%dma_start3A_28 : memref<80xi32, #tpu.memory_space<vmem>>) semaphore(%arg12 : memref<!tpu.dma_semaphore, #tpu.memory_space<semaphore_mem>>)
    %scan3A_32 = arith.constant 0 : i32
    %scan3A_33 = arith.constant 0 : i32
    %scan3A_34 = arith.constant 62 : i32
    %scan3A_35 = arith.addi %scan3A_33, %scan3A_34 : i32
    %scan3A_36 = arith.constant 1 : i32
    scf.for %scan3A_64 = %scan3A_33 to %scan3A_35 step %scan3A_36  : i32 {
      %mul3A_65 = arith.constant 2 : i32
      %mul3A_66 = arith.muli %mul3A_65, %scan3A_64 : i32
      %add3A_67 = arith.constant 0 : i32
      %add3A_68 = arith.addi %mul3A_66, %add3A_67 : i32
      %dma_wait3A_69 = arith.constant 0 : i32
      %dma_wait3A_70 = arith.constant 0 : i32
      %dma_wait3A_71 = tpu.memref_slice %arg2[%dma_wait3A_69, %dma_wait3A_70] : memref<10240x64xf32, #tpu.memory_space<hbm>> -> memref<80x64xf32, #tpu.memory_space<hbm>>
      %dma_wait3A_72 = arith.constant 0 : i32
      %dma_wait3A_73 = arith.constant 0 : i32
      %dma_wait3A_74 = tpu.memref_slice %arg2[%dma_wait3A_72, %dma_wait3A_73] : memref<10240x64xf32, #tpu.memory_space<hbm>> -> memref<80x64xf32, #tpu.memory_space<hbm>>
      tpu.wait_dma2 semaphore(%arg12 : memref<!tpu.dma_semaphore, #tpu.memory_space<semaphore_mem>>) src(%dma_wait3A_74 : memref<80x64xf32, #tpu.memory_space<hbm>>) dst(%arg8 : memref<80x64xf32, #tpu.memory_space<vmem>>)
      %add3A_75 = arith.constant 1 : i32
      %add3A_76 = arith.addi %add3A_68, %add3A_75 : i32
      %dma_start3A_77 = arith.constant 0 : i32
      %dma_start3A_78 = tpu.memref_slice %arg6[%add3A_76, %dma_start3A_77] : memref<125x80xi32, #tpu.memory_space<vmem>> -> memref<1x80xi32, #tpu.memory_space<vmem>>
      %dma_start3A_79 = tpu.memref_squeeze %dma_start3A_78 : memref<1x80xi32, #tpu.memory_space<vmem>> -> memref<80xi32, #tpu.memory_space<vmem>>
      %dma_start3A_80 = arith.constant 0 : i32
      %dma_start3A_81 = arith.constant 0 : i32
      %dma_start3A_82 = tpu.memref_slice %arg2[%dma_start3A_80, %dma_start3A_81] : memref<10240x64xf32, #tpu.memory_space<hbm>> -> memref<10240x64xf32, #tpu.memory_space<hbm>>
      tpu.enqueue_indirect_dma source(%dma_start3A_82 : memref<10240x64xf32, #tpu.memory_space<hbm>>) target(%arg9 : memref<80x64xf32, #tpu.memory_space<vmem>>) offsets(%dma_start3A_79 : memref<80xi32, #tpu.memory_space<vmem>>) semaphore(%arg13 : memref<!tpu.dma_semaphore, #tpu.memory_space<semaphore_mem>>)
      "tpu.region"() ({
        %run_scoped3A_101 = tpu.sem_alloc : memref<!tpu.dma_semaphore, #tpu.memory_space<semaphore_mem>>
        %dma_start3A_102 = arith.constant 0 : i32
        %dma_start3A_103 = tpu.memref_slice %arg7[%add3A_68, %dma_start3A_102] : memref<125x80xi32, #tpu.memory_space<vmem>> -> memref<1x80xi32, #tpu.memory_space<vmem>>
        %dma_start3A_104 = tpu.memref_squeeze %dma_start3A_103 : memref<1x80xi32, #tpu.memory_space<vmem>> -> memref<80xi32, #tpu.memory_space<vmem>>
        %dma_start3A_105 = arith.constant 0 : i32
        %dma_start3A_106 = arith.constant 0 : i32
        %dma_start3A_107 = tpu.memref_slice %arg11[%dma_start3A_105, %dma_start3A_106] : memref<10240x64xf32, #tpu.memory_space<vmem_shared>> -> memref<10240x64xf32, #tpu.memory_space<vmem_shared>>
        tpu.enqueue_indirect_dma source(%arg8 : memref<80x64xf32, #tpu.memory_space<vmem>>) target(%dma_start3A_107 : memref<10240x64xf32, #tpu.memory_space<vmem_shared>>) offsets(%dma_start3A_104 : memref<80xi32, #tpu.memory_space<vmem>>) semaphore(%run_scoped3A_101 : memref<!tpu.dma_semaphore, #tpu.memory_space<semaphore_mem>>) {add = true}
        %dma_wait3A_108 = arith.constant 0 : i32
        %dma_wait3A_109 = tpu.memref_slice %arg7[%add3A_68, %dma_wait3A_108] : memref<125x80xi32, #tpu.memory_space<vmem>> -> memref<1x80xi32, #tpu.memory_space<vmem>>
        %dma_wait3A_110 = tpu.memref_squeeze %dma_wait3A_109 : memref<1x80xi32, #tpu.memory_space<vmem>> -> memref<80xi32, #tpu.memory_space<vmem>>
        %dma_wait3A_111 = arith.constant 0 : i32
        %dma_wait3A_112 = arith.constant 0 : i32
        %dma_wait3A_113 = tpu.memref_slice %arg11[%dma_wait3A_111, %dma_wait3A_112] : memref<10240x64xf32, #tpu.memory_space<vmem_shared>> -> memref<10240x64xf32, #tpu.memory_space<vmem_shared>>
        tpu.wait_indirect_dma semaphore(%run_scoped3A_101 : memref<!tpu.dma_semaphore, #tpu.memory_space<semaphore_mem>>) src(%arg8 : memref<80x64xf32, #tpu.memory_space<vmem>>) dst(%dma_wait3A_113 : memref<10240x64xf32, #tpu.memory_space<vmem_shared>>)
        tpu.yield
      }) : () -> ()
      %mul3A_83 = arith.constant 2 : i32
      %mul3A_84 = arith.muli %mul3A_83, %scan3A_64 : i32
      %add3A_85 = arith.constant 1 : i32
      %add3A_86 = arith.addi %mul3A_84, %add3A_85 : i32
      %dma_wait3A_87 = arith.constant 0 : i32
      %dma_wait3A_88 = arith.constant 0 : i32
      %dma_wait3A_89 = tpu.memref_slice %arg2[%dma_wait3A_87, %dma_wait3A_88] : memref<10240x64xf32, #tpu.memory_space<hbm>> -> memref<80x64xf32, #tpu.memory_space<hbm>>
      %dma_wait3A_90 = arith.constant 0 : i32
      %dma_wait3A_91 = arith.constant 0 : i32
      %dma_wait3A_92 = tpu.memref_slice %arg2[%dma_wait3A_90, %dma_wait3A_91] : memref<10240x64xf32, #tpu.memory_space<hbm>> -> memref<80x64xf32, #tpu.memory_space<hbm>>
      tpu.wait_dma2 semaphore(%arg13 : memref<!tpu.dma_semaphore, #tpu.memory_space<semaphore_mem>>) src(%dma_wait3A_92 : memref<80x64xf32, #tpu.memory_space<hbm>>) dst(%arg9 : memref<80x64xf32, #tpu.memory_space<vmem>>)
      %add3A_93 = arith.constant 1 : i32
      %add3A_94 = arith.addi %add3A_86, %add3A_93 : i32
      %dma_start3A_95 = arith.constant 0 : i32
      %dma_start3A_96 = tpu.memref_slice %arg6[%add3A_94, %dma_start3A_95] : memref<125x80xi32, #tpu.memory_space<vmem>> -> memref<1x80xi32, #tpu.memory_space<vmem>>
      %dma_start3A_97 = tpu.memref_squeeze %dma_start3A_96 : memref<1x80xi32, #tpu.memory_space<vmem>> -> memref<80xi32, #tpu.memory_space<vmem>>
      %dma_start3A_98 = arith.constant 0 : i32
      %dma_start3A_99 = arith.constant 0 : i32
      %dma_start3A_100 = tpu.memref_slice %arg2[%dma_start3A_98, %dma_start3A_99] : memref<10240x64xf32, #tpu.memory_space<hbm>> -> memref<10240x64xf32, #tpu.memory_space<hbm>>
      tpu.enqueue_indirect_dma source(%dma_start3A_100 : memref<10240x64xf32, #tpu.memory_space<hbm>>) target(%arg8 : memref<80x64xf32, #tpu.memory_space<vmem>>) offsets(%dma_start3A_97 : memref<80xi32, #tpu.memory_space<vmem>>) semaphore(%arg12 : memref<!tpu.dma_semaphore, #tpu.memory_space<semaphore_mem>>)
      "tpu.region"() ({
        %run_scoped3A_101 = tpu.sem_alloc : memref<!tpu.dma_semaphore, #tpu.memory_space<semaphore_mem>>
        %dma_start3A_102 = arith.constant 0 : i32
        %dma_start3A_103 = tpu.memref_slice %arg7[%add3A_86, %dma_start3A_102] : memref<125x80xi32, #tpu.memory_space<vmem>> -> memref<1x80xi32, #tpu.memory_space<vmem>>
        %dma_start3A_104 = tpu.memref_squeeze %dma_start3A_103 : memref<1x80xi32, #tpu.memory_space<vmem>> -> memref<80xi32, #tpu.memory_space<vmem>>
        %dma_start3A_105 = arith.constant 0 : i32
        %dma_start3A_106 = arith.constant 0 : i32
        %dma_start3A_107 = tpu.memref_slice %arg11[%dma_start3A_105, %dma_start3A_106] : memref<10240x64xf32, #tpu.memory_space<vmem_shared>> -> memref<10240x64xf32, #tpu.memory_space<vmem_shared>>
        tpu.enqueue_indirect_dma source(%arg9 : memref<80x64xf32, #tpu.memory_space<vmem>>) target(%dma_start3A_107 : memref<10240x64xf32, #tpu.memory_space<vmem_shared>>) offsets(%dma_start3A_104 : memref<80xi32, #tpu.memory_space<vmem>>) semaphore(%run_scoped3A_101 : memref<!tpu.dma_semaphore, #tpu.memory_space<semaphore_mem>>) {add = true}
        %dma_wait3A_108 = arith.constant 0 : i32
        %dma_wait3A_109 = tpu.memref_slice %arg7[%add3A_86, %dma_wait3A_108] : memref<125x80xi32, #tpu.memory_space<vmem>> -> memref<1x80xi32, #tpu.memory_space<vmem>>
        %dma_wait3A_110 = tpu.memref_squeeze %dma_wait3A_109 : memref<1x80xi32, #tpu.memory_space<vmem>> -> memref<80xi32, #tpu.memory_space<vmem>>
        %dma_wait3A_111 = arith.constant 0 : i32
        %dma_wait3A_112 = arith.constant 0 : i32
        %dma_wait3A_113 = tpu.memref_slice %arg11[%dma_wait3A_111, %dma_wait3A_112] : memref<10240x64xf32, #tpu.memory_space<vmem_shared>> -> memref<10240x64xf32, #tpu.memory_space<vmem_shared>>
        tpu.wait_indirect_dma semaphore(%run_scoped3A_101 : memref<!tpu.dma_semaphore, #tpu.memory_space<semaphore_mem>>) src(%arg9 : memref<80x64xf32, #tpu.memory_space<vmem>>) dst(%dma_wait3A_113 : memref<10240x64xf32, #tpu.memory_space<vmem_shared>>)
        tpu.yield
      }) : () -> ()
    }
    %scan3A_37 = arith.constant 62 : i32
    %dma_wait3A = arith.constant 0 : i32
    %dma_wait3A_38 = arith.constant 0 : i32
    %dma_wait3A_39 = tpu.memref_slice %arg2[%dma_wait3A, %dma_wait3A_38] : memref<10240x64xf32, #tpu.memory_space<hbm>> -> memref<80x64xf32, #tpu.memory_space<hbm>>
    %dma_wait3A_40 = arith.constant 0 : i32
    %dma_wait3A_41 = arith.constant 0 : i32
    %dma_wait3A_42 = tpu.memref_slice %arg2[%dma_wait3A_40, %dma_wait3A_41] : memref<10240x64xf32, #tpu.memory_space<hbm>> -> memref<80x64xf32, #tpu.memory_space<hbm>>
    tpu.wait_dma2 semaphore(%arg12 : memref<!tpu.dma_semaphore, #tpu.memory_space<semaphore_mem>>) src(%dma_wait3A_42 : memref<80x64xf32, #tpu.memory_space<hbm>>) dst(%arg8 : memref<80x64xf32, #tpu.memory_space<vmem>>)
    %run_scoped3A = arith.constant 124 : i32
    "tpu.region"() ({
      %run_scoped3A_64 = tpu.sem_alloc : memref<!tpu.dma_semaphore, #tpu.memory_space<semaphore_mem>>
      %dma_start3A_65 = arith.constant 0 : i32
      %dma_start3A_66 = tpu.memref_slice %arg7[%run_scoped3A, %dma_start3A_65] : memref<125x80xi32, #tpu.memory_space<vmem>> -> memref<1x80xi32, #tpu.memory_space<vmem>>
      %dma_start3A_67 = tpu.memref_squeeze %dma_start3A_66 : memref<1x80xi32, #tpu.memory_space<vmem>> -> memref<80xi32, #tpu.memory_space<vmem>>
      %dma_start3A_68 = arith.constant 0 : i32
      %dma_start3A_69 = arith.constant 0 : i32
      %dma_start3A_70 = tpu.memref_slice %arg11[%dma_start3A_68, %dma_start3A_69] : memref<10240x64xf32, #tpu.memory_space<vmem_shared>> -> memref<10240x64xf32, #tpu.memory_space<vmem_shared>>
      tpu.enqueue_indirect_dma source(%arg8 : memref<80x64xf32, #tpu.memory_space<vmem>>) target(%dma_start3A_70 : memref<10240x64xf32, #tpu.memory_space<vmem_shared>>) offsets(%dma_start3A_67 : memref<80xi32, #tpu.memory_space<vmem>>) semaphore(%run_scoped3A_64 : memref<!tpu.dma_semaphore, #tpu.memory_space<semaphore_mem>>) {add = true}
      %dma_wait3A_71 = arith.constant 0 : i32
      %dma_wait3A_72 = tpu.memref_slice %arg7[%run_scoped3A, %dma_wait3A_71] : memref<125x80xi32, #tpu.memory_space<vmem>> -> memref<1x80xi32, #tpu.memory_space<vmem>>
      %dma_wait3A_73 = tpu.memref_squeeze %dma_wait3A_72 : memref<1x80xi32, #tpu.memory_space<vmem>> -> memref<80xi32, #tpu.memory_space<vmem>>
      %dma_wait3A_74 = arith.constant 0 : i32
      %dma_wait3A_75 = arith.constant 0 : i32
      %dma_wait3A_76 = tpu.memref_slice %arg11[%dma_wait3A_74, %dma_wait3A_75] : memref<10240x64xf32, #tpu.memory_space<vmem_shared>> -> memref<10240x64xf32, #tpu.memory_space<vmem_shared>>
      tpu.wait_indirect_dma semaphore(%run_scoped3A_64 : memref<!tpu.dma_semaphore, #tpu.memory_space<semaphore_mem>>) src(%arg8 : memref<80x64xf32, #tpu.memory_space<vmem>>) dst(%dma_wait3A_76 : memref<10240x64xf32, #tpu.memory_space<vmem_shared>>)
      tpu.yield
    }) : () -> ()
    %barrier3A_43 = arith.constant 0 : index
    tpu.barrier barrier_id(%barrier3A_43)
    %mul3A_44 = arith.constant 640 : i32
    %mul3A_45 = arith.muli %arg1, %mul3A_44 : i32
    %add3A_46 = arith.constant 0 : i32
    %add3A_47 = arith.addi %mul3A_45, %add3A_46 : i32
    "tpu.region"() ({
      %run_scoped3A_64 = tpu.sem_alloc : memref<!tpu.dma_semaphore, #tpu.memory_space<semaphore_mem>>
      %dma_start3A_65 = arith.constant 0 : i32
      %dma_start3A_66 = tpu.memref_slice %arg5[%arg0, %add3A_47, %dma_start3A_65] : memref<2x10240x64xf32, #tpu.memory_space<hbm>> -> memref<1x128x64xf32, #tpu.memory_space<hbm>>
      %dma_start3A_67 = tpu.memref_squeeze %dma_start3A_66 : memref<1x128x64xf32, #tpu.memory_space<hbm>> -> memref<128x64xf32, #tpu.memory_space<hbm>>
      %dma_start3A_68 = arith.constant 0 : i32
      %dma_start3A_69 = tpu.memref_slice %arg11[%add3A_47, %dma_start3A_68] : memref<10240x64xf32, #tpu.memory_space<vmem_shared>> -> memref<128x64xf32, #tpu.memory_space<vmem_shared>>
      tpu.enqueue_dma source(%dma_start3A_69 : memref<128x64xf32, #tpu.memory_space<vmem_shared>>) target(%dma_start3A_67 : memref<128x64xf32, #tpu.memory_space<hbm>>) target_semaphore(%run_scoped3A_64 : memref<!tpu.dma_semaphore, #tpu.memory_space<semaphore_mem>>)
      %dma_wait3A_70 = arith.constant 0 : i32
      %dma_wait3A_71 = tpu.memref_slice %arg5[%arg0, %add3A_47, %dma_wait3A_70] : memref<2x10240x64xf32, #tpu.memory_space<hbm>> -> memref<1x128x64xf32, #tpu.memory_space<hbm>>
      %dma_wait3A_72 = tpu.memref_squeeze %dma_wait3A_71 : memref<1x128x64xf32, #tpu.memory_space<hbm>> -> memref<128x64xf32, #tpu.memory_space<hbm>>
      %dma_wait3A_73 = arith.constant 0 : i32
      %dma_wait3A_74 = tpu.memref_slice %arg11[%add3A_47, %dma_wait3A_73] : memref<10240x64xf32, #tpu.memory_space<vmem_shared>> -> memref<128x64xf32, #tpu.memory_space<vmem_shared>>
      tpu.wait_dma2 semaphore(%run_scoped3A_64 : memref<!tpu.dma_semaphore, #tpu.memory_space<semaphore_mem>>) src(%dma_wait3A_74 : memref<128x64xf32, #tpu.memory_space<vmem_shared>>) dst(%dma_wait3A_72 : memref<128x64xf32, #tpu.memory_space<hbm>>)
      tpu.yield
    }) : () -> ()
    %mul3A_48 = arith.constant 640 : i32
    %mul3A_49 = arith.muli %arg1, %mul3A_48 : i32
    %add3A_50 = arith.constant 128 : i32
    %add3A_51 = arith.addi %mul3A_49, %add3A_50 : i32
    "tpu.region"() ({
      %run_scoped3A_64 = tpu.sem_alloc : memref<!tpu.dma_semaphore, #tpu.memory_space<semaphore_mem>>
      %dma_start3A_65 = arith.constant 0 : i32
      %dma_start3A_66 = tpu.memref_slice %arg5[%arg0, %add3A_51, %dma_start3A_65] : memref<2x10240x64xf32, #tpu.memory_space<hbm>> -> memref<1x128x64xf32, #tpu.memory_space<hbm>>
      %dma_start3A_67 = tpu.memref_squeeze %dma_start3A_66 : memref<1x128x64xf32, #tpu.memory_space<hbm>> -> memref<128x64xf32, #tpu.memory_space<hbm>>
      %dma_start3A_68 = arith.constant 0 : i32
      %dma_start3A_69 = tpu.memref_slice %arg11[%add3A_51, %dma_start3A_68] : memref<10240x64xf32, #tpu.memory_space<vmem_shared>> -> memref<128x64xf32, #tpu.memory_space<vmem_shared>>
      tpu.enqueue_dma source(%dma_start3A_69 : memref<128x64xf32, #tpu.memory_space<vmem_shared>>) target(%dma_start3A_67 : memref<128x64xf32, #tpu.memory_space<hbm>>) target_semaphore(%run_scoped3A_64 : memref<!tpu.dma_semaphore, #tpu.memory_space<semaphore_mem>>)
      %dma_wait3A_70 = arith.constant 0 : i32
      %dma_wait3A_71 = tpu.memref_slice %arg5[%arg0, %add3A_51, %dma_wait3A_70] : memref<2x10240x64xf32, #tpu.memory_space<hbm>> -> memref<1x128x64xf32, #tpu.memory_space<hbm>>
      %dma_wait3A_72 = tpu.memref_squeeze %dma_wait3A_71 : memref<1x128x64xf32, #tpu.memory_space<hbm>> -> memref<128x64xf32, #tpu.memory_space<hbm>>
      %dma_wait3A_73 = arith.constant 0 : i32
      %dma_wait3A_74 = tpu.memref_slice %arg11[%add3A_51, %dma_wait3A_73] : memref<10240x64xf32, #tpu.memory_space<vmem_shared>> -> memref<128x64xf32, #tpu.memory_space<vmem_shared>>
      tpu.wait_dma2 semaphore(%run_scoped3A_64 : memref<!tpu.dma_semaphore, #tpu.memory_space<semaphore_mem>>) src(%dma_wait3A_74 : memref<128x64xf32, #tpu.memory_space<vmem_shared>>) dst(%dma_wait3A_72 : memref<128x64xf32, #tpu.memory_space<hbm>>)
      tpu.yield
    }) : () -> ()
    %mul3A_52 = arith.constant 640 : i32
    %mul3A_53 = arith.muli %arg1, %mul3A_52 : i32
    %add3A_54 = arith.constant 256 : i32
    %add3A_55 = arith.addi %mul3A_53, %add3A_54 : i32
    "tpu.region"() ({
      %run_scoped3A_64 = tpu.sem_alloc : memref<!tpu.dma_semaphore, #tpu.memory_space<semaphore_mem>>
      %dma_start3A_65 = arith.constant 0 : i32
      %dma_start3A_66 = tpu.memref_slice %arg5[%arg0, %add3A_55, %dma_start3A_65] : memref<2x10240x64xf32, #tpu.memory_space<hbm>> -> memref<1x128x64xf32, #tpu.memory_space<hbm>>
      %dma_start3A_67 = tpu.memref_squeeze %dma_start3A_66 : memref<1x128x64xf32, #tpu.memory_space<hbm>> -> memref<128x64xf32, #tpu.memory_space<hbm>>
      %dma_start3A_68 = arith.constant 0 : i32
      %dma_start3A_69 = tpu.memref_slice %arg11[%add3A_55, %dma_start3A_68] : memref<10240x64xf32, #tpu.memory_space<vmem_shared>> -> memref<128x64xf32, #tpu.memory_space<vmem_shared>>
      tpu.enqueue_dma source(%dma_start3A_69 : memref<128x64xf32, #tpu.memory_space<vmem_shared>>) target(%dma_start3A_67 : memref<128x64xf32, #tpu.memory_space<hbm>>) target_semaphore(%run_scoped3A_64 : memref<!tpu.dma_semaphore, #tpu.memory_space<semaphore_mem>>)
      %dma_wait3A_70 = arith.constant 0 : i32
      %dma_wait3A_71 = tpu.memref_slice %arg5[%arg0, %add3A_55, %dma_wait3A_70] : memref<2x10240x64xf32, #tpu.memory_space<hbm>> -> memref<1x128x64xf32, #tpu.memory_space<hbm>>
      %dma_wait3A_72 = tpu.memref_squeeze %dma_wait3A_71 : memref<1x128x64xf32, #tpu.memory_space<hbm>> -> memref<128x64xf32, #tpu.memory_space<hbm>>
      %dma_wait3A_73 = arith.constant 0 : i32
      %dma_wait3A_74 = tpu.memref_slice %arg11[%add3A_55, %dma_wait3A_73] : memref<10240x64xf32, #tpu.memory_space<vmem_shared>> -> memref<128x64xf32, #tpu.memory_space<vmem_shared>>
      tpu.wait_dma2 semaphore(%run_scoped3A_64 : memref<!tpu.dma_semaphore, #tpu.memory_space<semaphore_mem>>) src(%dma_wait3A_74 : memref<128x64xf32, #tpu.memory_space<vmem_shared>>) dst(%dma_wait3A_72 : memref<128x64xf32, #tpu.memory_space<hbm>>)
      tpu.yield
    }) : () -> ()
    %mul3A_56 = arith.constant 640 : i32
    %mul3A_57 = arith.muli %arg1, %mul3A_56 : i32
    %add3A_58 = arith.constant 384 : i32
    %add3A_59 = arith.addi %mul3A_57, %add3A_58 : i32
    "tpu.region"() ({
      %run_scoped3A_64 = tpu.sem_alloc : memref<!tpu.dma_semaphore, #tpu.memory_space<semaphore_mem>>
      %dma_start3A_65 = arith.constant 0 : i32
      %dma_start3A_66 = tpu.memref_slice %arg5[%arg0, %add3A_59, %dma_start3A_65] : memref<2x10240x64xf32, #tpu.memory_space<hbm>> -> memref<1x128x64xf32, #tpu.memory_space<hbm>>
      %dma_start3A_67 = tpu.memref_squeeze %dma_start3A_66 : memref<1x128x64xf32, #tpu.memory_space<hbm>> -> memref<128x64xf32, #tpu.memory_space<hbm>>
      %dma_start3A_68 = arith.constant 0 : i32
      %dma_start3A_69 = tpu.memref_slice %arg11[%add3A_59, %dma_start3A_68] : memref<10240x64xf32, #tpu.memory_space<vmem_shared>> -> memref<128x64xf32, #tpu.memory_space<vmem_shared>>
      tpu.enqueue_dma source(%dma_start3A_69 : memref<128x64xf32, #tpu.memory_space<vmem_shared>>) target(%dma_start3A_67 : memref<128x64xf32, #tpu.memory_space<hbm>>) target_semaphore(%run_scoped3A_64 : memref<!tpu.dma_semaphore, #tpu.memory_space<semaphore_mem>>)
      %dma_wait3A_70 = arith.constant 0 : i32
      %dma_wait3A_71 = tpu.memref_slice %arg5[%arg0, %add3A_59, %dma_wait3A_70] : memref<2x10240x64xf32, #tpu.memory_space<hbm>> -> memref<1x128x64xf32, #tpu.memory_space<hbm>>
      %dma_wait3A_72 = tpu.memref_squeeze %dma_wait3A_71 : memref<1x128x64xf32, #tpu.memory_space<hbm>> -> memref<128x64xf32, #tpu.memory_space<hbm>>
      %dma_wait3A_73 = arith.constant 0 : i32
      %dma_wait3A_74 = tpu.memref_slice %arg11[%add3A_59, %dma_wait3A_73] : memref<10240x64xf32, #tpu.memory_space<vmem_shared>> -> memref<128x64xf32, #tpu.memory_space<vmem_shared>>
      tpu.wait_dma2 semaphore(%run_scoped3A_64 : memref<!tpu.dma_semaphore, #tpu.memory_space<semaphore_mem>>) src(%dma_wait3A_74 : memref<128x64xf32, #tpu.memory_space<vmem_shared>>) dst(%dma_wait3A_72 : memref<128x64xf32, #tpu.memory_space<hbm>>)
      tpu.yield
    }) : () -> ()
    %mul3A_60 = arith.constant 640 : i32
    %mul3A_61 = arith.muli %arg1, %mul3A_60 : i32
    %add3A_62 = arith.constant 512 : i32
    %add3A_63 = arith.addi %mul3A_61, %add3A_62 : i32
    "tpu.region"() ({
      %run_scoped3A_64 = tpu.sem_alloc : memref<!tpu.dma_semaphore, #tpu.memory_space<semaphore_mem>>
      %dma_start3A_65 = arith.constant 0 : i32
      %dma_start3A_66 = tpu.memref_slice %arg5[%arg0, %add3A_63, %dma_start3A_65] : memref<2x10240x64xf32, #tpu.memory_space<hbm>> -> memref<1x128x64xf32, #tpu.memory_space<hbm>>
      %dma_start3A_67 = tpu.memref_squeeze %dma_start3A_66 : memref<1x128x64xf32, #tpu.memory_space<hbm>> -> memref<128x64xf32, #tpu.memory_space<hbm>>
      %dma_start3A_68 = arith.constant 0 : i32
      %dma_start3A_69 = tpu.memref_slice %arg11[%add3A_63, %dma_start3A_68] : memref<10240x64xf32, #tpu.memory_space<vmem_shared>> -> memref<128x64xf32, #tpu.memory_space<vmem_shared>>
      tpu.enqueue_dma source(%dma_start3A_69 : memref<128x64xf32, #tpu.memory_space<vmem_shared>>) target(%dma_start3A_67 : memref<128x64xf32, #tpu.memory_space<hbm>>) target_semaphore(%run_scoped3A_64 : memref<!tpu.dma_semaphore, #tpu.memory_space<semaphore_mem>>)
      %dma_wait3A_70 = arith.constant 0 : i32
      %dma_wait3A_71 = tpu.memref_slice %arg5[%arg0, %add3A_63, %dma_wait3A_70] : memref<2x10240x64xf32, #tpu.memory_space<hbm>> -> memref<1x128x64xf32, #tpu.memory_space<hbm>>
      %dma_wait3A_72 = tpu.memref_squeeze %dma_wait3A_71 : memref<1x128x64xf32, #tpu.memory_space<hbm>> -> memref<128x64xf32, #tpu.memory_space<hbm>>
      %dma_wait3A_73 = arith.constant 0 : i32
      %dma_wait3A_74 = tpu.memref_slice %arg11[%add3A_63, %dma_wait3A_73] : memref<10240x64xf32, #tpu.memory_space<vmem_shared>> -> memref<128x64xf32, #tpu.memory_space<vmem_shared>>
      tpu.wait_dma2 semaphore(%run_scoped3A_64 : memref<!tpu.dma_semaphore, #tpu.memory_space<semaphore_mem>>) src(%dma_wait3A_74 : memref<128x64xf32, #tpu.memory_space<vmem_shared>>) dst(%dma_wait3A_72 : memref<128x64xf32, #tpu.memory_space<hbm>>)
      tpu.yield
    }) : () -> ()
    return
  }
}

#map = affine_map<(d0, d1) -> (0, 0)>
#map1 = affine_map<(d0, d1) -> (0, 0, 0)>
module attributes {stable_mosaic.version = 14 : i64} {
  func.func @_edge_scatter(%arg0: i32, %arg1: i32, %arg2: memref<10240x64xf32, #tpu.memory_space<hbm>>, %arg3: memref<32x125x80xi32, #tpu.memory_space<hbm>>, %arg4: memref<32x125x80xi32, #tpu.memory_space<hbm>>, %arg5: memref<2x10240x64xf32, #tpu.memory_space<hbm>>, %arg6: memref<125x80xi32, #tpu.memory_space<vmem>>, %arg7: memref<125x80xi32, #tpu.memory_space<vmem>>, %arg8: memref<80x64xf32, #tpu.memory_space<vmem>>, %arg9: memref<80x64xf32, #tpu.memory_space<vmem>>, %arg10: memref<128x64xf32, #tpu.memory_space<vmem>>, %arg11: memref<10240x64xf32, #tpu.memory_space<vmem_shared>>, %arg12: memref<!tpu.dma_semaphore, #tpu.memory_space<semaphore_mem>>, %arg13: memref<!tpu.dma_semaphore, #tpu.memory_space<semaphore_mem>>) attributes {dimension_semantics = [#tpu.dimension_semantics<core_parallel>, #tpu.dimension_semantics<subcore_parallel>], iteration_bounds = array<i64: 2, 16>, scalar_prefetch = 0 : i64, scratch_operands = 8 : i64, tpu.core_type = #tpu.core_type<sc_vector_subcore>, window_params = [{transform_indices = #map}, {transform_indices = #map1}, {transform_indices = #map1}, {transform_indices = #map1}]} {
    %mul3A = arith.constant 16 : i32
    %mul3A_0 = arith.muli %arg0, %mul3A : i32
    %add3A = arith.addi %mul3A_0, %arg1 : i32
    "tpu.region"() ({
      %run_scoped3A_64 = tpu.sem_alloc : memref<!tpu.dma_semaphore, #tpu.memory_space<semaphore_mem>>
      %dma_start3A_65 = arith.constant 0 : i32
      %dma_start3A_66 = arith.constant 0 : i32
      %dma_start3A_67 = tpu.memref_slice %arg3[%add3A, %dma_start3A_65, %dma_start3A_66] : memref<32x125x80xi32, #tpu.memory_space<hbm>> -> memref<1x125x80xi32, #tpu.memory_space<hbm>>
      %dma_start3A_68 = tpu.memref_squeeze %dma_start3A_67 : memref<1x125x80xi32, #tpu.memory_space<hbm>> -> memref<125x80xi32, #tpu.memory_space<hbm>>
      %dma_start3A_69 = arith.constant 0 : i32
      %dma_start3A_70 = arith.constant 0 : i32
      %dma_start3A_71 = tpu.memref_slice %arg3[%add3A, %dma_start3A_69, %dma_start3A_70] : memref<32x125x80xi32, #tpu.memory_space<hbm>> -> memref<1x125x80xi32, #tpu.memory_space<hbm>>
      %dma_start3A_72 = tpu.memref_squeeze %dma_start3A_71 : memref<1x125x80xi32, #tpu.memory_space<hbm>> -> memref<125x80xi32, #tpu.memory_space<hbm>>
      tpu.enqueue_dma source(%dma_start3A_72 : memref<125x80xi32, #tpu.memory_space<hbm>>) target(%arg6 : memref<125x80xi32, #tpu.memory_space<vmem>>) target_semaphore(%run_scoped3A_64 : memref<!tpu.dma_semaphore, #tpu.memory_space<semaphore_mem>>)
      %dma_wait3A_73 = arith.constant 0 : i32
      %dma_wait3A_74 = arith.constant 0 : i32
      %dma_wait3A_75 = tpu.memref_slice %arg3[%add3A, %dma_wait3A_73, %dma_wait3A_74] : memref<32x125x80xi32, #tpu.memory_space<hbm>> -> memref<1x125x80xi32, #tpu.memory_space<hbm>>
      %dma_wait3A_76 = tpu.memref_squeeze %dma_wait3A_75 : memref<1x125x80xi32, #tpu.memory_space<hbm>> -> memref<125x80xi32, #tpu.memory_space<hbm>>
      %dma_wait3A_77 = arith.constant 0 : i32
      %dma_wait3A_78 = arith.constant 0 : i32
      %dma_wait3A_79 = tpu.memref_slice %arg3[%add3A, %dma_wait3A_77, %dma_wait3A_78] : memref<32x125x80xi32, #tpu.memory_space<hbm>> -> memref<1x125x80xi32, #tpu.memory_space<hbm>>
      %dma_wait3A_80 = tpu.memref_squeeze %dma_wait3A_79 : memref<1x125x80xi32, #tpu.memory_space<hbm>> -> memref<125x80xi32, #tpu.memory_space<hbm>>
      tpu.wait_dma2 semaphore(%run_scoped3A_64 : memref<!tpu.dma_semaphore, #tpu.memory_space<semaphore_mem>>) src(%dma_wait3A_80 : memref<125x80xi32, #tpu.memory_space<hbm>>) dst(%arg6 : memref<125x80xi32, #tpu.memory_space<vmem>>)
      tpu.yield
    }) : () -> ()
    "tpu.region"() ({
      %run_scoped3A_64 = tpu.sem_alloc : memref<!tpu.dma_semaphore, #tpu.memory_space<semaphore_mem>>
      %dma_start3A_65 = arith.constant 0 : i32
      %dma_start3A_66 = arith.constant 0 : i32
      %dma_start3A_67 = tpu.memref_slice %arg4[%add3A, %dma_start3A_65, %dma_start3A_66] : memref<32x125x80xi32, #tpu.memory_space<hbm>> -> memref<1x125x80xi32, #tpu.memory_space<hbm>>
      %dma_start3A_68 = tpu.memref_squeeze %dma_start3A_67 : memref<1x125x80xi32, #tpu.memory_space<hbm>> -> memref<125x80xi32, #tpu.memory_space<hbm>>
      %dma_start3A_69 = arith.constant 0 : i32
      %dma_start3A_70 = arith.constant 0 : i32
      %dma_start3A_71 = tpu.memref_slice %arg4[%add3A, %dma_start3A_69, %dma_start3A_70] : memref<32x125x80xi32, #tpu.memory_space<hbm>> -> memref<1x125x80xi32, #tpu.memory_space<hbm>>
      %dma_start3A_72 = tpu.memref_squeeze %dma_start3A_71 : memref<1x125x80xi32, #tpu.memory_space<hbm>> -> memref<125x80xi32, #tpu.memory_space<hbm>>
      tpu.enqueue_dma source(%dma_start3A_72 : memref<125x80xi32, #tpu.memory_space<hbm>>) target(%arg7 : memref<125x80xi32, #tpu.memory_space<vmem>>) target_semaphore(%run_scoped3A_64 : memref<!tpu.dma_semaphore, #tpu.memory_space<semaphore_mem>>)
      %dma_wait3A_73 = arith.constant 0 : i32
      %dma_wait3A_74 = arith.constant 0 : i32
      %dma_wait3A_75 = tpu.memref_slice %arg4[%add3A, %dma_wait3A_73, %dma_wait3A_74] : memref<32x125x80xi32, #tpu.memory_space<hbm>> -> memref<1x125x80xi32, #tpu.memory_space<hbm>>
      %dma_wait3A_76 = tpu.memref_squeeze %dma_wait3A_75 : memref<1x125x80xi32, #tpu.memory_space<hbm>> -> memref<125x80xi32, #tpu.memory_space<hbm>>
      %dma_wait3A_77 = arith.constant 0 : i32
      %dma_wait3A_78 = arith.constant 0 : i32
      %dma_wait3A_79 = tpu.memref_slice %arg4[%add3A, %dma_wait3A_77, %dma_wait3A_78] : memref<32x125x80xi32, #tpu.memory_space<hbm>> -> memref<1x125x80xi32, #tpu.memory_space<hbm>>
      %dma_wait3A_80 = tpu.memref_squeeze %dma_wait3A_79 : memref<1x125x80xi32, #tpu.memory_space<hbm>> -> memref<125x80xi32, #tpu.memory_space<hbm>>
      tpu.wait_dma2 semaphore(%run_scoped3A_64 : memref<!tpu.dma_semaphore, #tpu.memory_space<semaphore_mem>>) src(%dma_wait3A_80 : memref<125x80xi32, #tpu.memory_space<hbm>>) dst(%arg7 : memref<125x80xi32, #tpu.memory_space<vmem>>)
      tpu.yield
    }) : () -> ()
    %scan3A = arith.constant 0 : i32
    %scan3A_1 = arith.constant 0 : i32
    %scan3A_2 = arith.constant 128 : i32
    %scan3A_3 = arith.addi %scan3A_1, %scan3A_2 : i32
    %scan3A_4 = arith.constant 1 : i32
    scf.for %scan3A_64 = %scan3A_1 to %scan3A_3 step %scan3A_4  : i32 {
      %broadcast_in_dim3A = arith.constant 0.000000e+00 : f32
      %broadcast_in_dim3A_65 = vector.broadcast %broadcast_in_dim3A : f32 to vector<16xf32>
      %swap3A = arith.index_cast %scan3A_64 : i32 to index
      %swap3A_66 = arith.constant 0 : index
      %swap3A_67 = tpu.vector_load %arg10[%swap3A, %swap3A_66] {strides = array<i32>} : memref<128x64xf32, #tpu.memory_space<vmem>>, vector<1x16xf32>,
      %swap3A_68 = vector.shape_cast %swap3A_67 : vector<1x16xf32> to vector<16xf32>
      %swap3A_69 = vector.shape_cast %broadcast_in_dim3A_65 : vector<16xf32> to vector<1x16xf32>
      tpu.vector_store %arg10[%swap3A, %swap3A_66], %swap3A_69 {strides = array<i32>} : memref<128x64xf32, #tpu.memory_space<vmem>>, vector<1x16xf32>,
      %broadcast_in_dim3A_70 = arith.constant 0.000000e+00 : f32
      %broadcast_in_dim3A_71 = vector.broadcast %broadcast_in_dim3A_70 : f32 to vector<16xf32>
      %swap3A_72 = arith.index_cast %scan3A_64 : i32 to index
      %swap3A_73 = arith.constant 16 : index
      %swap3A_74 = tpu.vector_load %arg10[%swap3A_72, %swap3A_73] {strides = array<i32>} : memref<128x64xf32, #tpu.memory_space<vmem>>, vector<1x16xf32>,
      %swap3A_75 = vector.shape_cast %swap3A_74 : vector<1x16xf32> to vector<16xf32>
      %swap3A_76 = vector.shape_cast %broadcast_in_dim3A_71 : vector<16xf32> to vector<1x16xf32>
      tpu.vector_store %arg10[%swap3A_72, %swap3A_73], %swap3A_76 {strides = array<i32>} : memref<128x64xf32, #tpu.memory_space<vmem>>, vector<1x16xf32>,
      %broadcast_in_dim3A_77 = arith.constant 0.000000e+00 : f32
      %broadcast_in_dim3A_78 = vector.broadcast %broadcast_in_dim3A_77 : f32 to vector<16xf32>
      %swap3A_79 = arith.index_cast %scan3A_64 : i32 to index
      %swap3A_80 = arith.constant 32 : index
      %swap3A_81 = tpu.vector_load %arg10[%swap3A_79, %swap3A_80] {strides = array<i32>} : memref<128x64xf32, #tpu.memory_space<vmem>>, vector<1x16xf32>,
      %swap3A_82 = vector.shape_cast %swap3A_81 : vector<1x16xf32> to vector<16xf32>
      %swap3A_83 = vector.shape_cast %broadcast_in_dim3A_78 : vector<16xf32> to vector<1x16xf32>
      tpu.vector_store %arg10[%swap3A_79, %swap3A_80], %swap3A_83 {strides = array<i32>} : memref<128x64xf32, #tpu.memory_space<vmem>>, vector<1x16xf32>,
      %broadcast_in_dim3A_84 = arith.constant 0.000000e+00 : f32
      %broadcast_in_dim3A_85 = vector.broadcast %broadcast_in_dim3A_84 : f32 to vector<16xf32>
      %swap3A_86 = arith.index_cast %scan3A_64 : i32 to index
      %swap3A_87 = arith.constant 48 : index
      %swap3A_88 = tpu.vector_load %arg10[%swap3A_86, %swap3A_87] {strides = array<i32>} : memref<128x64xf32, #tpu.memory_space<vmem>>, vector<1x16xf32>,
      %swap3A_89 = vector.shape_cast %swap3A_88 : vector<1x16xf32> to vector<16xf32>
      %swap3A_90 = vector.shape_cast %broadcast_in_dim3A_85 : vector<16xf32> to vector<1x16xf32>
      tpu.vector_store %arg10[%swap3A_86, %swap3A_87], %swap3A_90 {strides = array<i32>} : memref<128x64xf32, #tpu.memory_space<vmem>>, vector<1x16xf32>,
    }
    %scan3A_5 = arith.constant 128 : i32
    %mul3A_6 = arith.constant 640 : i32
    %mul3A_7 = arith.muli %arg1, %mul3A_6 : i32
    %add3A_8 = arith.constant 0 : i32
    %add3A_9 = arith.addi %mul3A_7, %add3A_8 : i32
    "tpu.region"() ({
      %run_scoped3A_64 = tpu.sem_alloc : memref<!tpu.dma_semaphore, #tpu.memory_space<semaphore_mem>>
      %dma_start3A_65 = arith.constant 0 : i32
      %dma_start3A_66 = tpu.memref_slice %arg11[%add3A_9, %dma_start3A_65] : memref<10240x64xf32, #tpu.memory_space<vmem_shared>> -> memref<128x64xf32, #tpu.memory_space<vmem_shared>>
      %dma_start3A_67 = arith.constant 0 : i32
      %dma_start3A_68 = tpu.memref_slice %arg11[%add3A_9, %dma_start3A_67] : memref<10240x64xf32, #tpu.memory_space<vmem_shared>> -> memref<128x64xf32, #tpu.memory_space<vmem_shared>>
      tpu.enqueue_dma source(%arg10 : memref<128x64xf32, #tpu.memory_space<vmem>>) target(%dma_start3A_68 : memref<128x64xf32, #tpu.memory_space<vmem_shared>>) target_semaphore(%run_scoped3A_64 : memref<!tpu.dma_semaphore, #tpu.memory_space<semaphore_mem>>)
      %dma_wait3A_69 = arith.constant 0 : i32
      %dma_wait3A_70 = tpu.memref_slice %arg11[%add3A_9, %dma_wait3A_69] : memref<10240x64xf32, #tpu.memory_space<vmem_shared>> -> memref<128x64xf32, #tpu.memory_space<vmem_shared>>
      %dma_wait3A_71 = arith.constant 0 : i32
      %dma_wait3A_72 = tpu.memref_slice %arg11[%add3A_9, %dma_wait3A_71] : memref<10240x64xf32, #tpu.memory_space<vmem_shared>> -> memref<128x64xf32, #tpu.memory_space<vmem_shared>>
      tpu.wait_dma2 semaphore(%run_scoped3A_64 : memref<!tpu.dma_semaphore, #tpu.memory_space<semaphore_mem>>) src(%arg10 : memref<128x64xf32, #tpu.memory_space<vmem>>) dst(%dma_wait3A_72 : memref<128x64xf32, #tpu.memory_space<vmem_shared>>)
      tpu.yield
    }) : () -> ()
    %mul3A_10 = arith.constant 640 : i32
    %mul3A_11 = arith.muli %arg1, %mul3A_10 : i32
    %add3A_12 = arith.constant 128 : i32
    %add3A_13 = arith.addi %mul3A_11, %add3A_12 : i32
    "tpu.region"() ({
      %run_scoped3A_64 = tpu.sem_alloc : memref<!tpu.dma_semaphore, #tpu.memory_space<semaphore_mem>>
      %dma_start3A_65 = arith.constant 0 : i32
      %dma_start3A_66 = tpu.memref_slice %arg11[%add3A_13, %dma_start3A_65] : memref<10240x64xf32, #tpu.memory_space<vmem_shared>> -> memref<128x64xf32, #tpu.memory_space<vmem_shared>>
      %dma_start3A_67 = arith.constant 0 : i32
      %dma_start3A_68 = tpu.memref_slice %arg11[%add3A_13, %dma_start3A_67] : memref<10240x64xf32, #tpu.memory_space<vmem_shared>> -> memref<128x64xf32, #tpu.memory_space<vmem_shared>>
      tpu.enqueue_dma source(%arg10 : memref<128x64xf32, #tpu.memory_space<vmem>>) target(%dma_start3A_68 : memref<128x64xf32, #tpu.memory_space<vmem_shared>>) target_semaphore(%run_scoped3A_64 : memref<!tpu.dma_semaphore, #tpu.memory_space<semaphore_mem>>)
      %dma_wait3A_69 = arith.constant 0 : i32
      %dma_wait3A_70 = tpu.memref_slice %arg11[%add3A_13, %dma_wait3A_69] : memref<10240x64xf32, #tpu.memory_space<vmem_shared>> -> memref<128x64xf32, #tpu.memory_space<vmem_shared>>
      %dma_wait3A_71 = arith.constant 0 : i32
      %dma_wait3A_72 = tpu.memref_slice %arg11[%add3A_13, %dma_wait3A_71] : memref<10240x64xf32, #tpu.memory_space<vmem_shared>> -> memref<128x64xf32, #tpu.memory_space<vmem_shared>>
      tpu.wait_dma2 semaphore(%run_scoped3A_64 : memref<!tpu.dma_semaphore, #tpu.memory_space<semaphore_mem>>) src(%arg10 : memref<128x64xf32, #tpu.memory_space<vmem>>) dst(%dma_wait3A_72 : memref<128x64xf32, #tpu.memory_space<vmem_shared>>)
      tpu.yield
    }) : () -> ()
    %mul3A_14 = arith.constant 640 : i32
    %mul3A_15 = arith.muli %arg1, %mul3A_14 : i32
    %add3A_16 = arith.constant 256 : i32
    %add3A_17 = arith.addi %mul3A_15, %add3A_16 : i32
    "tpu.region"() ({
      %run_scoped3A_64 = tpu.sem_alloc : memref<!tpu.dma_semaphore, #tpu.memory_space<semaphore_mem>>
      %dma_start3A_65 = arith.constant 0 : i32
      %dma_start3A_66 = tpu.memref_slice %arg11[%add3A_17, %dma_start3A_65] : memref<10240x64xf32, #tpu.memory_space<vmem_shared>> -> memref<128x64xf32, #tpu.memory_space<vmem_shared>>
      %dma_start3A_67 = arith.constant 0 : i32
      %dma_start3A_68 = tpu.memref_slice %arg11[%add3A_17, %dma_start3A_67] : memref<10240x64xf32, #tpu.memory_space<vmem_shared>> -> memref<128x64xf32, #tpu.memory_space<vmem_shared>>
      tpu.enqueue_dma source(%arg10 : memref<128x64xf32, #tpu.memory_space<vmem>>) target(%dma_start3A_68 : memref<128x64xf32, #tpu.memory_space<vmem_shared>>) target_semaphore(%run_scoped3A_64 : memref<!tpu.dma_semaphore, #tpu.memory_space<semaphore_mem>>)
      %dma_wait3A_69 = arith.constant 0 : i32
      %dma_wait3A_70 = tpu.memref_slice %arg11[%add3A_17, %dma_wait3A_69] : memref<10240x64xf32, #tpu.memory_space<vmem_shared>> -> memref<128x64xf32, #tpu.memory_space<vmem_shared>>
      %dma_wait3A_71 = arith.constant 0 : i32
      %dma_wait3A_72 = tpu.memref_slice %arg11[%add3A_17, %dma_wait3A_71] : memref<10240x64xf32, #tpu.memory_space<vmem_shared>> -> memref<128x64xf32, #tpu.memory_space<vmem_shared>>
      tpu.wait_dma2 semaphore(%run_scoped3A_64 : memref<!tpu.dma_semaphore, #tpu.memory_space<semaphore_mem>>) src(%arg10 : memref<128x64xf32, #tpu.memory_space<vmem>>) dst(%dma_wait3A_72 : memref<128x64xf32, #tpu.memory_space<vmem_shared>>)
      tpu.yield
    }) : () -> ()
    %mul3A_18 = arith.constant 640 : i32
    %mul3A_19 = arith.muli %arg1, %mul3A_18 : i32
    %add3A_20 = arith.constant 384 : i32
    %add3A_21 = arith.addi %mul3A_19, %add3A_20 : i32
    "tpu.region"() ({
      %run_scoped3A_64 = tpu.sem_alloc : memref<!tpu.dma_semaphore, #tpu.memory_space<semaphore_mem>>
      %dma_start3A_65 = arith.constant 0 : i32
      %dma_start3A_66 = tpu.memref_slice %arg11[%add3A_21, %dma_start3A_65] : memref<10240x64xf32, #tpu.memory_space<vmem_shared>> -> memref<128x64xf32, #tpu.memory_space<vmem_shared>>
      %dma_start3A_67 = arith.constant 0 : i32
      %dma_start3A_68 = tpu.memref_slice %arg11[%add3A_21, %dma_start3A_67] : memref<10240x64xf32, #tpu.memory_space<vmem_shared>> -> memref<128x64xf32, #tpu.memory_space<vmem_shared>>
      tpu.enqueue_dma source(%arg10 : memref<128x64xf32, #tpu.memory_space<vmem>>) target(%dma_start3A_68 : memref<128x64xf32, #tpu.memory_space<vmem_shared>>) target_semaphore(%run_scoped3A_64 : memref<!tpu.dma_semaphore, #tpu.memory_space<semaphore_mem>>)
      %dma_wait3A_69 = arith.constant 0 : i32
      %dma_wait3A_70 = tpu.memref_slice %arg11[%add3A_21, %dma_wait3A_69] : memref<10240x64xf32, #tpu.memory_space<vmem_shared>> -> memref<128x64xf32, #tpu.memory_space<vmem_shared>>
      %dma_wait3A_71 = arith.constant 0 : i32
      %dma_wait3A_72 = tpu.memref_slice %arg11[%add3A_21, %dma_wait3A_71] : memref<10240x64xf32, #tpu.memory_space<vmem_shared>> -> memref<128x64xf32, #tpu.memory_space<vmem_shared>>
      tpu.wait_dma2 semaphore(%run_scoped3A_64 : memref<!tpu.dma_semaphore, #tpu.memory_space<semaphore_mem>>) src(%arg10 : memref<128x64xf32, #tpu.memory_space<vmem>>) dst(%dma_wait3A_72 : memref<128x64xf32, #tpu.memory_space<vmem_shared>>)
      tpu.yield
    }) : () -> ()
    %mul3A_22 = arith.constant 640 : i32
    %mul3A_23 = arith.muli %arg1, %mul3A_22 : i32
    %add3A_24 = arith.constant 512 : i32
    %add3A_25 = arith.addi %mul3A_23, %add3A_24 : i32
    "tpu.region"() ({
      %run_scoped3A_64 = tpu.sem_alloc : memref<!tpu.dma_semaphore, #tpu.memory_space<semaphore_mem>>
      %dma_start3A_65 = arith.constant 0 : i32
      %dma_start3A_66 = tpu.memref_slice %arg11[%add3A_25, %dma_start3A_65] : memref<10240x64xf32, #tpu.memory_space<vmem_shared>> -> memref<128x64xf32, #tpu.memory_space<vmem_shared>>
      %dma_start3A_67 = arith.constant 0 : i32
      %dma_start3A_68 = tpu.memref_slice %arg11[%add3A_25, %dma_start3A_67] : memref<10240x64xf32, #tpu.memory_space<vmem_shared>> -> memref<128x64xf32, #tpu.memory_space<vmem_shared>>
      tpu.enqueue_dma source(%arg10 : memref<128x64xf32, #tpu.memory_space<vmem>>) target(%dma_start3A_68 : memref<128x64xf32, #tpu.memory_space<vmem_shared>>) target_semaphore(%run_scoped3A_64 : memref<!tpu.dma_semaphore, #tpu.memory_space<semaphore_mem>>)
      %dma_wait3A_69 = arith.constant 0 : i32
      %dma_wait3A_70 = tpu.memref_slice %arg11[%add3A_25, %dma_wait3A_69] : memref<10240x64xf32, #tpu.memory_space<vmem_shared>> -> memref<128x64xf32, #tpu.memory_space<vmem_shared>>
      %dma_wait3A_71 = arith.constant 0 : i32
      %dma_wait3A_72 = tpu.memref_slice %arg11[%add3A_25, %dma_wait3A_71] : memref<10240x64xf32, #tpu.memory_space<vmem_shared>> -> memref<128x64xf32, #tpu.memory_space<vmem_shared>>
      tpu.wait_dma2 semaphore(%run_scoped3A_64 : memref<!tpu.dma_semaphore, #tpu.memory_space<semaphore_mem>>) src(%arg10 : memref<128x64xf32, #tpu.memory_space<vmem>>) dst(%dma_wait3A_72 : memref<128x64xf32, #tpu.memory_space<vmem_shared>>)
      tpu.yield
    }) : () -> ()
    %barrier3A = arith.constant 0 : index
    tpu.barrier barrier_id(%barrier3A)
    %dma_start3A = arith.constant 0 : i32
    %dma_start3A_26 = arith.constant 0 : i32
    %dma_start3A_27 = tpu.memref_slice %arg6[%dma_start3A, %dma_start3A_26] : memref<125x80xi32, #tpu.memory_space<vmem>> -> memref<1x80xi32, #tpu.memory_space<vmem>>
    %dma_start3A_28 = tpu.memref_squeeze %dma_start3A_27 : memref<1x80xi32, #tpu.memory_space<vmem>> -> memref<80xi32, #tpu.memory_space<vmem>>
    %dma_start3A_29 = arith.constant 0 : i32
    %dma_start3A_30 = arith.constant 0 : i32
    %dma_start3A_31 = tpu.memref_slice %arg2[%dma_start3A_29, %dma_start3A_30] : memref<10240x64xf32, #tpu.memory_space<hbm>> -> memref<10240x64xf32, #tpu.memory_space<hbm>>
    tpu.enqueue_indirect_dma source(%dma_start3A_31 : memref<10240x64xf32, #tpu.memory_space<hbm>>) target(%arg8 : memref<80x64xf32, #tpu.memory_space<vmem>>) offsets(%dma_start3A_28 : memref<80xi32, #tpu.memory_space<vmem>>) semaphore(%arg12 : memref<!tpu.dma_semaphore, #tpu.memory_space<semaphore_mem>>)
    %scan3A_32 = arith.constant 0 : i32
    %scan3A_33 = arith.constant 0 : i32
    %scan3A_34 = arith.constant 62 : i32
    %scan3A_35 = arith.addi %scan3A_33, %scan3A_34 : i32
    %scan3A_36 = arith.constant 1 : i32
    scf.for %scan3A_64 = %scan3A_33 to %scan3A_35 step %scan3A_36  : i32 {
      %mul3A_65 = arith.constant 2 : i32
      %mul3A_66 = arith.muli %mul3A_65, %scan3A_64 : i32
      %add3A_67 = arith.constant 0 : i32
      %add3A_68 = arith.addi %mul3A_66, %add3A_67 : i32
      %dma_wait3A_69 = arith.constant 0 : i32
      %dma_wait3A_70 = arith.constant 0 : i32
      %dma_wait3A_71 = tpu.memref_slice %arg2[%dma_wait3A_69, %dma_wait3A_70] : memref<10240x64xf32, #tpu.memory_space<hbm>> -> memref<80x64xf32, #tpu.memory_space<hbm>>
      %dma_wait3A_72 = arith.constant 0 : i32
      %dma_wait3A_73 = arith.constant 0 : i32
      %dma_wait3A_74 = tpu.memref_slice %arg2[%dma_wait3A_72, %dma_wait3A_73] : memref<10240x64xf32, #tpu.memory_space<hbm>> -> memref<80x64xf32, #tpu.memory_space<hbm>>
      tpu.wait_dma2 semaphore(%arg12 : memref<!tpu.dma_semaphore, #tpu.memory_space<semaphore_mem>>) src(%dma_wait3A_74 : memref<80x64xf32, #tpu.memory_space<hbm>>) dst(%arg8 : memref<80x64xf32, #tpu.memory_space<vmem>>)
      %add3A_75 = arith.constant 1 : i32
      %add3A_76 = arith.addi %add3A_68, %add3A_75 : i32
      %dma_start3A_77 = arith.constant 0 : i32
      %dma_start3A_78 = tpu.memref_slice %arg6[%add3A_76, %dma_start3A_77] : memref<125x80xi32, #tpu.memory_space<vmem>> -> memref<1x80xi32, #tpu.memory_space<vmem>>
      %dma_start3A_79 = tpu.memref_squeeze %dma_start3A_78 : memref<1x80xi32, #tpu.memory_space<vmem>> -> memref<80xi32, #tpu.memory_space<vmem>>
      %dma_start3A_80 = arith.constant 0 : i32
      %dma_start3A_81 = arith.constant 0 : i32
      %dma_start3A_82 = tpu.memref_slice %arg2[%dma_start3A_80, %dma_start3A_81] : memref<10240x64xf32, #tpu.memory_space<hbm>> -> memref<10240x64xf32, #tpu.memory_space<hbm>>
      tpu.enqueue_indirect_dma source(%dma_start3A_82 : memref<10240x64xf32, #tpu.memory_space<hbm>>) target(%arg9 : memref<80x64xf32, #tpu.memory_space<vmem>>) offsets(%dma_start3A_79 : memref<80xi32, #tpu.memory_space<vmem>>) semaphore(%arg13 : memref<!tpu.dma_semaphore, #tpu.memory_space<semaphore_mem>>)
      "tpu.region"() ({
        %run_scoped3A_101 = tpu.sem_alloc : memref<!tpu.dma_semaphore, #tpu.memory_space<semaphore_mem>>
        %dma_start3A_102 = arith.constant 0 : i32
        %dma_start3A_103 = tpu.memref_slice %arg7[%add3A_68, %dma_start3A_102] : memref<125x80xi32, #tpu.memory_space<vmem>> -> memref<1x80xi32, #tpu.memory_space<vmem>>
        %dma_start3A_104 = tpu.memref_squeeze %dma_start3A_103 : memref<1x80xi32, #tpu.memory_space<vmem>> -> memref<80xi32, #tpu.memory_space<vmem>>
        %dma_start3A_105 = arith.constant 0 : i32
        %dma_start3A_106 = arith.constant 0 : i32
        %dma_start3A_107 = tpu.memref_slice %arg11[%dma_start3A_105, %dma_start3A_106] : memref<10240x64xf32, #tpu.memory_space<vmem_shared>> -> memref<10240x64xf32, #tpu.memory_space<vmem_shared>>
        tpu.enqueue_indirect_dma source(%arg8 : memref<80x64xf32, #tpu.memory_space<vmem>>) target(%dma_start3A_107 : memref<10240x64xf32, #tpu.memory_space<vmem_shared>>) offsets(%dma_start3A_104 : memref<80xi32, #tpu.memory_space<vmem>>) semaphore(%run_scoped3A_101 : memref<!tpu.dma_semaphore, #tpu.memory_space<semaphore_mem>>) {add = true}
        %dma_wait3A_108 = arith.constant 0 : i32
        %dma_wait3A_109 = tpu.memref_slice %arg7[%add3A_68, %dma_wait3A_108] : memref<125x80xi32, #tpu.memory_space<vmem>> -> memref<1x80xi32, #tpu.memory_space<vmem>>
        %dma_wait3A_110 = tpu.memref_squeeze %dma_wait3A_109 : memref<1x80xi32, #tpu.memory_space<vmem>> -> memref<80xi32, #tpu.memory_space<vmem>>
        %dma_wait3A_111 = arith.constant 0 : i32
        %dma_wait3A_112 = arith.constant 0 : i32
        %dma_wait3A_113 = tpu.memref_slice %arg11[%dma_wait3A_111, %dma_wait3A_112] : memref<10240x64xf32, #tpu.memory_space<vmem_shared>> -> memref<10240x64xf32, #tpu.memory_space<vmem_shared>>
        tpu.wait_indirect_dma semaphore(%run_scoped3A_101 : memref<!tpu.dma_semaphore, #tpu.memory_space<semaphore_mem>>) src(%arg8 : memref<80x64xf32, #tpu.memory_space<vmem>>) dst(%dma_wait3A_113 : memref<10240x64xf32, #tpu.memory_space<vmem_shared>>)
        tpu.yield
      }) : () -> ()
      %mul3A_83 = arith.constant 2 : i32
      %mul3A_84 = arith.muli %mul3A_83, %scan3A_64 : i32
      %add3A_85 = arith.constant 1 : i32
      %add3A_86 = arith.addi %mul3A_84, %add3A_85 : i32
      %dma_wait3A_87 = arith.constant 0 : i32
      %dma_wait3A_88 = arith.constant 0 : i32
      %dma_wait3A_89 = tpu.memref_slice %arg2[%dma_wait3A_87, %dma_wait3A_88] : memref<10240x64xf32, #tpu.memory_space<hbm>> -> memref<80x64xf32, #tpu.memory_space<hbm>>
      %dma_wait3A_90 = arith.constant 0 : i32
      %dma_wait3A_91 = arith.constant 0 : i32
      %dma_wait3A_92 = tpu.memref_slice %arg2[%dma_wait3A_90, %dma_wait3A_91] : memref<10240x64xf32, #tpu.memory_space<hbm>> -> memref<80x64xf32, #tpu.memory_space<hbm>>
      tpu.wait_dma2 semaphore(%arg13 : memref<!tpu.dma_semaphore, #tpu.memory_space<semaphore_mem>>) src(%dma_wait3A_92 : memref<80x64xf32, #tpu.memory_space<hbm>>) dst(%arg9 : memref<80x64xf32, #tpu.memory_space<vmem>>)
      %add3A_93 = arith.constant 1 : i32
      %add3A_94 = arith.addi %add3A_86, %add3A_93 : i32
      %dma_start3A_95 = arith.constant 0 : i32
      %dma_start3A_96 = tpu.memref_slice %arg6[%add3A_94, %dma_start3A_95] : memref<125x80xi32, #tpu.memory_space<vmem>> -> memref<1x80xi32, #tpu.memory_space<vmem>>
      %dma_start3A_97 = tpu.memref_squeeze %dma_start3A_96 : memref<1x80xi32, #tpu.memory_space<vmem>> -> memref<80xi32, #tpu.memory_space<vmem>>
      %dma_start3A_98 = arith.constant 0 : i32
      %dma_start3A_99 = arith.constant 0 : i32
      %dma_start3A_100 = tpu.memref_slice %arg2[%dma_start3A_98, %dma_start3A_99] : memref<10240x64xf32, #tpu.memory_space<hbm>> -> memref<10240x64xf32, #tpu.memory_space<hbm>>
      tpu.enqueue_indirect_dma source(%dma_start3A_100 : memref<10240x64xf32, #tpu.memory_space<hbm>>) target(%arg8 : memref<80x64xf32, #tpu.memory_space<vmem>>) offsets(%dma_start3A_97 : memref<80xi32, #tpu.memory_space<vmem>>) semaphore(%arg12 : memref<!tpu.dma_semaphore, #tpu.memory_space<semaphore_mem>>)
      "tpu.region"() ({
        %run_scoped3A_101 = tpu.sem_alloc : memref<!tpu.dma_semaphore, #tpu.memory_space<semaphore_mem>>
        %dma_start3A_102 = arith.constant 0 : i32
        %dma_start3A_103 = tpu.memref_slice %arg7[%add3A_86, %dma_start3A_102] : memref<125x80xi32, #tpu.memory_space<vmem>> -> memref<1x80xi32, #tpu.memory_space<vmem>>
        %dma_start3A_104 = tpu.memref_squeeze %dma_start3A_103 : memref<1x80xi32, #tpu.memory_space<vmem>> -> memref<80xi32, #tpu.memory_space<vmem>>
        %dma_start3A_105 = arith.constant 0 : i32
        %dma_start3A_106 = arith.constant 0 : i32
        %dma_start3A_107 = tpu.memref_slice %arg11[%dma_start3A_105, %dma_start3A_106] : memref<10240x64xf32, #tpu.memory_space<vmem_shared>> -> memref<10240x64xf32, #tpu.memory_space<vmem_shared>>
        tpu.enqueue_indirect_dma source(%arg9 : memref<80x64xf32, #tpu.memory_space<vmem>>) target(%dma_start3A_107 : memref<10240x64xf32, #tpu.memory_space<vmem_shared>>) offsets(%dma_start3A_104 : memref<80xi32, #tpu.memory_space<vmem>>) semaphore(%run_scoped3A_101 : memref<!tpu.dma_semaphore, #tpu.memory_space<semaphore_mem>>) {add = true}
        %dma_wait3A_108 = arith.constant 0 : i32
        %dma_wait3A_109 = tpu.memref_slice %arg7[%add3A_86, %dma_wait3A_108] : memref<125x80xi32, #tpu.memory_space<vmem>> -> memref<1x80xi32, #tpu.memory_space<vmem>>
        %dma_wait3A_110 = tpu.memref_squeeze %dma_wait3A_109 : memref<1x80xi32, #tpu.memory_space<vmem>> -> memref<80xi32, #tpu.memory_space<vmem>>
        %dma_wait3A_111 = arith.constant 0 : i32
        %dma_wait3A_112 = arith.constant 0 : i32
        %dma_wait3A_113 = tpu.memref_slice %arg11[%dma_wait3A_111, %dma_wait3A_112] : memref<10240x64xf32, #tpu.memory_space<vmem_shared>> -> memref<10240x64xf32, #tpu.memory_space<vmem_shared>>
        tpu.wait_indirect_dma semaphore(%run_scoped3A_101 : memref<!tpu.dma_semaphore, #tpu.memory_space<semaphore_mem>>) src(%arg9 : memref<80x64xf32, #tpu.memory_space<vmem>>) dst(%dma_wait3A_113 : memref<10240x64xf32, #tpu.memory_space<vmem_shared>>)
        tpu.yield
      }) : () -> ()
    }
    %scan3A_37 = arith.constant 62 : i32
    %dma_wait3A = arith.constant 0 : i32
    %dma_wait3A_38 = arith.constant 0 : i32
    %dma_wait3A_39 = tpu.memref_slice %arg2[%dma_wait3A, %dma_wait3A_38] : memref<10240x64xf32, #tpu.memory_space<hbm>> -> memref<80x64xf32, #tpu.memory_space<hbm>>
    %dma_wait3A_40 = arith.constant 0 : i32
    %dma_wait3A_41 = arith.constant 0 : i32
    %dma_wait3A_42 = tpu.memref_slice %arg2[%dma_wait3A_40, %dma_wait3A_41] : memref<10240x64xf32, #tpu.memory_space<hbm>> -> memref<80x64xf32, #tpu.memory_space<hbm>>
    tpu.wait_dma2 semaphore(%arg12 : memref<!tpu.dma_semaphore, #tpu.memory_space<semaphore_mem>>) src(%dma_wait3A_42 : memref<80x64xf32, #tpu.memory_space<hbm>>) dst(%arg8 : memref<80x64xf32, #tpu.memory_space<vmem>>)
    %run_scoped3A = arith.constant 124 : i32
    "tpu.region"() ({
      %run_scoped3A_64 = tpu.sem_alloc : memref<!tpu.dma_semaphore, #tpu.memory_space<semaphore_mem>>
      %dma_start3A_65 = arith.constant 0 : i32
      %dma_start3A_66 = tpu.memref_slice %arg7[%run_scoped3A, %dma_start3A_65] : memref<125x80xi32, #tpu.memory_space<vmem>> -> memref<1x80xi32, #tpu.memory_space<vmem>>
      %dma_start3A_67 = tpu.memref_squeeze %dma_start3A_66 : memref<1x80xi32, #tpu.memory_space<vmem>> -> memref<80xi32, #tpu.memory_space<vmem>>
      %dma_start3A_68 = arith.constant 0 : i32
      %dma_start3A_69 = arith.constant 0 : i32
      %dma_start3A_70 = tpu.memref_slice %arg11[%dma_start3A_68, %dma_start3A_69] : memref<10240x64xf32, #tpu.memory_space<vmem_shared>> -> memref<10240x64xf32, #tpu.memory_space<vmem_shared>>
      tpu.enqueue_indirect_dma source(%arg8 : memref<80x64xf32, #tpu.memory_space<vmem>>) target(%dma_start3A_70 : memref<10240x64xf32, #tpu.memory_space<vmem_shared>>) offsets(%dma_start3A_67 : memref<80xi32, #tpu.memory_space<vmem>>) semaphore(%run_scoped3A_64 : memref<!tpu.dma_semaphore, #tpu.memory_space<semaphore_mem>>) {add = true}
      %dma_wait3A_71 = arith.constant 0 : i32
      %dma_wait3A_72 = tpu.memref_slice %arg7[%run_scoped3A, %dma_wait3A_71] : memref<125x80xi32, #tpu.memory_space<vmem>> -> memref<1x80xi32, #tpu.memory_space<vmem>>
      %dma_wait3A_73 = tpu.memref_squeeze %dma_wait3A_72 : memref<1x80xi32, #tpu.memory_space<vmem>> -> memref<80xi32, #tpu.memory_space<vmem>>
      %dma_wait3A_74 = arith.constant 0 : i32
      %dma_wait3A_75 = arith.constant 0 : i32
      %dma_wait3A_76 = tpu.memref_slice %arg11[%dma_wait3A_74, %dma_wait3A_75] : memref<10240x64xf32, #tpu.memory_space<vmem_shared>> -> memref<10240x64xf32, #tpu.memory_space<vmem_shared>>
      tpu.wait_indirect_dma semaphore(%run_scoped3A_64 : memref<!tpu.dma_semaphore, #tpu.memory_space<semaphore_mem>>) src(%arg8 : memref<80x64xf32, #tpu.memory_space<vmem>>) dst(%dma_wait3A_76 : memref<10240x64xf32, #tpu.memory_space<vmem_shared>>)
      tpu.yield
    }) : () -> ()
    %barrier3A_43 = arith.constant 0 : index
    tpu.barrier barrier_id(%barrier3A_43)
    %mul3A_44 = arith.constant 640 : i32
    %mul3A_45 = arith.muli %arg1, %mul3A_44 : i32
    %add3A_46 = arith.constant 0 : i32
    %add3A_47 = arith.addi %mul3A_45, %add3A_46 : i32
    "tpu.region"() ({
      %run_scoped3A_64 = tpu.sem_alloc : memref<!tpu.dma_semaphore, #tpu.memory_space<semaphore_mem>>
      %dma_start3A_65 = arith.constant 0 : i32
      %dma_start3A_66 = tpu.memref_slice %arg5[%arg0, %add3A_47, %dma_start3A_65] : memref<2x10240x64xf32, #tpu.memory_space<hbm>> -> memref<1x128x64xf32, #tpu.memory_space<hbm>>
      %dma_start3A_67 = tpu.memref_squeeze %dma_start3A_66 : memref<1x128x64xf32, #tpu.memory_space<hbm>> -> memref<128x64xf32, #tpu.memory_space<hbm>>
      %dma_start3A_68 = arith.constant 0 : i32
      %dma_start3A_69 = tpu.memref_slice %arg11[%add3A_47, %dma_start3A_68] : memref<10240x64xf32, #tpu.memory_space<vmem_shared>> -> memref<128x64xf32, #tpu.memory_space<vmem_shared>>
      tpu.enqueue_dma source(%dma_start3A_69 : memref<128x64xf32, #tpu.memory_space<vmem_shared>>) target(%dma_start3A_67 : memref<128x64xf32, #tpu.memory_space<hbm>>) target_semaphore(%run_scoped3A_64 : memref<!tpu.dma_semaphore, #tpu.memory_space<semaphore_mem>>)
      %dma_wait3A_70 = arith.constant 0 : i32
      %dma_wait3A_71 = tpu.memref_slice %arg5[%arg0, %add3A_47, %dma_wait3A_70] : memref<2x10240x64xf32, #tpu.memory_space<hbm>> -> memref<1x128x64xf32, #tpu.memory_space<hbm>>
      %dma_wait3A_72 = tpu.memref_squeeze %dma_wait3A_71 : memref<1x128x64xf32, #tpu.memory_space<hbm>> -> memref<128x64xf32, #tpu.memory_space<hbm>>
      %dma_wait3A_73 = arith.constant 0 : i32
      %dma_wait3A_74 = tpu.memref_slice %arg11[%add3A_47, %dma_wait3A_73] : memref<10240x64xf32, #tpu.memory_space<vmem_shared>> -> memref<128x64xf32, #tpu.memory_space<vmem_shared>>
      tpu.wait_dma2 semaphore(%run_scoped3A_64 : memref<!tpu.dma_semaphore, #tpu.memory_space<semaphore_mem>>) src(%dma_wait3A_74 : memref<128x64xf32, #tpu.memory_space<vmem_shared>>) dst(%dma_wait3A_72 : memref<128x64xf32, #tpu.memory_space<hbm>>)
      tpu.yield
    }) : () -> ()
    %mul3A_48 = arith.constant 640 : i32
    %mul3A_49 = arith.muli %arg1, %mul3A_48 : i32
    %add3A_50 = arith.constant 128 : i32
    %add3A_51 = arith.addi %mul3A_49, %add3A_50 : i32
    "tpu.region"() ({
      %run_scoped3A_64 = tpu.sem_alloc : memref<!tpu.dma_semaphore, #tpu.memory_space<semaphore_mem>>
      %dma_start3A_65 = arith.constant 0 : i32
      %dma_start3A_66 = tpu.memref_slice %arg5[%arg0, %add3A_51, %dma_start3A_65] : memref<2x10240x64xf32, #tpu.memory_space<hbm>> -> memref<1x128x64xf32, #tpu.memory_space<hbm>>
      %dma_start3A_67 = tpu.memref_squeeze %dma_start3A_66 : memref<1x128x64xf32, #tpu.memory_space<hbm>> -> memref<128x64xf32, #tpu.memory_space<hbm>>
      %dma_start3A_68 = arith.constant 0 : i32
      %dma_start3A_69 = tpu.memref_slice %arg11[%add3A_51, %dma_start3A_68] : memref<10240x64xf32, #tpu.memory_space<vmem_shared>> -> memref<128x64xf32, #tpu.memory_space<vmem_shared>>
      tpu.enqueue_dma source(%dma_start3A_69 : memref<128x64xf32, #tpu.memory_space<vmem_shared>>) target(%dma_start3A_67 : memref<128x64xf32, #tpu.memory_space<hbm>>) target_semaphore(%run_scoped3A_64 : memref<!tpu.dma_semaphore, #tpu.memory_space<semaphore_mem>>)
      %dma_wait3A_70 = arith.constant 0 : i32
      %dma_wait3A_71 = tpu.memref_slice %arg5[%arg0, %add3A_51, %dma_wait3A_70] : memref<2x10240x64xf32, #tpu.memory_space<hbm>> -> memref<1x128x64xf32, #tpu.memory_space<hbm>>
      %dma_wait3A_72 = tpu.memref_squeeze %dma_wait3A_71 : memref<1x128x64xf32, #tpu.memory_space<hbm>> -> memref<128x64xf32, #tpu.memory_space<hbm>>
      %dma_wait3A_73 = arith.constant 0 : i32
      %dma_wait3A_74 = tpu.memref_slice %arg11[%add3A_51, %dma_wait3A_73] : memref<10240x64xf32, #tpu.memory_space<vmem_shared>> -> memref<128x64xf32, #tpu.memory_space<vmem_shared>>
      tpu.wait_dma2 semaphore(%run_scoped3A_64 : memref<!tpu.dma_semaphore, #tpu.memory_space<semaphore_mem>>) src(%dma_wait3A_74 : memref<128x64xf32, #tpu.memory_space<vmem_shared>>) dst(%dma_wait3A_72 : memref<128x64xf32, #tpu.memory_space<hbm>>)
      tpu.yield
    }) : () -> ()
    %mul3A_52 = arith.constant 640 : i32
    %mul3A_53 = arith.muli %arg1, %mul3A_52 : i32
    %add3A_54 = arith.constant 256 : i32
    %add3A_55 = arith.addi %mul3A_53, %add3A_54 : i32
    "tpu.region"() ({
      %run_scoped3A_64 = tpu.sem_alloc : memref<!tpu.dma_semaphore, #tpu.memory_space<semaphore_mem>>
      %dma_start3A_65 = arith.constant 0 : i32
      %dma_start3A_66 = tpu.memref_slice %arg5[%arg0, %add3A_55, %dma_start3A_65] : memref<2x10240x64xf32, #tpu.memory_space<hbm>> -> memref<1x128x64xf32, #tpu.memory_space<hbm>>
      %dma_start3A_67 = tpu.memref_squeeze %dma_start3A_66 : memref<1x128x64xf32, #tpu.memory_space<hbm>> -> memref<128x64xf32, #tpu.memory_space<hbm>>
      %dma_start3A_68 = arith.constant 0 : i32
      %dma_start3A_69 = tpu.memref_slice %arg11[%add3A_55, %dma_start3A_68] : memref<10240x64xf32, #tpu.memory_space<vmem_shared>> -> memref<128x64xf32, #tpu.memory_space<vmem_shared>>
      tpu.enqueue_dma source(%dma_start3A_69 : memref<128x64xf32, #tpu.memory_space<vmem_shared>>) target(%dma_start3A_67 : memref<128x64xf32, #tpu.memory_space<hbm>>) target_semaphore(%run_scoped3A_64 : memref<!tpu.dma_semaphore, #tpu.memory_space<semaphore_mem>>)
      %dma_wait3A_70 = arith.constant 0 : i32
      %dma_wait3A_71 = tpu.memref_slice %arg5[%arg0, %add3A_55, %dma_wait3A_70] : memref<2x10240x64xf32, #tpu.memory_space<hbm>> -> memref<1x128x64xf32, #tpu.memory_space<hbm>>
      %dma_wait3A_72 = tpu.memref_squeeze %dma_wait3A_71 : memref<1x128x64xf32, #tpu.memory_space<hbm>> -> memref<128x64xf32, #tpu.memory_space<hbm>>
      %dma_wait3A_73 = arith.constant 0 : i32
      %dma_wait3A_74 = tpu.memref_slice %arg11[%add3A_55, %dma_wait3A_73] : memref<10240x64xf32, #tpu.memory_space<vmem_shared>> -> memref<128x64xf32, #tpu.memory_space<vmem_shared>>
      tpu.wait_dma2 semaphore(%run_scoped3A_64 : memref<!tpu.dma_semaphore, #tpu.memory_space<semaphore_mem>>) src(%dma_wait3A_74 : memref<128x64xf32, #tpu.memory_space<vmem_shared>>) dst(%dma_wait3A_72 : memref<128x64xf32, #tpu.memory_space<hbm>>)
      tpu.yield
    }) : () -> ()
    %mul3A_56 = arith.constant 640 : i32
    %mul3A_57 = arith.muli %arg1, %mul3A_56 : i32
    %add3A_58 = arith.constant 384 : i32
    %add3A_59 = arith.addi %mul3A_57, %add3A_58 : i32
    "tpu.region"() ({
      %run_scoped3A_64 = tpu.sem_alloc : memref<!tpu.dma_semaphore, #tpu.memory_space<semaphore_mem>>
      %dma_start3A_65 = arith.constant 0 : i32
      %dma_start3A_66 = tpu.memref_slice %arg5[%arg0, %add3A_59, %dma_start3A_65] : memref<2x10240x64xf32, #tpu.memory_space<hbm>> -> memref<1x128x64xf32, #tpu.memory_space<hbm>>
      %dma_start3A_67 = tpu.memref_squeeze %dma_start3A_66 : memref<1x128x64xf32, #tpu.memory_space<hbm>> -> memref<128x64xf32, #tpu.memory_space<hbm>>
      %dma_start3A_68 = arith.constant 0 : i32
      %dma_start3A_69 = tpu.memref_slice %arg11[%add3A_59, %dma_start3A_68] : memref<10240x64xf32, #tpu.memory_space<vmem_shared>> -> memref<128x64xf32, #tpu.memory_space<vmem_shared>>
      tpu.enqueue_dma source(%dma_start3A_69 : memref<128x64xf32, #tpu.memory_space<vmem_shared>>) target(%dma_start3A_67 : memref<128x64xf32, #tpu.memory_space<hbm>>) target_semaphore(%run_scoped3A_64 : memref<!tpu.dma_semaphore, #tpu.memory_space<semaphore_mem>>)
      %dma_wait3A_70 = arith.constant 0 : i32
      %dma_wait3A_71 = tpu.memref_slice %arg5[%arg0, %add3A_59, %dma_wait3A_70] : memref<2x10240x64xf32, #tpu.memory_space<hbm>> -> memref<1x128x64xf32, #tpu.memory_space<hbm>>
      %dma_wait3A_72 = tpu.memref_squeeze %dma_wait3A_71 : memref<1x128x64xf32, #tpu.memory_space<hbm>> -> memref<128x64xf32, #tpu.memory_space<hbm>>
      %dma_wait3A_73 = arith.constant 0 : i32
      %dma_wait3A_74 = tpu.memref_slice %arg11[%add3A_59, %dma_wait3A_73] : memref<10240x64xf32, #tpu.memory_space<vmem_shared>> -> memref<128x64xf32, #tpu.memory_space<vmem_shared>>
      tpu.wait_dma2 semaphore(%run_scoped3A_64 : memref<!tpu.dma_semaphore, #tpu.memory_space<semaphore_mem>>) src(%dma_wait3A_74 : memref<128x64xf32, #tpu.memory_space<vmem_shared>>) dst(%dma_wait3A_72 : memref<128x64xf32, #tpu.memory_space<hbm>>)
      tpu.yield
    }) : () -> ()
    %mul3A_60 = arith.constant 640 : i32
    %mul3A_61 = arith.muli %arg1, %mul3A_60 : i32
    %add3A_62 = arith.constant 512 : i32
    %add3A_63 = arith.addi %mul3A_61, %add3A_62 : i32
    "tpu.region"() ({
      %run_scoped3A_64 = tpu.sem_alloc : memref<!tpu.dma_semaphore, #tpu.memory_space<semaphore_mem>>
      %dma_start3A_65 = arith.constant 0 : i32
      %dma_start3A_66 = tpu.memref_slice %arg5[%arg0, %add3A_63, %dma_start3A_65] : memref<2x10240x64xf32, #tpu.memory_space<hbm>> -> memref<1x128x64xf32, #tpu.memory_space<hbm>>
      %dma_start3A_67 = tpu.memref_squeeze %dma_start3A_66 : memref<1x128x64xf32, #tpu.memory_space<hbm>> -> memref<128x64xf32, #tpu.memory_space<hbm>>
      %dma_start3A_68 = arith.constant 0 : i32
      %dma_start3A_69 = tpu.memref_slice %arg11[%add3A_63, %dma_start3A_68] : memref<10240x64xf32, #tpu.memory_space<vmem_shared>> -> memref<128x64xf32, #tpu.memory_space<vmem_shared>>
      tpu.enqueue_dma source(%dma_start3A_69 : memref<128x64xf32, #tpu.memory_space<vmem_shared>>) target(%dma_start3A_67 : memref<128x64xf32, #tpu.memory_space<hbm>>) target_semaphore(%run_scoped3A_64 : memref<!tpu.dma_semaphore, #tpu.memory_space<semaphore_mem>>)
      %dma_wait3A_70 = arith.constant 0 : i32
      %dma_wait3A_71 = tpu.memref_slice %arg5[%arg0, %add3A_63, %dma_wait3A_70] : memref<2x10240x64xf32, #tpu.memory_space<hbm>> -> memref<1x128x64xf32, #tpu.memory_space<hbm>>
      %dma_wait3A_72 = tpu.memref_squeeze %dma_wait3A_71 : memref<1x128x64xf32, #tpu.memory_space<hbm>> -> memref<128x64xf32, #tpu.memory_space<hbm>>
      %dma_wait3A_73 = arith.constant 0 : i32
      %dma_wait3A_74 = tpu.memref_slice %arg11[%add3A_63, %dma_wait3A_73] : memref<10240x64xf32, #tpu.memory_space<vmem_shared>> -> memref<128x64xf32, #tpu.memory_space<vmem_shared>>
      tpu.wait_dma2 semaphore(%run_scoped3A_64 : memref<!tpu.dma_semaphore, #tpu.memory_space<semaphore_mem>>) src(%dma_wait3A_74 : memref<128x64xf32, #tpu.memory_space<vmem_shared>>) dst(%dma_wait3A_72 : memref<128x64xf32, #tpu.memory_space<hbm>>)
      tpu.yield
    }) : () -> ()
    return
  }
}

#map = affine_map<(d0, d1) -> (0, 0)>
#map1 = affine_map<(d0, d1) -> (0, 0, 0)>
module attributes {stable_mosaic.version = 14 : i64} {
  func.func @_edge_scatter(%arg0: i32, %arg1: i32, %arg2: memref<10240x64xf32, #tpu.memory_space<hbm>>, %arg3: memref<32x125x80xi32, #tpu.memory_space<hbm>>, %arg4: memref<32x125x80xi32, #tpu.memory_space<hbm>>, %arg5: memref<2x10240x64xf32, #tpu.memory_space<hbm>>, %arg6: memref<125x80xi32, #tpu.memory_space<vmem>>, %arg7: memref<125x80xi32, #tpu.memory_space<vmem>>, %arg8: memref<80x64xf32, #tpu.memory_space<vmem>>, %arg9: memref<80x64xf32, #tpu.memory_space<vmem>>, %arg10: memref<128x64xf32, #tpu.memory_space<vmem>>, %arg11: memref<10240x64xf32, #tpu.memory_space<vmem_shared>>, %arg12: memref<!tpu.dma_semaphore, #tpu.memory_space<semaphore_mem>>, %arg13: memref<!tpu.dma_semaphore, #tpu.memory_space<semaphore_mem>>) attributes {dimension_semantics = [#tpu.dimension_semantics<core_parallel>, #tpu.dimension_semantics<subcore_parallel>], iteration_bounds = array<i64: 2, 16>, scalar_prefetch = 0 : i64, scratch_operands = 8 : i64, tpu.core_type = #tpu.core_type<sc_vector_subcore>, window_params = [{transform_indices = #map}, {transform_indices = #map1}, {transform_indices = #map1}, {transform_indices = #map1}]} {
    %mul3A = arith.constant 16 : i32
    %mul3A_0 = arith.muli %arg0, %mul3A : i32
    %add3A = arith.addi %mul3A_0, %arg1 : i32
    "tpu.region"() ({
      %run_scoped3A_64 = tpu.sem_alloc : memref<!tpu.dma_semaphore, #tpu.memory_space<semaphore_mem>>
      %dma_start3A_65 = arith.constant 0 : i32
      %dma_start3A_66 = arith.constant 0 : i32
      %dma_start3A_67 = tpu.memref_slice %arg3[%add3A, %dma_start3A_65, %dma_start3A_66] : memref<32x125x80xi32, #tpu.memory_space<hbm>> -> memref<1x125x80xi32, #tpu.memory_space<hbm>>
      %dma_start3A_68 = tpu.memref_squeeze %dma_start3A_67 : memref<1x125x80xi32, #tpu.memory_space<hbm>> -> memref<125x80xi32, #tpu.memory_space<hbm>>
      %dma_start3A_69 = arith.constant 0 : i32
      %dma_start3A_70 = arith.constant 0 : i32
      %dma_start3A_71 = tpu.memref_slice %arg3[%add3A, %dma_start3A_69, %dma_start3A_70] : memref<32x125x80xi32, #tpu.memory_space<hbm>> -> memref<1x125x80xi32, #tpu.memory_space<hbm>>
      %dma_start3A_72 = tpu.memref_squeeze %dma_start3A_71 : memref<1x125x80xi32, #tpu.memory_space<hbm>> -> memref<125x80xi32, #tpu.memory_space<hbm>>
      tpu.enqueue_dma source(%dma_start3A_72 : memref<125x80xi32, #tpu.memory_space<hbm>>) target(%arg6 : memref<125x80xi32, #tpu.memory_space<vmem>>) target_semaphore(%run_scoped3A_64 : memref<!tpu.dma_semaphore, #tpu.memory_space<semaphore_mem>>)
      %dma_wait3A_73 = arith.constant 0 : i32
      %dma_wait3A_74 = arith.constant 0 : i32
      %dma_wait3A_75 = tpu.memref_slice %arg3[%add3A, %dma_wait3A_73, %dma_wait3A_74] : memref<32x125x80xi32, #tpu.memory_space<hbm>> -> memref<1x125x80xi32, #tpu.memory_space<hbm>>
      %dma_wait3A_76 = tpu.memref_squeeze %dma_wait3A_75 : memref<1x125x80xi32, #tpu.memory_space<hbm>> -> memref<125x80xi32, #tpu.memory_space<hbm>>
      %dma_wait3A_77 = arith.constant 0 : i32
      %dma_wait3A_78 = arith.constant 0 : i32
      %dma_wait3A_79 = tpu.memref_slice %arg3[%add3A, %dma_wait3A_77, %dma_wait3A_78] : memref<32x125x80xi32, #tpu.memory_space<hbm>> -> memref<1x125x80xi32, #tpu.memory_space<hbm>>
      %dma_wait3A_80 = tpu.memref_squeeze %dma_wait3A_79 : memref<1x125x80xi32, #tpu.memory_space<hbm>> -> memref<125x80xi32, #tpu.memory_space<hbm>>
      tpu.wait_dma2 semaphore(%run_scoped3A_64 : memref<!tpu.dma_semaphore, #tpu.memory_space<semaphore_mem>>) src(%dma_wait3A_80 : memref<125x80xi32, #tpu.memory_space<hbm>>) dst(%arg6 : memref<125x80xi32, #tpu.memory_space<vmem>>)
      tpu.yield
    }) : () -> ()
    "tpu.region"() ({
      %run_scoped3A_64 = tpu.sem_alloc : memref<!tpu.dma_semaphore, #tpu.memory_space<semaphore_mem>>
      %dma_start3A_65 = arith.constant 0 : i32
      %dma_start3A_66 = arith.constant 0 : i32
      %dma_start3A_67 = tpu.memref_slice %arg4[%add3A, %dma_start3A_65, %dma_start3A_66] : memref<32x125x80xi32, #tpu.memory_space<hbm>> -> memref<1x125x80xi32, #tpu.memory_space<hbm>>
      %dma_start3A_68 = tpu.memref_squeeze %dma_start3A_67 : memref<1x125x80xi32, #tpu.memory_space<hbm>> -> memref<125x80xi32, #tpu.memory_space<hbm>>
      %dma_start3A_69 = arith.constant 0 : i32
      %dma_start3A_70 = arith.constant 0 : i32
      %dma_start3A_71 = tpu.memref_slice %arg4[%add3A, %dma_start3A_69, %dma_start3A_70] : memref<32x125x80xi32, #tpu.memory_space<hbm>> -> memref<1x125x80xi32, #tpu.memory_space<hbm>>
      %dma_start3A_72 = tpu.memref_squeeze %dma_start3A_71 : memref<1x125x80xi32, #tpu.memory_space<hbm>> -> memref<125x80xi32, #tpu.memory_space<hbm>>
      tpu.enqueue_dma source(%dma_start3A_72 : memref<125x80xi32, #tpu.memory_space<hbm>>) target(%arg7 : memref<125x80xi32, #tpu.memory_space<vmem>>) target_semaphore(%run_scoped3A_64 : memref<!tpu.dma_semaphore, #tpu.memory_space<semaphore_mem>>)
      %dma_wait3A_73 = arith.constant 0 : i32
      %dma_wait3A_74 = arith.constant 0 : i32
      %dma_wait3A_75 = tpu.memref_slice %arg4[%add3A, %dma_wait3A_73, %dma_wait3A_74] : memref<32x125x80xi32, #tpu.memory_space<hbm>> -> memref<1x125x80xi32, #tpu.memory_space<hbm>>
      %dma_wait3A_76 = tpu.memref_squeeze %dma_wait3A_75 : memref<1x125x80xi32, #tpu.memory_space<hbm>> -> memref<125x80xi32, #tpu.memory_space<hbm>>
      %dma_wait3A_77 = arith.constant 0 : i32
      %dma_wait3A_78 = arith.constant 0 : i32
      %dma_wait3A_79 = tpu.memref_slice %arg4[%add3A, %dma_wait3A_77, %dma_wait3A_78] : memref<32x125x80xi32, #tpu.memory_space<hbm>> -> memref<1x125x80xi32, #tpu.memory_space<hbm>>
      %dma_wait3A_80 = tpu.memref_squeeze %dma_wait3A_79 : memref<1x125x80xi32, #tpu.memory_space<hbm>> -> memref<125x80xi32, #tpu.memory_space<hbm>>
      tpu.wait_dma2 semaphore(%run_scoped3A_64 : memref<!tpu.dma_semaphore, #tpu.memory_space<semaphore_mem>>) src(%dma_wait3A_80 : memref<125x80xi32, #tpu.memory_space<hbm>>) dst(%arg7 : memref<125x80xi32, #tpu.memory_space<vmem>>)
      tpu.yield
    }) : () -> ()
    %scan3A = arith.constant 0 : i32
    %scan3A_1 = arith.constant 0 : i32
    %scan3A_2 = arith.constant 128 : i32
    %scan3A_3 = arith.addi %scan3A_1, %scan3A_2 : i32
    %scan3A_4 = arith.constant 1 : i32
    scf.for %scan3A_64 = %scan3A_1 to %scan3A_3 step %scan3A_4  : i32 {
      %broadcast_in_dim3A = arith.constant 0.000000e+00 : f32
      %broadcast_in_dim3A_65 = vector.broadcast %broadcast_in_dim3A : f32 to vector<16xf32>
      %swap3A = arith.index_cast %scan3A_64 : i32 to index
      %swap3A_66 = arith.constant 0 : index
      %swap3A_67 = tpu.vector_load %arg10[%swap3A, %swap3A_66] {strides = array<i32>} : memref<128x64xf32, #tpu.memory_space<vmem>>, vector<1x16xf32>,
      %swap3A_68 = vector.shape_cast %swap3A_67 : vector<1x16xf32> to vector<16xf32>
      %swap3A_69 = vector.shape_cast %broadcast_in_dim3A_65 : vector<16xf32> to vector<1x16xf32>
      tpu.vector_store %arg10[%swap3A, %swap3A_66], %swap3A_69 {strides = array<i32>} : memref<128x64xf32, #tpu.memory_space<vmem>>, vector<1x16xf32>,
      %broadcast_in_dim3A_70 = arith.constant 0.000000e+00 : f32
      %broadcast_in_dim3A_71 = vector.broadcast %broadcast_in_dim3A_70 : f32 to vector<16xf32>
      %swap3A_72 = arith.index_cast %scan3A_64 : i32 to index
      %swap3A_73 = arith.constant 16 : index
      %swap3A_74 = tpu.vector_load %arg10[%swap3A_72, %swap3A_73] {strides = array<i32>} : memref<128x64xf32, #tpu.memory_space<vmem>>, vector<1x16xf32>,
      %swap3A_75 = vector.shape_cast %swap3A_74 : vector<1x16xf32> to vector<16xf32>
      %swap3A_76 = vector.shape_cast %broadcast_in_dim3A_71 : vector<16xf32> to vector<1x16xf32>
      tpu.vector_store %arg10[%swap3A_72, %swap3A_73], %swap3A_76 {strides = array<i32>} : memref<128x64xf32, #tpu.memory_space<vmem>>, vector<1x16xf32>,
      %broadcast_in_dim3A_77 = arith.constant 0.000000e+00 : f32
      %broadcast_in_dim3A_78 = vector.broadcast %broadcast_in_dim3A_77 : f32 to vector<16xf32>
      %swap3A_79 = arith.index_cast %scan3A_64 : i32 to index
      %swap3A_80 = arith.constant 32 : index
      %swap3A_81 = tpu.vector_load %arg10[%swap3A_79, %swap3A_80] {strides = array<i32>} : memref<128x64xf32, #tpu.memory_space<vmem>>, vector<1x16xf32>,
      %swap3A_82 = vector.shape_cast %swap3A_81 : vector<1x16xf32> to vector<16xf32>
      %swap3A_83 = vector.shape_cast %broadcast_in_dim3A_78 : vector<16xf32> to vector<1x16xf32>
      tpu.vector_store %arg10[%swap3A_79, %swap3A_80], %swap3A_83 {strides = array<i32>} : memref<128x64xf32, #tpu.memory_space<vmem>>, vector<1x16xf32>,
      %broadcast_in_dim3A_84 = arith.constant 0.000000e+00 : f32
      %broadcast_in_dim3A_85 = vector.broadcast %broadcast_in_dim3A_84 : f32 to vector<16xf32>
      %swap3A_86 = arith.index_cast %scan3A_64 : i32 to index
      %swap3A_87 = arith.constant 48 : index
      %swap3A_88 = tpu.vector_load %arg10[%swap3A_86, %swap3A_87] {strides = array<i32>} : memref<128x64xf32, #tpu.memory_space<vmem>>, vector<1x16xf32>,
      %swap3A_89 = vector.shape_cast %swap3A_88 : vector<1x16xf32> to vector<16xf32>
      %swap3A_90 = vector.shape_cast %broadcast_in_dim3A_85 : vector<16xf32> to vector<1x16xf32>
      tpu.vector_store %arg10[%swap3A_86, %swap3A_87], %swap3A_90 {strides = array<i32>} : memref<128x64xf32, #tpu.memory_space<vmem>>, vector<1x16xf32>,
    }
    %scan3A_5 = arith.constant 128 : i32
    %mul3A_6 = arith.constant 640 : i32
    %mul3A_7 = arith.muli %arg1, %mul3A_6 : i32
    %add3A_8 = arith.constant 0 : i32
    %add3A_9 = arith.addi %mul3A_7, %add3A_8 : i32
    "tpu.region"() ({
      %run_scoped3A_64 = tpu.sem_alloc : memref<!tpu.dma_semaphore, #tpu.memory_space<semaphore_mem>>
      %dma_start3A_65 = arith.constant 0 : i32
      %dma_start3A_66 = tpu.memref_slice %arg11[%add3A_9, %dma_start3A_65] : memref<10240x64xf32, #tpu.memory_space<vmem_shared>> -> memref<128x64xf32, #tpu.memory_space<vmem_shared>>
      %dma_start3A_67 = arith.constant 0 : i32
      %dma_start3A_68 = tpu.memref_slice %arg11[%add3A_9, %dma_start3A_67] : memref<10240x64xf32, #tpu.memory_space<vmem_shared>> -> memref<128x64xf32, #tpu.memory_space<vmem_shared>>
      tpu.enqueue_dma source(%arg10 : memref<128x64xf32, #tpu.memory_space<vmem>>) target(%dma_start3A_68 : memref<128x64xf32, #tpu.memory_space<vmem_shared>>) target_semaphore(%run_scoped3A_64 : memref<!tpu.dma_semaphore, #tpu.memory_space<semaphore_mem>>)
      %dma_wait3A_69 = arith.constant 0 : i32
      %dma_wait3A_70 = tpu.memref_slice %arg11[%add3A_9, %dma_wait3A_69] : memref<10240x64xf32, #tpu.memory_space<vmem_shared>> -> memref<128x64xf32, #tpu.memory_space<vmem_shared>>
      %dma_wait3A_71 = arith.constant 0 : i32
      %dma_wait3A_72 = tpu.memref_slice %arg11[%add3A_9, %dma_wait3A_71] : memref<10240x64xf32, #tpu.memory_space<vmem_shared>> -> memref<128x64xf32, #tpu.memory_space<vmem_shared>>
      tpu.wait_dma2 semaphore(%run_scoped3A_64 : memref<!tpu.dma_semaphore, #tpu.memory_space<semaphore_mem>>) src(%arg10 : memref<128x64xf32, #tpu.memory_space<vmem>>) dst(%dma_wait3A_72 : memref<128x64xf32, #tpu.memory_space<vmem_shared>>)
      tpu.yield
    }) : () -> ()
    %mul3A_10 = arith.constant 640 : i32
    %mul3A_11 = arith.muli %arg1, %mul3A_10 : i32
    %add3A_12 = arith.constant 128 : i32
    %add3A_13 = arith.addi %mul3A_11, %add3A_12 : i32
    "tpu.region"() ({
      %run_scoped3A_64 = tpu.sem_alloc : memref<!tpu.dma_semaphore, #tpu.memory_space<semaphore_mem>>
      %dma_start3A_65 = arith.constant 0 : i32
      %dma_start3A_66 = tpu.memref_slice %arg11[%add3A_13, %dma_start3A_65] : memref<10240x64xf32, #tpu.memory_space<vmem_shared>> -> memref<128x64xf32, #tpu.memory_space<vmem_shared>>
      %dma_start3A_67 = arith.constant 0 : i32
      %dma_start3A_68 = tpu.memref_slice %arg11[%add3A_13, %dma_start3A_67] : memref<10240x64xf32, #tpu.memory_space<vmem_shared>> -> memref<128x64xf32, #tpu.memory_space<vmem_shared>>
      tpu.enqueue_dma source(%arg10 : memref<128x64xf32, #tpu.memory_space<vmem>>) target(%dma_start3A_68 : memref<128x64xf32, #tpu.memory_space<vmem_shared>>) target_semaphore(%run_scoped3A_64 : memref<!tpu.dma_semaphore, #tpu.memory_space<semaphore_mem>>)
      %dma_wait3A_69 = arith.constant 0 : i32
      %dma_wait3A_70 = tpu.memref_slice %arg11[%add3A_13, %dma_wait3A_69] : memref<10240x64xf32, #tpu.memory_space<vmem_shared>> -> memref<128x64xf32, #tpu.memory_space<vmem_shared>>
      %dma_wait3A_71 = arith.constant 0 : i32
      %dma_wait3A_72 = tpu.memref_slice %arg11[%add3A_13, %dma_wait3A_71] : memref<10240x64xf32, #tpu.memory_space<vmem_shared>> -> memref<128x64xf32, #tpu.memory_space<vmem_shared>>
      tpu.wait_dma2 semaphore(%run_scoped3A_64 : memref<!tpu.dma_semaphore, #tpu.memory_space<semaphore_mem>>) src(%arg10 : memref<128x64xf32, #tpu.memory_space<vmem>>) dst(%dma_wait3A_72 : memref<128x64xf32, #tpu.memory_space<vmem_shared>>)
      tpu.yield
    }) : () -> ()
    %mul3A_14 = arith.constant 640 : i32
    %mul3A_15 = arith.muli %arg1, %mul3A_14 : i32
    %add3A_16 = arith.constant 256 : i32
    %add3A_17 = arith.addi %mul3A_15, %add3A_16 : i32
    "tpu.region"() ({
      %run_scoped3A_64 = tpu.sem_alloc : memref<!tpu.dma_semaphore, #tpu.memory_space<semaphore_mem>>
      %dma_start3A_65 = arith.constant 0 : i32
      %dma_start3A_66 = tpu.memref_slice %arg11[%add3A_17, %dma_start3A_65] : memref<10240x64xf32, #tpu.memory_space<vmem_shared>> -> memref<128x64xf32, #tpu.memory_space<vmem_shared>>
      %dma_start3A_67 = arith.constant 0 : i32
      %dma_start3A_68 = tpu.memref_slice %arg11[%add3A_17, %dma_start3A_67] : memref<10240x64xf32, #tpu.memory_space<vmem_shared>> -> memref<128x64xf32, #tpu.memory_space<vmem_shared>>
      tpu.enqueue_dma source(%arg10 : memref<128x64xf32, #tpu.memory_space<vmem>>) target(%dma_start3A_68 : memref<128x64xf32, #tpu.memory_space<vmem_shared>>) target_semaphore(%run_scoped3A_64 : memref<!tpu.dma_semaphore, #tpu.memory_space<semaphore_mem>>)
      %dma_wait3A_69 = arith.constant 0 : i32
      %dma_wait3A_70 = tpu.memref_slice %arg11[%add3A_17, %dma_wait3A_69] : memref<10240x64xf32, #tpu.memory_space<vmem_shared>> -> memref<128x64xf32, #tpu.memory_space<vmem_shared>>
      %dma_wait3A_71 = arith.constant 0 : i32
      %dma_wait3A_72 = tpu.memref_slice %arg11[%add3A_17, %dma_wait3A_71] : memref<10240x64xf32, #tpu.memory_space<vmem_shared>> -> memref<128x64xf32, #tpu.memory_space<vmem_shared>>
      tpu.wait_dma2 semaphore(%run_scoped3A_64 : memref<!tpu.dma_semaphore, #tpu.memory_space<semaphore_mem>>) src(%arg10 : memref<128x64xf32, #tpu.memory_space<vmem>>) dst(%dma_wait3A_72 : memref<128x64xf32, #tpu.memory_space<vmem_shared>>)
      tpu.yield
    }) : () -> ()
    %mul3A_18 = arith.constant 640 : i32
    %mul3A_19 = arith.muli %arg1, %mul3A_18 : i32
    %add3A_20 = arith.constant 384 : i32
    %add3A_21 = arith.addi %mul3A_19, %add3A_20 : i32
    "tpu.region"() ({
      %run_scoped3A_64 = tpu.sem_alloc : memref<!tpu.dma_semaphore, #tpu.memory_space<semaphore_mem>>
      %dma_start3A_65 = arith.constant 0 : i32
      %dma_start3A_66 = tpu.memref_slice %arg11[%add3A_21, %dma_start3A_65] : memref<10240x64xf32, #tpu.memory_space<vmem_shared>> -> memref<128x64xf32, #tpu.memory_space<vmem_shared>>
      %dma_start3A_67 = arith.constant 0 : i32
      %dma_start3A_68 = tpu.memref_slice %arg11[%add3A_21, %dma_start3A_67] : memref<10240x64xf32, #tpu.memory_space<vmem_shared>> -> memref<128x64xf32, #tpu.memory_space<vmem_shared>>
      tpu.enqueue_dma source(%arg10 : memref<128x64xf32, #tpu.memory_space<vmem>>) target(%dma_start3A_68 : memref<128x64xf32, #tpu.memory_space<vmem_shared>>) target_semaphore(%run_scoped3A_64 : memref<!tpu.dma_semaphore, #tpu.memory_space<semaphore_mem>>)
      %dma_wait3A_69 = arith.constant 0 : i32
      %dma_wait3A_70 = tpu.memref_slice %arg11[%add3A_21, %dma_wait3A_69] : memref<10240x64xf32, #tpu.memory_space<vmem_shared>> -> memref<128x64xf32, #tpu.memory_space<vmem_shared>>
      %dma_wait3A_71 = arith.constant 0 : i32
      %dma_wait3A_72 = tpu.memref_slice %arg11[%add3A_21, %dma_wait3A_71] : memref<10240x64xf32, #tpu.memory_space<vmem_shared>> -> memref<128x64xf32, #tpu.memory_space<vmem_shared>>
      tpu.wait_dma2 semaphore(%run_scoped3A_64 : memref<!tpu.dma_semaphore, #tpu.memory_space<semaphore_mem>>) src(%arg10 : memref<128x64xf32, #tpu.memory_space<vmem>>) dst(%dma_wait3A_72 : memref<128x64xf32, #tpu.memory_space<vmem_shared>>)
      tpu.yield
    }) : () -> ()
    %mul3A_22 = arith.constant 640 : i32
    %mul3A_23 = arith.muli %arg1, %mul3A_22 : i32
    %add3A_24 = arith.constant 512 : i32
    %add3A_25 = arith.addi %mul3A_23, %add3A_24 : i32
    "tpu.region"() ({
      %run_scoped3A_64 = tpu.sem_alloc : memref<!tpu.dma_semaphore, #tpu.memory_space<semaphore_mem>>
      %dma_start3A_65 = arith.constant 0 : i32
      %dma_start3A_66 = tpu.memref_slice %arg11[%add3A_25, %dma_start3A_65] : memref<10240x64xf32, #tpu.memory_space<vmem_shared>> -> memref<128x64xf32, #tpu.memory_space<vmem_shared>>
      %dma_start3A_67 = arith.constant 0 : i32
      %dma_start3A_68 = tpu.memref_slice %arg11[%add3A_25, %dma_start3A_67] : memref<10240x64xf32, #tpu.memory_space<vmem_shared>> -> memref<128x64xf32, #tpu.memory_space<vmem_shared>>
      tpu.enqueue_dma source(%arg10 : memref<128x64xf32, #tpu.memory_space<vmem>>) target(%dma_start3A_68 : memref<128x64xf32, #tpu.memory_space<vmem_shared>>) target_semaphore(%run_scoped3A_64 : memref<!tpu.dma_semaphore, #tpu.memory_space<semaphore_mem>>)
      %dma_wait3A_69 = arith.constant 0 : i32
      %dma_wait3A_70 = tpu.memref_slice %arg11[%add3A_25, %dma_wait3A_69] : memref<10240x64xf32, #tpu.memory_space<vmem_shared>> -> memref<128x64xf32, #tpu.memory_space<vmem_shared>>
      %dma_wait3A_71 = arith.constant 0 : i32
      %dma_wait3A_72 = tpu.memref_slice %arg11[%add3A_25, %dma_wait3A_71] : memref<10240x64xf32, #tpu.memory_space<vmem_shared>> -> memref<128x64xf32, #tpu.memory_space<vmem_shared>>
      tpu.wait_dma2 semaphore(%run_scoped3A_64 : memref<!tpu.dma_semaphore, #tpu.memory_space<semaphore_mem>>) src(%arg10 : memref<128x64xf32, #tpu.memory_space<vmem>>) dst(%dma_wait3A_72 : memref<128x64xf32, #tpu.memory_space<vmem_shared>>)
      tpu.yield
    }) : () -> ()
    %barrier3A = arith.constant 0 : index
    tpu.barrier barrier_id(%barrier3A)
    %dma_start3A = arith.constant 0 : i32
    %dma_start3A_26 = arith.constant 0 : i32
    %dma_start3A_27 = tpu.memref_slice %arg6[%dma_start3A, %dma_start3A_26] : memref<125x80xi32, #tpu.memory_space<vmem>> -> memref<1x80xi32, #tpu.memory_space<vmem>>
    %dma_start3A_28 = tpu.memref_squeeze %dma_start3A_27 : memref<1x80xi32, #tpu.memory_space<vmem>> -> memref<80xi32, #tpu.memory_space<vmem>>
    %dma_start3A_29 = arith.constant 0 : i32
    %dma_start3A_30 = arith.constant 0 : i32
    %dma_start3A_31 = tpu.memref_slice %arg2[%dma_start3A_29, %dma_start3A_30] : memref<10240x64xf32, #tpu.memory_space<hbm>> -> memref<10240x64xf32, #tpu.memory_space<hbm>>
    tpu.enqueue_indirect_dma source(%dma_start3A_31 : memref<10240x64xf32, #tpu.memory_space<hbm>>) target(%arg8 : memref<80x64xf32, #tpu.memory_space<vmem>>) offsets(%dma_start3A_28 : memref<80xi32, #tpu.memory_space<vmem>>) semaphore(%arg12 : memref<!tpu.dma_semaphore, #tpu.memory_space<semaphore_mem>>)
    %scan3A_32 = arith.constant 0 : i32
    %scan3A_33 = arith.constant 0 : i32
    %scan3A_34 = arith.constant 62 : i32
    %scan3A_35 = arith.addi %scan3A_33, %scan3A_34 : i32
    %scan3A_36 = arith.constant 1 : i32
    scf.for %scan3A_64 = %scan3A_33 to %scan3A_35 step %scan3A_36  : i32 {
      %mul3A_65 = arith.constant 2 : i32
      %mul3A_66 = arith.muli %mul3A_65, %scan3A_64 : i32
      %add3A_67 = arith.constant 0 : i32
      %add3A_68 = arith.addi %mul3A_66, %add3A_67 : i32
      %dma_wait3A_69 = arith.constant 0 : i32
      %dma_wait3A_70 = arith.constant 0 : i32
      %dma_wait3A_71 = tpu.memref_slice %arg2[%dma_wait3A_69, %dma_wait3A_70] : memref<10240x64xf32, #tpu.memory_space<hbm>> -> memref<80x64xf32, #tpu.memory_space<hbm>>
      %dma_wait3A_72 = arith.constant 0 : i32
      %dma_wait3A_73 = arith.constant 0 : i32
      %dma_wait3A_74 = tpu.memref_slice %arg2[%dma_wait3A_72, %dma_wait3A_73] : memref<10240x64xf32, #tpu.memory_space<hbm>> -> memref<80x64xf32, #tpu.memory_space<hbm>>
      tpu.wait_dma2 semaphore(%arg12 : memref<!tpu.dma_semaphore, #tpu.memory_space<semaphore_mem>>) src(%dma_wait3A_74 : memref<80x64xf32, #tpu.memory_space<hbm>>) dst(%arg8 : memref<80x64xf32, #tpu.memory_space<vmem>>)
      %add3A_75 = arith.constant 1 : i32
      %add3A_76 = arith.addi %add3A_68, %add3A_75 : i32
      %dma_start3A_77 = arith.constant 0 : i32
      %dma_start3A_78 = tpu.memref_slice %arg6[%add3A_76, %dma_start3A_77] : memref<125x80xi32, #tpu.memory_space<vmem>> -> memref<1x80xi32, #tpu.memory_space<vmem>>
      %dma_start3A_79 = tpu.memref_squeeze %dma_start3A_78 : memref<1x80xi32, #tpu.memory_space<vmem>> -> memref<80xi32, #tpu.memory_space<vmem>>
      %dma_start3A_80 = arith.constant 0 : i32
      %dma_start3A_81 = arith.constant 0 : i32
      %dma_start3A_82 = tpu.memref_slice %arg2[%dma_start3A_80, %dma_start3A_81] : memref<10240x64xf32, #tpu.memory_space<hbm>> -> memref<10240x64xf32, #tpu.memory_space<hbm>>
      tpu.enqueue_indirect_dma source(%dma_start3A_82 : memref<10240x64xf32, #tpu.memory_space<hbm>>) target(%arg9 : memref<80x64xf32, #tpu.memory_space<vmem>>) offsets(%dma_start3A_79 : memref<80xi32, #tpu.memory_space<vmem>>) semaphore(%arg13 : memref<!tpu.dma_semaphore, #tpu.memory_space<semaphore_mem>>)
      "tpu.region"() ({
        %run_scoped3A_101 = tpu.sem_alloc : memref<!tpu.dma_semaphore, #tpu.memory_space<semaphore_mem>>
        %dma_start3A_102 = arith.constant 0 : i32
        %dma_start3A_103 = tpu.memref_slice %arg7[%add3A_68, %dma_start3A_102] : memref<125x80xi32, #tpu.memory_space<vmem>> -> memref<1x80xi32, #tpu.memory_space<vmem>>
        %dma_start3A_104 = tpu.memref_squeeze %dma_start3A_103 : memref<1x80xi32, #tpu.memory_space<vmem>> -> memref<80xi32, #tpu.memory_space<vmem>>
        %dma_start3A_105 = arith.constant 0 : i32
        %dma_start3A_106 = arith.constant 0 : i32
        %dma_start3A_107 = tpu.memref_slice %arg11[%dma_start3A_105, %dma_start3A_106] : memref<10240x64xf32, #tpu.memory_space<vmem_shared>> -> memref<10240x64xf32, #tpu.memory_space<vmem_shared>>
        tpu.enqueue_indirect_dma source(%arg8 : memref<80x64xf32, #tpu.memory_space<vmem>>) target(%dma_start3A_107 : memref<10240x64xf32, #tpu.memory_space<vmem_shared>>) offsets(%dma_start3A_104 : memref<80xi32, #tpu.memory_space<vmem>>) semaphore(%run_scoped3A_101 : memref<!tpu.dma_semaphore, #tpu.memory_space<semaphore_mem>>) {add = true}
        %dma_wait3A_108 = arith.constant 0 : i32
        %dma_wait3A_109 = tpu.memref_slice %arg7[%add3A_68, %dma_wait3A_108] : memref<125x80xi32, #tpu.memory_space<vmem>> -> memref<1x80xi32, #tpu.memory_space<vmem>>
        %dma_wait3A_110 = tpu.memref_squeeze %dma_wait3A_109 : memref<1x80xi32, #tpu.memory_space<vmem>> -> memref<80xi32, #tpu.memory_space<vmem>>
        %dma_wait3A_111 = arith.constant 0 : i32
        %dma_wait3A_112 = arith.constant 0 : i32
        %dma_wait3A_113 = tpu.memref_slice %arg11[%dma_wait3A_111, %dma_wait3A_112] : memref<10240x64xf32, #tpu.memory_space<vmem_shared>> -> memref<10240x64xf32, #tpu.memory_space<vmem_shared>>
        tpu.wait_indirect_dma semaphore(%run_scoped3A_101 : memref<!tpu.dma_semaphore, #tpu.memory_space<semaphore_mem>>) src(%arg8 : memref<80x64xf32, #tpu.memory_space<vmem>>) dst(%dma_wait3A_113 : memref<10240x64xf32, #tpu.memory_space<vmem_shared>>)
        tpu.yield
      }) : () -> ()
      %mul3A_83 = arith.constant 2 : i32
      %mul3A_84 = arith.muli %mul3A_83, %scan3A_64 : i32
      %add3A_85 = arith.constant 1 : i32
      %add3A_86 = arith.addi %mul3A_84, %add3A_85 : i32
      %dma_wait3A_87 = arith.constant 0 : i32
      %dma_wait3A_88 = arith.constant 0 : i32
      %dma_wait3A_89 = tpu.memref_slice %arg2[%dma_wait3A_87, %dma_wait3A_88] : memref<10240x64xf32, #tpu.memory_space<hbm>> -> memref<80x64xf32, #tpu.memory_space<hbm>>
      %dma_wait3A_90 = arith.constant 0 : i32
      %dma_wait3A_91 = arith.constant 0 : i32
      %dma_wait3A_92 = tpu.memref_slice %arg2[%dma_wait3A_90, %dma_wait3A_91] : memref<10240x64xf32, #tpu.memory_space<hbm>> -> memref<80x64xf32, #tpu.memory_space<hbm>>
      tpu.wait_dma2 semaphore(%arg13 : memref<!tpu.dma_semaphore, #tpu.memory_space<semaphore_mem>>) src(%dma_wait3A_92 : memref<80x64xf32, #tpu.memory_space<hbm>>) dst(%arg9 : memref<80x64xf32, #tpu.memory_space<vmem>>)
      %add3A_93 = arith.constant 1 : i32
      %add3A_94 = arith.addi %add3A_86, %add3A_93 : i32
      %dma_start3A_95 = arith.constant 0 : i32
      %dma_start3A_96 = tpu.memref_slice %arg6[%add3A_94, %dma_start3A_95] : memref<125x80xi32, #tpu.memory_space<vmem>> -> memref<1x80xi32, #tpu.memory_space<vmem>>
      %dma_start3A_97 = tpu.memref_squeeze %dma_start3A_96 : memref<1x80xi32, #tpu.memory_space<vmem>> -> memref<80xi32, #tpu.memory_space<vmem>>
      %dma_start3A_98 = arith.constant 0 : i32
      %dma_start3A_99 = arith.constant 0 : i32
      %dma_start3A_100 = tpu.memref_slice %arg2[%dma_start3A_98, %dma_start3A_99] : memref<10240x64xf32, #tpu.memory_space<hbm>> -> memref<10240x64xf32, #tpu.memory_space<hbm>>
      tpu.enqueue_indirect_dma source(%dma_start3A_100 : memref<10240x64xf32, #tpu.memory_space<hbm>>) target(%arg8 : memref<80x64xf32, #tpu.memory_space<vmem>>) offsets(%dma_start3A_97 : memref<80xi32, #tpu.memory_space<vmem>>) semaphore(%arg12 : memref<!tpu.dma_semaphore, #tpu.memory_space<semaphore_mem>>)
      "tpu.region"() ({
        %run_scoped3A_101 = tpu.sem_alloc : memref<!tpu.dma_semaphore, #tpu.memory_space<semaphore_mem>>
        %dma_start3A_102 = arith.constant 0 : i32
        %dma_start3A_103 = tpu.memref_slice %arg7[%add3A_86, %dma_start3A_102] : memref<125x80xi32, #tpu.memory_space<vmem>> -> memref<1x80xi32, #tpu.memory_space<vmem>>
        %dma_start3A_104 = tpu.memref_squeeze %dma_start3A_103 : memref<1x80xi32, #tpu.memory_space<vmem>> -> memref<80xi32, #tpu.memory_space<vmem>>
        %dma_start3A_105 = arith.constant 0 : i32
        %dma_start3A_106 = arith.constant 0 : i32
        %dma_start3A_107 = tpu.memref_slice %arg11[%dma_start3A_105, %dma_start3A_106] : memref<10240x64xf32, #tpu.memory_space<vmem_shared>> -> memref<10240x64xf32, #tpu.memory_space<vmem_shared>>
        tpu.enqueue_indirect_dma source(%arg9 : memref<80x64xf32, #tpu.memory_space<vmem>>) target(%dma_start3A_107 : memref<10240x64xf32, #tpu.memory_space<vmem_shared>>) offsets(%dma_start3A_104 : memref<80xi32, #tpu.memory_space<vmem>>) semaphore(%run_scoped3A_101 : memref<!tpu.dma_semaphore, #tpu.memory_space<semaphore_mem>>) {add = true}
        %dma_wait3A_108 = arith.constant 0 : i32
        %dma_wait3A_109 = tpu.memref_slice %arg7[%add3A_86, %dma_wait3A_108] : memref<125x80xi32, #tpu.memory_space<vmem>> -> memref<1x80xi32, #tpu.memory_space<vmem>>
        %dma_wait3A_110 = tpu.memref_squeeze %dma_wait3A_109 : memref<1x80xi32, #tpu.memory_space<vmem>> -> memref<80xi32, #tpu.memory_space<vmem>>
        %dma_wait3A_111 = arith.constant 0 : i32
        %dma_wait3A_112 = arith.constant 0 : i32
        %dma_wait3A_113 = tpu.memref_slice %arg11[%dma_wait3A_111, %dma_wait3A_112] : memref<10240x64xf32, #tpu.memory_space<vmem_shared>> -> memref<10240x64xf32, #tpu.memory_space<vmem_shared>>
        tpu.wait_indirect_dma semaphore(%run_scoped3A_101 : memref<!tpu.dma_semaphore, #tpu.memory_space<semaphore_mem>>) src(%arg9 : memref<80x64xf32, #tpu.memory_space<vmem>>) dst(%dma_wait3A_113 : memref<10240x64xf32, #tpu.memory_space<vmem_shared>>)
        tpu.yield
      }) : () -> ()
    }
    %scan3A_37 = arith.constant 62 : i32
    %dma_wait3A = arith.constant 0 : i32
    %dma_wait3A_38 = arith.constant 0 : i32
    %dma_wait3A_39 = tpu.memref_slice %arg2[%dma_wait3A, %dma_wait3A_38] : memref<10240x64xf32, #tpu.memory_space<hbm>> -> memref<80x64xf32, #tpu.memory_space<hbm>>
    %dma_wait3A_40 = arith.constant 0 : i32
    %dma_wait3A_41 = arith.constant 0 : i32
    %dma_wait3A_42 = tpu.memref_slice %arg2[%dma_wait3A_40, %dma_wait3A_41] : memref<10240x64xf32, #tpu.memory_space<hbm>> -> memref<80x64xf32, #tpu.memory_space<hbm>>
    tpu.wait_dma2 semaphore(%arg12 : memref<!tpu.dma_semaphore, #tpu.memory_space<semaphore_mem>>) src(%dma_wait3A_42 : memref<80x64xf32, #tpu.memory_space<hbm>>) dst(%arg8 : memref<80x64xf32, #tpu.memory_space<vmem>>)
    %run_scoped3A = arith.constant 124 : i32
    "tpu.region"() ({
      %run_scoped3A_64 = tpu.sem_alloc : memref<!tpu.dma_semaphore, #tpu.memory_space<semaphore_mem>>
      %dma_start3A_65 = arith.constant 0 : i32
      %dma_start3A_66 = tpu.memref_slice %arg7[%run_scoped3A, %dma_start3A_65] : memref<125x80xi32, #tpu.memory_space<vmem>> -> memref<1x80xi32, #tpu.memory_space<vmem>>
      %dma_start3A_67 = tpu.memref_squeeze %dma_start3A_66 : memref<1x80xi32, #tpu.memory_space<vmem>> -> memref<80xi32, #tpu.memory_space<vmem>>
      %dma_start3A_68 = arith.constant 0 : i32
      %dma_start3A_69 = arith.constant 0 : i32
      %dma_start3A_70 = tpu.memref_slice %arg11[%dma_start3A_68, %dma_start3A_69] : memref<10240x64xf32, #tpu.memory_space<vmem_shared>> -> memref<10240x64xf32, #tpu.memory_space<vmem_shared>>
      tpu.enqueue_indirect_dma source(%arg8 : memref<80x64xf32, #tpu.memory_space<vmem>>) target(%dma_start3A_70 : memref<10240x64xf32, #tpu.memory_space<vmem_shared>>) offsets(%dma_start3A_67 : memref<80xi32, #tpu.memory_space<vmem>>) semaphore(%run_scoped3A_64 : memref<!tpu.dma_semaphore, #tpu.memory_space<semaphore_mem>>) {add = true}
      %dma_wait3A_71 = arith.constant 0 : i32
      %dma_wait3A_72 = tpu.memref_slice %arg7[%run_scoped3A, %dma_wait3A_71] : memref<125x80xi32, #tpu.memory_space<vmem>> -> memref<1x80xi32, #tpu.memory_space<vmem>>
      %dma_wait3A_73 = tpu.memref_squeeze %dma_wait3A_72 : memref<1x80xi32, #tpu.memory_space<vmem>> -> memref<80xi32, #tpu.memory_space<vmem>>
      %dma_wait3A_74 = arith.constant 0 : i32
      %dma_wait3A_75 = arith.constant 0 : i32
      %dma_wait3A_76 = tpu.memref_slice %arg11[%dma_wait3A_74, %dma_wait3A_75] : memref<10240x64xf32, #tpu.memory_space<vmem_shared>> -> memref<10240x64xf32, #tpu.memory_space<vmem_shared>>
      tpu.wait_indirect_dma semaphore(%run_scoped3A_64 : memref<!tpu.dma_semaphore, #tpu.memory_space<semaphore_mem>>) src(%arg8 : memref<80x64xf32, #tpu.memory_space<vmem>>) dst(%dma_wait3A_76 : memref<10240x64xf32, #tpu.memory_space<vmem_shared>>)
      tpu.yield
    }) : () -> ()
    %barrier3A_43 = arith.constant 0 : index
    tpu.barrier barrier_id(%barrier3A_43)
    %mul3A_44 = arith.constant 640 : i32
    %mul3A_45 = arith.muli %arg1, %mul3A_44 : i32
    %add3A_46 = arith.constant 0 : i32
    %add3A_47 = arith.addi %mul3A_45, %add3A_46 : i32
    "tpu.region"() ({
      %run_scoped3A_64 = tpu.sem_alloc : memref<!tpu.dma_semaphore, #tpu.memory_space<semaphore_mem>>
      %dma_start3A_65 = arith.constant 0 : i32
      %dma_start3A_66 = tpu.memref_slice %arg5[%arg0, %add3A_47, %dma_start3A_65] : memref<2x10240x64xf32, #tpu.memory_space<hbm>> -> memref<1x128x64xf32, #tpu.memory_space<hbm>>
      %dma_start3A_67 = tpu.memref_squeeze %dma_start3A_66 : memref<1x128x64xf32, #tpu.memory_space<hbm>> -> memref<128x64xf32, #tpu.memory_space<hbm>>
      %dma_start3A_68 = arith.constant 0 : i32
      %dma_start3A_69 = tpu.memref_slice %arg11[%add3A_47, %dma_start3A_68] : memref<10240x64xf32, #tpu.memory_space<vmem_shared>> -> memref<128x64xf32, #tpu.memory_space<vmem_shared>>
      tpu.enqueue_dma source(%dma_start3A_69 : memref<128x64xf32, #tpu.memory_space<vmem_shared>>) target(%dma_start3A_67 : memref<128x64xf32, #tpu.memory_space<hbm>>) target_semaphore(%run_scoped3A_64 : memref<!tpu.dma_semaphore, #tpu.memory_space<semaphore_mem>>)
      %dma_wait3A_70 = arith.constant 0 : i32
      %dma_wait3A_71 = tpu.memref_slice %arg5[%arg0, %add3A_47, %dma_wait3A_70] : memref<2x10240x64xf32, #tpu.memory_space<hbm>> -> memref<1x128x64xf32, #tpu.memory_space<hbm>>
      %dma_wait3A_72 = tpu.memref_squeeze %dma_wait3A_71 : memref<1x128x64xf32, #tpu.memory_space<hbm>> -> memref<128x64xf32, #tpu.memory_space<hbm>>
      %dma_wait3A_73 = arith.constant 0 : i32
      %dma_wait3A_74 = tpu.memref_slice %arg11[%add3A_47, %dma_wait3A_73] : memref<10240x64xf32, #tpu.memory_space<vmem_shared>> -> memref<128x64xf32, #tpu.memory_space<vmem_shared>>
      tpu.wait_dma2 semaphore(%run_scoped3A_64 : memref<!tpu.dma_semaphore, #tpu.memory_space<semaphore_mem>>) src(%dma_wait3A_74 : memref<128x64xf32, #tpu.memory_space<vmem_shared>>) dst(%dma_wait3A_72 : memref<128x64xf32, #tpu.memory_space<hbm>>)
      tpu.yield
    }) : () -> ()
    %mul3A_48 = arith.constant 640 : i32
    %mul3A_49 = arith.muli %arg1, %mul3A_48 : i32
    %add3A_50 = arith.constant 128 : i32
    %add3A_51 = arith.addi %mul3A_49, %add3A_50 : i32
    "tpu.region"() ({
      %run_scoped3A_64 = tpu.sem_alloc : memref<!tpu.dma_semaphore, #tpu.memory_space<semaphore_mem>>
      %dma_start3A_65 = arith.constant 0 : i32
      %dma_start3A_66 = tpu.memref_slice %arg5[%arg0, %add3A_51, %dma_start3A_65] : memref<2x10240x64xf32, #tpu.memory_space<hbm>> -> memref<1x128x64xf32, #tpu.memory_space<hbm>>
      %dma_start3A_67 = tpu.memref_squeeze %dma_start3A_66 : memref<1x128x64xf32, #tpu.memory_space<hbm>> -> memref<128x64xf32, #tpu.memory_space<hbm>>
      %dma_start3A_68 = arith.constant 0 : i32
      %dma_start3A_69 = tpu.memref_slice %arg11[%add3A_51, %dma_start3A_68] : memref<10240x64xf32, #tpu.memory_space<vmem_shared>> -> memref<128x64xf32, #tpu.memory_space<vmem_shared>>
      tpu.enqueue_dma source(%dma_start3A_69 : memref<128x64xf32, #tpu.memory_space<vmem_shared>>) target(%dma_start3A_67 : memref<128x64xf32, #tpu.memory_space<hbm>>) target_semaphore(%run_scoped3A_64 : memref<!tpu.dma_semaphore, #tpu.memory_space<semaphore_mem>>)
      %dma_wait3A_70 = arith.constant 0 : i32
      %dma_wait3A_71 = tpu.memref_slice %arg5[%arg0, %add3A_51, %dma_wait3A_70] : memref<2x10240x64xf32, #tpu.memory_space<hbm>> -> memref<1x128x64xf32, #tpu.memory_space<hbm>>
      %dma_wait3A_72 = tpu.memref_squeeze %dma_wait3A_71 : memref<1x128x64xf32, #tpu.memory_space<hbm>> -> memref<128x64xf32, #tpu.memory_space<hbm>>
      %dma_wait3A_73 = arith.constant 0 : i32
      %dma_wait3A_74 = tpu.memref_slice %arg11[%add3A_51, %dma_wait3A_73] : memref<10240x64xf32, #tpu.memory_space<vmem_shared>> -> memref<128x64xf32, #tpu.memory_space<vmem_shared>>
      tpu.wait_dma2 semaphore(%run_scoped3A_64 : memref<!tpu.dma_semaphore, #tpu.memory_space<semaphore_mem>>) src(%dma_wait3A_74 : memref<128x64xf32, #tpu.memory_space<vmem_shared>>) dst(%dma_wait3A_72 : memref<128x64xf32, #tpu.memory_space<hbm>>)
      tpu.yield
    }) : () -> ()
    %mul3A_52 = arith.constant 640 : i32
    %mul3A_53 = arith.muli %arg1, %mul3A_52 : i32
    %add3A_54 = arith.constant 256 : i32
    %add3A_55 = arith.addi %mul3A_53, %add3A_54 : i32
    "tpu.region"() ({
      %run_scoped3A_64 = tpu.sem_alloc : memref<!tpu.dma_semaphore, #tpu.memory_space<semaphore_mem>>
      %dma_start3A_65 = arith.constant 0 : i32
      %dma_start3A_66 = tpu.memref_slice %arg5[%arg0, %add3A_55, %dma_start3A_65] : memref<2x10240x64xf32, #tpu.memory_space<hbm>> -> memref<1x128x64xf32, #tpu.memory_space<hbm>>
      %dma_start3A_67 = tpu.memref_squeeze %dma_start3A_66 : memref<1x128x64xf32, #tpu.memory_space<hbm>> -> memref<128x64xf32, #tpu.memory_space<hbm>>
      %dma_start3A_68 = arith.constant 0 : i32
      %dma_start3A_69 = tpu.memref_slice %arg11[%add3A_55, %dma_start3A_68] : memref<10240x64xf32, #tpu.memory_space<vmem_shared>> -> memref<128x64xf32, #tpu.memory_space<vmem_shared>>
      tpu.enqueue_dma source(%dma_start3A_69 : memref<128x64xf32, #tpu.memory_space<vmem_shared>>) target(%dma_start3A_67 : memref<128x64xf32, #tpu.memory_space<hbm>>) target_semaphore(%run_scoped3A_64 : memref<!tpu.dma_semaphore, #tpu.memory_space<semaphore_mem>>)
      %dma_wait3A_70 = arith.constant 0 : i32
      %dma_wait3A_71 = tpu.memref_slice %arg5[%arg0, %add3A_55, %dma_wait3A_70] : memref<2x10240x64xf32, #tpu.memory_space<hbm>> -> memref<1x128x64xf32, #tpu.memory_space<hbm>>
      %dma_wait3A_72 = tpu.memref_squeeze %dma_wait3A_71 : memref<1x128x64xf32, #tpu.memory_space<hbm>> -> memref<128x64xf32, #tpu.memory_space<hbm>>
      %dma_wait3A_73 = arith.constant 0 : i32
      %dma_wait3A_74 = tpu.memref_slice %arg11[%add3A_55, %dma_wait3A_73] : memref<10240x64xf32, #tpu.memory_space<vmem_shared>> -> memref<128x64xf32, #tpu.memory_space<vmem_shared>>
      tpu.wait_dma2 semaphore(%run_scoped3A_64 : memref<!tpu.dma_semaphore, #tpu.memory_space<semaphore_mem>>) src(%dma_wait3A_74 : memref<128x64xf32, #tpu.memory_space<vmem_shared>>) dst(%dma_wait3A_72 : memref<128x64xf32, #tpu.memory_space<hbm>>)
      tpu.yield
    }) : () -> ()
    %mul3A_56 = arith.constant 640 : i32
    %mul3A_57 = arith.muli %arg1, %mul3A_56 : i32
    %add3A_58 = arith.constant 384 : i32
    %add3A_59 = arith.addi %mul3A_57, %add3A_58 : i32
    "tpu.region"() ({
      %run_scoped3A_64 = tpu.sem_alloc : memref<!tpu.dma_semaphore, #tpu.memory_space<semaphore_mem>>
      %dma_start3A_65 = arith.constant 0 : i32
      %dma_start3A_66 = tpu.memref_slice %arg5[%arg0, %add3A_59, %dma_start3A_65] : memref<2x10240x64xf32, #tpu.memory_space<hbm>> -> memref<1x128x64xf32, #tpu.memory_space<hbm>>
      %dma_start3A_67 = tpu.memref_squeeze %dma_start3A_66 : memref<1x128x64xf32, #tpu.memory_space<hbm>> -> memref<128x64xf32, #tpu.memory_space<hbm>>
      %dma_start3A_68 = arith.constant 0 : i32
      %dma_start3A_69 = tpu.memref_slice %arg11[%add3A_59, %dma_start3A_68] : memref<10240x64xf32, #tpu.memory_space<vmem_shared>> -> memref<128x64xf32, #tpu.memory_space<vmem_shared>>
      tpu.enqueue_dma source(%dma_start3A_69 : memref<128x64xf32, #tpu.memory_space<vmem_shared>>) target(%dma_start3A_67 : memref<128x64xf32, #tpu.memory_space<hbm>>) target_semaphore(%run_scoped3A_64 : memref<!tpu.dma_semaphore, #tpu.memory_space<semaphore_mem>>)
      %dma_wait3A_70 = arith.constant 0 : i32
      %dma_wait3A_71 = tpu.memref_slice %arg5[%arg0, %add3A_59, %dma_wait3A_70] : memref<2x10240x64xf32, #tpu.memory_space<hbm>> -> memref<1x128x64xf32, #tpu.memory_space<hbm>>
      %dma_wait3A_72 = tpu.memref_squeeze %dma_wait3A_71 : memref<1x128x64xf32, #tpu.memory_space<hbm>> -> memref<128x64xf32, #tpu.memory_space<hbm>>
      %dma_wait3A_73 = arith.constant 0 : i32
      %dma_wait3A_74 = tpu.memref_slice %arg11[%add3A_59, %dma_wait3A_73] : memref<10240x64xf32, #tpu.memory_space<vmem_shared>> -> memref<128x64xf32, #tpu.memory_space<vmem_shared>>
      tpu.wait_dma2 semaphore(%run_scoped3A_64 : memref<!tpu.dma_semaphore, #tpu.memory_space<semaphore_mem>>) src(%dma_wait3A_74 : memref<128x64xf32, #tpu.memory_space<vmem_shared>>) dst(%dma_wait3A_72 : memref<128x64xf32, #tpu.memory_space<hbm>>)
      tpu.yield
    }) : () -> ()
    %mul3A_60 = arith.constant 640 : i32
    %mul3A_61 = arith.muli %arg1, %mul3A_60 : i32
    %add3A_62 = arith.constant 512 : i32
    %add3A_63 = arith.addi %mul3A_61, %add3A_62 : i32
    "tpu.region"() ({
      %run_scoped3A_64 = tpu.sem_alloc : memref<!tpu.dma_semaphore, #tpu.memory_space<semaphore_mem>>
      %dma_start3A_65 = arith.constant 0 : i32
      %dma_start3A_66 = tpu.memref_slice %arg5[%arg0, %add3A_63, %dma_start3A_65] : memref<2x10240x64xf32, #tpu.memory_space<hbm>> -> memref<1x128x64xf32, #tpu.memory_space<hbm>>
      %dma_start3A_67 = tpu.memref_squeeze %dma_start3A_66 : memref<1x128x64xf32, #tpu.memory_space<hbm>> -> memref<128x64xf32, #tpu.memory_space<hbm>>
      %dma_start3A_68 = arith.constant 0 : i32
      %dma_start3A_69 = tpu.memref_slice %arg11[%add3A_63, %dma_start3A_68] : memref<10240x64xf32, #tpu.memory_space<vmem_shared>> -> memref<128x64xf32, #tpu.memory_space<vmem_shared>>
      tpu.enqueue_dma source(%dma_start3A_69 : memref<128x64xf32, #tpu.memory_space<vmem_shared>>) target(%dma_start3A_67 : memref<128x64xf32, #tpu.memory_space<hbm>>) target_semaphore(%run_scoped3A_64 : memref<!tpu.dma_semaphore, #tpu.memory_space<semaphore_mem>>)
      %dma_wait3A_70 = arith.constant 0 : i32
      %dma_wait3A_71 = tpu.memref_slice %arg5[%arg0, %add3A_63, %dma_wait3A_70] : memref<2x10240x64xf32, #tpu.memory_space<hbm>> -> memref<1x128x64xf32, #tpu.memory_space<hbm>>
      %dma_wait3A_72 = tpu.memref_squeeze %dma_wait3A_71 : memref<1x128x64xf32, #tpu.memory_space<hbm>> -> memref<128x64xf32, #tpu.memory_space<hbm>>
      %dma_wait3A_73 = arith.constant 0 : i32
      %dma_wait3A_74 = tpu.memref_slice %arg11[%add3A_63, %dma_wait3A_73] : memref<10240x64xf32, #tpu.memory_space<vmem_shared>> -> memref<128x64xf32, #tpu.memory_space<vmem_shared>>
      tpu.wait_dma2 semaphore(%run_scoped3A_64 : memref<!tpu.dma_semaphore, #tpu.memory_space<semaphore_mem>>) src(%dma_wait3A_74 : memref<128x64xf32, #tpu.memory_space<vmem_shared>>) dst(%dma_wait3A_72 : memref<128x64xf32, #tpu.memory_space<hbm>>)
      tpu.yield
    }) : () -> ()
    return
  }
}

#map = affine_map<(d0, d1) -> (0, 0)>
#map1 = affine_map<(d0, d1) -> (0, 0, 0)>
module attributes {stable_mosaic.version = 14 : i64} {
  func.func @_edge_scatter(%arg0: i32, %arg1: i32, %arg2: memref<10240x64xf32, #tpu.memory_space<hbm>>, %arg3: memref<32x125x80xi32, #tpu.memory_space<hbm>>, %arg4: memref<32x125x80xi32, #tpu.memory_space<hbm>>, %arg5: memref<2x10240x64xf32, #tpu.memory_space<hbm>>, %arg6: memref<125x80xi32, #tpu.memory_space<vmem>>, %arg7: memref<125x80xi32, #tpu.memory_space<vmem>>, %arg8: memref<80x64xf32, #tpu.memory_space<vmem>>, %arg9: memref<80x64xf32, #tpu.memory_space<vmem>>, %arg10: memref<128x64xf32, #tpu.memory_space<vmem>>, %arg11: memref<10240x64xf32, #tpu.memory_space<vmem_shared>>, %arg12: memref<!tpu.dma_semaphore, #tpu.memory_space<semaphore_mem>>, %arg13: memref<!tpu.dma_semaphore, #tpu.memory_space<semaphore_mem>>) attributes {dimension_semantics = [#tpu.dimension_semantics<core_parallel>, #tpu.dimension_semantics<subcore_parallel>], iteration_bounds = array<i64: 2, 16>, scalar_prefetch = 0 : i64, scratch_operands = 8 : i64, tpu.core_type = #tpu.core_type<sc_vector_subcore>, window_params = [{transform_indices = #map}, {transform_indices = #map1}, {transform_indices = #map1}, {transform_indices = #map1}]} {
    %mul3A = arith.constant 16 : i32
    %mul3A_0 = arith.muli %arg0, %mul3A : i32
    %add3A = arith.addi %mul3A_0, %arg1 : i32
    "tpu.region"() ({
      %run_scoped3A_64 = tpu.sem_alloc : memref<!tpu.dma_semaphore, #tpu.memory_space<semaphore_mem>>
      %dma_start3A_65 = arith.constant 0 : i32
      %dma_start3A_66 = arith.constant 0 : i32
      %dma_start3A_67 = tpu.memref_slice %arg3[%add3A, %dma_start3A_65, %dma_start3A_66] : memref<32x125x80xi32, #tpu.memory_space<hbm>> -> memref<1x125x80xi32, #tpu.memory_space<hbm>>
      %dma_start3A_68 = tpu.memref_squeeze %dma_start3A_67 : memref<1x125x80xi32, #tpu.memory_space<hbm>> -> memref<125x80xi32, #tpu.memory_space<hbm>>
      %dma_start3A_69 = arith.constant 0 : i32
      %dma_start3A_70 = arith.constant 0 : i32
      %dma_start3A_71 = tpu.memref_slice %arg3[%add3A, %dma_start3A_69, %dma_start3A_70] : memref<32x125x80xi32, #tpu.memory_space<hbm>> -> memref<1x125x80xi32, #tpu.memory_space<hbm>>
      %dma_start3A_72 = tpu.memref_squeeze %dma_start3A_71 : memref<1x125x80xi32, #tpu.memory_space<hbm>> -> memref<125x80xi32, #tpu.memory_space<hbm>>
      tpu.enqueue_dma source(%dma_start3A_72 : memref<125x80xi32, #tpu.memory_space<hbm>>) target(%arg6 : memref<125x80xi32, #tpu.memory_space<vmem>>) target_semaphore(%run_scoped3A_64 : memref<!tpu.dma_semaphore, #tpu.memory_space<semaphore_mem>>)
      %dma_wait3A_73 = arith.constant 0 : i32
      %dma_wait3A_74 = arith.constant 0 : i32
      %dma_wait3A_75 = tpu.memref_slice %arg3[%add3A, %dma_wait3A_73, %dma_wait3A_74] : memref<32x125x80xi32, #tpu.memory_space<hbm>> -> memref<1x125x80xi32, #tpu.memory_space<hbm>>
      %dma_wait3A_76 = tpu.memref_squeeze %dma_wait3A_75 : memref<1x125x80xi32, #tpu.memory_space<hbm>> -> memref<125x80xi32, #tpu.memory_space<hbm>>
      %dma_wait3A_77 = arith.constant 0 : i32
      %dma_wait3A_78 = arith.constant 0 : i32
      %dma_wait3A_79 = tpu.memref_slice %arg3[%add3A, %dma_wait3A_77, %dma_wait3A_78] : memref<32x125x80xi32, #tpu.memory_space<hbm>> -> memref<1x125x80xi32, #tpu.memory_space<hbm>>
      %dma_wait3A_80 = tpu.memref_squeeze %dma_wait3A_79 : memref<1x125x80xi32, #tpu.memory_space<hbm>> -> memref<125x80xi32, #tpu.memory_space<hbm>>
      tpu.wait_dma2 semaphore(%run_scoped3A_64 : memref<!tpu.dma_semaphore, #tpu.memory_space<semaphore_mem>>) src(%dma_wait3A_80 : memref<125x80xi32, #tpu.memory_space<hbm>>) dst(%arg6 : memref<125x80xi32, #tpu.memory_space<vmem>>)
      tpu.yield
    }) : () -> ()
    "tpu.region"() ({
      %run_scoped3A_64 = tpu.sem_alloc : memref<!tpu.dma_semaphore, #tpu.memory_space<semaphore_mem>>
      %dma_start3A_65 = arith.constant 0 : i32
      %dma_start3A_66 = arith.constant 0 : i32
      %dma_start3A_67 = tpu.memref_slice %arg4[%add3A, %dma_start3A_65, %dma_start3A_66] : memref<32x125x80xi32, #tpu.memory_space<hbm>> -> memref<1x125x80xi32, #tpu.memory_space<hbm>>
      %dma_start3A_68 = tpu.memref_squeeze %dma_start3A_67 : memref<1x125x80xi32, #tpu.memory_space<hbm>> -> memref<125x80xi32, #tpu.memory_space<hbm>>
      %dma_start3A_69 = arith.constant 0 : i32
      %dma_start3A_70 = arith.constant 0 : i32
      %dma_start3A_71 = tpu.memref_slice %arg4[%add3A, %dma_start3A_69, %dma_start3A_70] : memref<32x125x80xi32, #tpu.memory_space<hbm>> -> memref<1x125x80xi32, #tpu.memory_space<hbm>>
      %dma_start3A_72 = tpu.memref_squeeze %dma_start3A_71 : memref<1x125x80xi32, #tpu.memory_space<hbm>> -> memref<125x80xi32, #tpu.memory_space<hbm>>
      tpu.enqueue_dma source(%dma_start3A_72 : memref<125x80xi32, #tpu.memory_space<hbm>>) target(%arg7 : memref<125x80xi32, #tpu.memory_space<vmem>>) target_semaphore(%run_scoped3A_64 : memref<!tpu.dma_semaphore, #tpu.memory_space<semaphore_mem>>)
      %dma_wait3A_73 = arith.constant 0 : i32
      %dma_wait3A_74 = arith.constant 0 : i32
      %dma_wait3A_75 = tpu.memref_slice %arg4[%add3A, %dma_wait3A_73, %dma_wait3A_74] : memref<32x125x80xi32, #tpu.memory_space<hbm>> -> memref<1x125x80xi32, #tpu.memory_space<hbm>>
      %dma_wait3A_76 = tpu.memref_squeeze %dma_wait3A_75 : memref<1x125x80xi32, #tpu.memory_space<hbm>> -> memref<125x80xi32, #tpu.memory_space<hbm>>
      %dma_wait3A_77 = arith.constant 0 : i32
      %dma_wait3A_78 = arith.constant 0 : i32
      %dma_wait3A_79 = tpu.memref_slice %arg4[%add3A, %dma_wait3A_77, %dma_wait3A_78] : memref<32x125x80xi32, #tpu.memory_space<hbm>> -> memref<1x125x80xi32, #tpu.memory_space<hbm>>
      %dma_wait3A_80 = tpu.memref_squeeze %dma_wait3A_79 : memref<1x125x80xi32, #tpu.memory_space<hbm>> -> memref<125x80xi32, #tpu.memory_space<hbm>>
      tpu.wait_dma2 semaphore(%run_scoped3A_64 : memref<!tpu.dma_semaphore, #tpu.memory_space<semaphore_mem>>) src(%dma_wait3A_80 : memref<125x80xi32, #tpu.memory_space<hbm>>) dst(%arg7 : memref<125x80xi32, #tpu.memory_space<vmem>>)
      tpu.yield
    }) : () -> ()
    %scan3A = arith.constant 0 : i32
    %scan3A_1 = arith.constant 0 : i32
    %scan3A_2 = arith.constant 128 : i32
    %scan3A_3 = arith.addi %scan3A_1, %scan3A_2 : i32
    %scan3A_4 = arith.constant 1 : i32
    scf.for %scan3A_64 = %scan3A_1 to %scan3A_3 step %scan3A_4  : i32 {
      %broadcast_in_dim3A = arith.constant 0.000000e+00 : f32
      %broadcast_in_dim3A_65 = vector.broadcast %broadcast_in_dim3A : f32 to vector<16xf32>
      %swap3A = arith.index_cast %scan3A_64 : i32 to index
      %swap3A_66 = arith.constant 0 : index
      %swap3A_67 = tpu.vector_load %arg10[%swap3A, %swap3A_66] {strides = array<i32>} : memref<128x64xf32, #tpu.memory_space<vmem>>, vector<1x16xf32>,
      %swap3A_68 = vector.shape_cast %swap3A_67 : vector<1x16xf32> to vector<16xf32>
      %swap3A_69 = vector.shape_cast %broadcast_in_dim3A_65 : vector<16xf32> to vector<1x16xf32>
      tpu.vector_store %arg10[%swap3A, %swap3A_66], %swap3A_69 {strides = array<i32>} : memref<128x64xf32, #tpu.memory_space<vmem>>, vector<1x16xf32>,
      %broadcast_in_dim3A_70 = arith.constant 0.000000e+00 : f32
      %broadcast_in_dim3A_71 = vector.broadcast %broadcast_in_dim3A_70 : f32 to vector<16xf32>
      %swap3A_72 = arith.index_cast %scan3A_64 : i32 to index
      %swap3A_73 = arith.constant 16 : index
      %swap3A_74 = tpu.vector_load %arg10[%swap3A_72, %swap3A_73] {strides = array<i32>} : memref<128x64xf32, #tpu.memory_space<vmem>>, vector<1x16xf32>,
      %swap3A_75 = vector.shape_cast %swap3A_74 : vector<1x16xf32> to vector<16xf32>
      %swap3A_76 = vector.shape_cast %broadcast_in_dim3A_71 : vector<16xf32> to vector<1x16xf32>
      tpu.vector_store %arg10[%swap3A_72, %swap3A_73], %swap3A_76 {strides = array<i32>} : memref<128x64xf32, #tpu.memory_space<vmem>>, vector<1x16xf32>,
      %broadcast_in_dim3A_77 = arith.constant 0.000000e+00 : f32
      %broadcast_in_dim3A_78 = vector.broadcast %broadcast_in_dim3A_77 : f32 to vector<16xf32>
      %swap3A_79 = arith.index_cast %scan3A_64 : i32 to index
      %swap3A_80 = arith.constant 32 : index
      %swap3A_81 = tpu.vector_load %arg10[%swap3A_79, %swap3A_80] {strides = array<i32>} : memref<128x64xf32, #tpu.memory_space<vmem>>, vector<1x16xf32>,
      %swap3A_82 = vector.shape_cast %swap3A_81 : vector<1x16xf32> to vector<16xf32>
      %swap3A_83 = vector.shape_cast %broadcast_in_dim3A_78 : vector<16xf32> to vector<1x16xf32>
      tpu.vector_store %arg10[%swap3A_79, %swap3A_80], %swap3A_83 {strides = array<i32>} : memref<128x64xf32, #tpu.memory_space<vmem>>, vector<1x16xf32>,
      %broadcast_in_dim3A_84 = arith.constant 0.000000e+00 : f32
      %broadcast_in_dim3A_85 = vector.broadcast %broadcast_in_dim3A_84 : f32 to vector<16xf32>
      %swap3A_86 = arith.index_cast %scan3A_64 : i32 to index
      %swap3A_87 = arith.constant 48 : index
      %swap3A_88 = tpu.vector_load %arg10[%swap3A_86, %swap3A_87] {strides = array<i32>} : memref<128x64xf32, #tpu.memory_space<vmem>>, vector<1x16xf32>,
      %swap3A_89 = vector.shape_cast %swap3A_88 : vector<1x16xf32> to vector<16xf32>
      %swap3A_90 = vector.shape_cast %broadcast_in_dim3A_85 : vector<16xf32> to vector<1x16xf32>
      tpu.vector_store %arg10[%swap3A_86, %swap3A_87], %swap3A_90 {strides = array<i32>} : memref<128x64xf32, #tpu.memory_space<vmem>>, vector<1x16xf32>,
    }
    %scan3A_5 = arith.constant 128 : i32
    %mul3A_6 = arith.constant 640 : i32
    %mul3A_7 = arith.muli %arg1, %mul3A_6 : i32
    %add3A_8 = arith.constant 0 : i32
    %add3A_9 = arith.addi %mul3A_7, %add3A_8 : i32
    "tpu.region"() ({
      %run_scoped3A_64 = tpu.sem_alloc : memref<!tpu.dma_semaphore, #tpu.memory_space<semaphore_mem>>
      %dma_start3A_65 = arith.constant 0 : i32
      %dma_start3A_66 = tpu.memref_slice %arg11[%add3A_9, %dma_start3A_65] : memref<10240x64xf32, #tpu.memory_space<vmem_shared>> -> memref<128x64xf32, #tpu.memory_space<vmem_shared>>
      %dma_start3A_67 = arith.constant 0 : i32
      %dma_start3A_68 = tpu.memref_slice %arg11[%add3A_9, %dma_start3A_67] : memref<10240x64xf32, #tpu.memory_space<vmem_shared>> -> memref<128x64xf32, #tpu.memory_space<vmem_shared>>
      tpu.enqueue_dma source(%arg10 : memref<128x64xf32, #tpu.memory_space<vmem>>) target(%dma_start3A_68 : memref<128x64xf32, #tpu.memory_space<vmem_shared>>) target_semaphore(%run_scoped3A_64 : memref<!tpu.dma_semaphore, #tpu.memory_space<semaphore_mem>>)
      %dma_wait3A_69 = arith.constant 0 : i32
      %dma_wait3A_70 = tpu.memref_slice %arg11[%add3A_9, %dma_wait3A_69] : memref<10240x64xf32, #tpu.memory_space<vmem_shared>> -> memref<128x64xf32, #tpu.memory_space<vmem_shared>>
      %dma_wait3A_71 = arith.constant 0 : i32
      %dma_wait3A_72 = tpu.memref_slice %arg11[%add3A_9, %dma_wait3A_71] : memref<10240x64xf32, #tpu.memory_space<vmem_shared>> -> memref<128x64xf32, #tpu.memory_space<vmem_shared>>
      tpu.wait_dma2 semaphore(%run_scoped3A_64 : memref<!tpu.dma_semaphore, #tpu.memory_space<semaphore_mem>>) src(%arg10 : memref<128x64xf32, #tpu.memory_space<vmem>>) dst(%dma_wait3A_72 : memref<128x64xf32, #tpu.memory_space<vmem_shared>>)
      tpu.yield
    }) : () -> ()
    %mul3A_10 = arith.constant 640 : i32
    %mul3A_11 = arith.muli %arg1, %mul3A_10 : i32
    %add3A_12 = arith.constant 128 : i32
    %add3A_13 = arith.addi %mul3A_11, %add3A_12 : i32
    "tpu.region"() ({
      %run_scoped3A_64 = tpu.sem_alloc : memref<!tpu.dma_semaphore, #tpu.memory_space<semaphore_mem>>
      %dma_start3A_65 = arith.constant 0 : i32
      %dma_start3A_66 = tpu.memref_slice %arg11[%add3A_13, %dma_start3A_65] : memref<10240x64xf32, #tpu.memory_space<vmem_shared>> -> memref<128x64xf32, #tpu.memory_space<vmem_shared>>
      %dma_start3A_67 = arith.constant 0 : i32
      %dma_start3A_68 = tpu.memref_slice %arg11[%add3A_13, %dma_start3A_67] : memref<10240x64xf32, #tpu.memory_space<vmem_shared>> -> memref<128x64xf32, #tpu.memory_space<vmem_shared>>
      tpu.enqueue_dma source(%arg10 : memref<128x64xf32, #tpu.memory_space<vmem>>) target(%dma_start3A_68 : memref<128x64xf32, #tpu.memory_space<vmem_shared>>) target_semaphore(%run_scoped3A_64 : memref<!tpu.dma_semaphore, #tpu.memory_space<semaphore_mem>>)
      %dma_wait3A_69 = arith.constant 0 : i32
      %dma_wait3A_70 = tpu.memref_slice %arg11[%add3A_13, %dma_wait3A_69] : memref<10240x64xf32, #tpu.memory_space<vmem_shared>> -> memref<128x64xf32, #tpu.memory_space<vmem_shared>>
      %dma_wait3A_71 = arith.constant 0 : i32
      %dma_wait3A_72 = tpu.memref_slice %arg11[%add3A_13, %dma_wait3A_71] : memref<10240x64xf32, #tpu.memory_space<vmem_shared>> -> memref<128x64xf32, #tpu.memory_space<vmem_shared>>
      tpu.wait_dma2 semaphore(%run_scoped3A_64 : memref<!tpu.dma_semaphore, #tpu.memory_space<semaphore_mem>>) src(%arg10 : memref<128x64xf32, #tpu.memory_space<vmem>>) dst(%dma_wait3A_72 : memref<128x64xf32, #tpu.memory_space<vmem_shared>>)
      tpu.yield
    }) : () -> ()
    %mul3A_14 = arith.constant 640 : i32
    %mul3A_15 = arith.muli %arg1, %mul3A_14 : i32
    %add3A_16 = arith.constant 256 : i32
    %add3A_17 = arith.addi %mul3A_15, %add3A_16 : i32
    "tpu.region"() ({
      %run_scoped3A_64 = tpu.sem_alloc : memref<!tpu.dma_semaphore, #tpu.memory_space<semaphore_mem>>
      %dma_start3A_65 = arith.constant 0 : i32
      %dma_start3A_66 = tpu.memref_slice %arg11[%add3A_17, %dma_start3A_65] : memref<10240x64xf32, #tpu.memory_space<vmem_shared>> -> memref<128x64xf32, #tpu.memory_space<vmem_shared>>
      %dma_start3A_67 = arith.constant 0 : i32
      %dma_start3A_68 = tpu.memref_slice %arg11[%add3A_17, %dma_start3A_67] : memref<10240x64xf32, #tpu.memory_space<vmem_shared>> -> memref<128x64xf32, #tpu.memory_space<vmem_shared>>
      tpu.enqueue_dma source(%arg10 : memref<128x64xf32, #tpu.memory_space<vmem>>) target(%dma_start3A_68 : memref<128x64xf32, #tpu.memory_space<vmem_shared>>) target_semaphore(%run_scoped3A_64 : memref<!tpu.dma_semaphore, #tpu.memory_space<semaphore_mem>>)
      %dma_wait3A_69 = arith.constant 0 : i32
      %dma_wait3A_70 = tpu.memref_slice %arg11[%add3A_17, %dma_wait3A_69] : memref<10240x64xf32, #tpu.memory_space<vmem_shared>> -> memref<128x64xf32, #tpu.memory_space<vmem_shared>>
      %dma_wait3A_71 = arith.constant 0 : i32
      %dma_wait3A_72 = tpu.memref_slice %arg11[%add3A_17, %dma_wait3A_71] : memref<10240x64xf32, #tpu.memory_space<vmem_shared>> -> memref<128x64xf32, #tpu.memory_space<vmem_shared>>
      tpu.wait_dma2 semaphore(%run_scoped3A_64 : memref<!tpu.dma_semaphore, #tpu.memory_space<semaphore_mem>>) src(%arg10 : memref<128x64xf32, #tpu.memory_space<vmem>>) dst(%dma_wait3A_72 : memref<128x64xf32, #tpu.memory_space<vmem_shared>>)
      tpu.yield
    }) : () -> ()
    %mul3A_18 = arith.constant 640 : i32
    %mul3A_19 = arith.muli %arg1, %mul3A_18 : i32
    %add3A_20 = arith.constant 384 : i32
    %add3A_21 = arith.addi %mul3A_19, %add3A_20 : i32
    "tpu.region"() ({
      %run_scoped3A_64 = tpu.sem_alloc : memref<!tpu.dma_semaphore, #tpu.memory_space<semaphore_mem>>
      %dma_start3A_65 = arith.constant 0 : i32
      %dma_start3A_66 = tpu.memref_slice %arg11[%add3A_21, %dma_start3A_65] : memref<10240x64xf32, #tpu.memory_space<vmem_shared>> -> memref<128x64xf32, #tpu.memory_space<vmem_shared>>
      %dma_start3A_67 = arith.constant 0 : i32
      %dma_start3A_68 = tpu.memref_slice %arg11[%add3A_21, %dma_start3A_67] : memref<10240x64xf32, #tpu.memory_space<vmem_shared>> -> memref<128x64xf32, #tpu.memory_space<vmem_shared>>
      tpu.enqueue_dma source(%arg10 : memref<128x64xf32, #tpu.memory_space<vmem>>) target(%dma_start3A_68 : memref<128x64xf32, #tpu.memory_space<vmem_shared>>) target_semaphore(%run_scoped3A_64 : memref<!tpu.dma_semaphore, #tpu.memory_space<semaphore_mem>>)
      %dma_wait3A_69 = arith.constant 0 : i32
      %dma_wait3A_70 = tpu.memref_slice %arg11[%add3A_21, %dma_wait3A_69] : memref<10240x64xf32, #tpu.memory_space<vmem_shared>> -> memref<128x64xf32, #tpu.memory_space<vmem_shared>>
      %dma_wait3A_71 = arith.constant 0 : i32
      %dma_wait3A_72 = tpu.memref_slice %arg11[%add3A_21, %dma_wait3A_71] : memref<10240x64xf32, #tpu.memory_space<vmem_shared>> -> memref<128x64xf32, #tpu.memory_space<vmem_shared>>
      tpu.wait_dma2 semaphore(%run_scoped3A_64 : memref<!tpu.dma_semaphore, #tpu.memory_space<semaphore_mem>>) src(%arg10 : memref<128x64xf32, #tpu.memory_space<vmem>>) dst(%dma_wait3A_72 : memref<128x64xf32, #tpu.memory_space<vmem_shared>>)
      tpu.yield
    }) : () -> ()
    %mul3A_22 = arith.constant 640 : i32
    %mul3A_23 = arith.muli %arg1, %mul3A_22 : i32
    %add3A_24 = arith.constant 512 : i32
    %add3A_25 = arith.addi %mul3A_23, %add3A_24 : i32
    "tpu.region"() ({
      %run_scoped3A_64 = tpu.sem_alloc : memref<!tpu.dma_semaphore, #tpu.memory_space<semaphore_mem>>
      %dma_start3A_65 = arith.constant 0 : i32
      %dma_start3A_66 = tpu.memref_slice %arg11[%add3A_25, %dma_start3A_65] : memref<10240x64xf32, #tpu.memory_space<vmem_shared>> -> memref<128x64xf32, #tpu.memory_space<vmem_shared>>
      %dma_start3A_67 = arith.constant 0 : i32
      %dma_start3A_68 = tpu.memref_slice %arg11[%add3A_25, %dma_start3A_67] : memref<10240x64xf32, #tpu.memory_space<vmem_shared>> -> memref<128x64xf32, #tpu.memory_space<vmem_shared>>
      tpu.enqueue_dma source(%arg10 : memref<128x64xf32, #tpu.memory_space<vmem>>) target(%dma_start3A_68 : memref<128x64xf32, #tpu.memory_space<vmem_shared>>) target_semaphore(%run_scoped3A_64 : memref<!tpu.dma_semaphore, #tpu.memory_space<semaphore_mem>>)
      %dma_wait3A_69 = arith.constant 0 : i32
      %dma_wait3A_70 = tpu.memref_slice %arg11[%add3A_25, %dma_wait3A_69] : memref<10240x64xf32, #tpu.memory_space<vmem_shared>> -> memref<128x64xf32, #tpu.memory_space<vmem_shared>>
      %dma_wait3A_71 = arith.constant 0 : i32
      %dma_wait3A_72 = tpu.memref_slice %arg11[%add3A_25, %dma_wait3A_71] : memref<10240x64xf32, #tpu.memory_space<vmem_shared>> -> memref<128x64xf32, #tpu.memory_space<vmem_shared>>
      tpu.wait_dma2 semaphore(%run_scoped3A_64 : memref<!tpu.dma_semaphore, #tpu.memory_space<semaphore_mem>>) src(%arg10 : memref<128x64xf32, #tpu.memory_space<vmem>>) dst(%dma_wait3A_72 : memref<128x64xf32, #tpu.memory_space<vmem_shared>>)
      tpu.yield
    }) : () -> ()
    %barrier3A = arith.constant 0 : index
    tpu.barrier barrier_id(%barrier3A)
    %dma_start3A = arith.constant 0 : i32
    %dma_start3A_26 = arith.constant 0 : i32
    %dma_start3A_27 = tpu.memref_slice %arg6[%dma_start3A, %dma_start3A_26] : memref<125x80xi32, #tpu.memory_space<vmem>> -> memref<1x80xi32, #tpu.memory_space<vmem>>
    %dma_start3A_28 = tpu.memref_squeeze %dma_start3A_27 : memref<1x80xi32, #tpu.memory_space<vmem>> -> memref<80xi32, #tpu.memory_space<vmem>>
    %dma_start3A_29 = arith.constant 0 : i32
    %dma_start3A_30 = arith.constant 0 : i32
    %dma_start3A_31 = tpu.memref_slice %arg2[%dma_start3A_29, %dma_start3A_30] : memref<10240x64xf32, #tpu.memory_space<hbm>> -> memref<10240x64xf32, #tpu.memory_space<hbm>>
    tpu.enqueue_indirect_dma source(%dma_start3A_31 : memref<10240x64xf32, #tpu.memory_space<hbm>>) target(%arg8 : memref<80x64xf32, #tpu.memory_space<vmem>>) offsets(%dma_start3A_28 : memref<80xi32, #tpu.memory_space<vmem>>) semaphore(%arg12 : memref<!tpu.dma_semaphore, #tpu.memory_space<semaphore_mem>>)
    %scan3A_32 = arith.constant 0 : i32
    %scan3A_33 = arith.constant 0 : i32
    %scan3A_34 = arith.constant 62 : i32
    %scan3A_35 = arith.addi %scan3A_33, %scan3A_34 : i32
    %scan3A_36 = arith.constant 1 : i32
    scf.for %scan3A_64 = %scan3A_33 to %scan3A_35 step %scan3A_36  : i32 {
      %mul3A_65 = arith.constant 2 : i32
      %mul3A_66 = arith.muli %mul3A_65, %scan3A_64 : i32
      %add3A_67 = arith.constant 0 : i32
      %add3A_68 = arith.addi %mul3A_66, %add3A_67 : i32
      %dma_wait3A_69 = arith.constant 0 : i32
      %dma_wait3A_70 = arith.constant 0 : i32
      %dma_wait3A_71 = tpu.memref_slice %arg2[%dma_wait3A_69, %dma_wait3A_70] : memref<10240x64xf32, #tpu.memory_space<hbm>> -> memref<80x64xf32, #tpu.memory_space<hbm>>
      %dma_wait3A_72 = arith.constant 0 : i32
      %dma_wait3A_73 = arith.constant 0 : i32
      %dma_wait3A_74 = tpu.memref_slice %arg2[%dma_wait3A_72, %dma_wait3A_73] : memref<10240x64xf32, #tpu.memory_space<hbm>> -> memref<80x64xf32, #tpu.memory_space<hbm>>
      tpu.wait_dma2 semaphore(%arg12 : memref<!tpu.dma_semaphore, #tpu.memory_space<semaphore_mem>>) src(%dma_wait3A_74 : memref<80x64xf32, #tpu.memory_space<hbm>>) dst(%arg8 : memref<80x64xf32, #tpu.memory_space<vmem>>)
      %add3A_75 = arith.constant 1 : i32
      %add3A_76 = arith.addi %add3A_68, %add3A_75 : i32
      %dma_start3A_77 = arith.constant 0 : i32
      %dma_start3A_78 = tpu.memref_slice %arg6[%add3A_76, %dma_start3A_77] : memref<125x80xi32, #tpu.memory_space<vmem>> -> memref<1x80xi32, #tpu.memory_space<vmem>>
      %dma_start3A_79 = tpu.memref_squeeze %dma_start3A_78 : memref<1x80xi32, #tpu.memory_space<vmem>> -> memref<80xi32, #tpu.memory_space<vmem>>
      %dma_start3A_80 = arith.constant 0 : i32
      %dma_start3A_81 = arith.constant 0 : i32
      %dma_start3A_82 = tpu.memref_slice %arg2[%dma_start3A_80, %dma_start3A_81] : memref<10240x64xf32, #tpu.memory_space<hbm>> -> memref<10240x64xf32, #tpu.memory_space<hbm>>
      tpu.enqueue_indirect_dma source(%dma_start3A_82 : memref<10240x64xf32, #tpu.memory_space<hbm>>) target(%arg9 : memref<80x64xf32, #tpu.memory_space<vmem>>) offsets(%dma_start3A_79 : memref<80xi32, #tpu.memory_space<vmem>>) semaphore(%arg13 : memref<!tpu.dma_semaphore, #tpu.memory_space<semaphore_mem>>)
      "tpu.region"() ({
        %run_scoped3A_101 = tpu.sem_alloc : memref<!tpu.dma_semaphore, #tpu.memory_space<semaphore_mem>>
        %dma_start3A_102 = arith.constant 0 : i32
        %dma_start3A_103 = tpu.memref_slice %arg7[%add3A_68, %dma_start3A_102] : memref<125x80xi32, #tpu.memory_space<vmem>> -> memref<1x80xi32, #tpu.memory_space<vmem>>
        %dma_start3A_104 = tpu.memref_squeeze %dma_start3A_103 : memref<1x80xi32, #tpu.memory_space<vmem>> -> memref<80xi32, #tpu.memory_space<vmem>>
        %dma_start3A_105 = arith.constant 0 : i32
        %dma_start3A_106 = arith.constant 0 : i32
        %dma_start3A_107 = tpu.memref_slice %arg11[%dma_start3A_105, %dma_start3A_106] : memref<10240x64xf32, #tpu.memory_space<vmem_shared>> -> memref<10240x64xf32, #tpu.memory_space<vmem_shared>>
        tpu.enqueue_indirect_dma source(%arg8 : memref<80x64xf32, #tpu.memory_space<vmem>>) target(%dma_start3A_107 : memref<10240x64xf32, #tpu.memory_space<vmem_shared>>) offsets(%dma_start3A_104 : memref<80xi32, #tpu.memory_space<vmem>>) semaphore(%run_scoped3A_101 : memref<!tpu.dma_semaphore, #tpu.memory_space<semaphore_mem>>) {add = true}
        %dma_wait3A_108 = arith.constant 0 : i32
        %dma_wait3A_109 = tpu.memref_slice %arg7[%add3A_68, %dma_wait3A_108] : memref<125x80xi32, #tpu.memory_space<vmem>> -> memref<1x80xi32, #tpu.memory_space<vmem>>
        %dma_wait3A_110 = tpu.memref_squeeze %dma_wait3A_109 : memref<1x80xi32, #tpu.memory_space<vmem>> -> memref<80xi32, #tpu.memory_space<vmem>>
        %dma_wait3A_111 = arith.constant 0 : i32
        %dma_wait3A_112 = arith.constant 0 : i32
        %dma_wait3A_113 = tpu.memref_slice %arg11[%dma_wait3A_111, %dma_wait3A_112] : memref<10240x64xf32, #tpu.memory_space<vmem_shared>> -> memref<10240x64xf32, #tpu.memory_space<vmem_shared>>
        tpu.wait_indirect_dma semaphore(%run_scoped3A_101 : memref<!tpu.dma_semaphore, #tpu.memory_space<semaphore_mem>>) src(%arg8 : memref<80x64xf32, #tpu.memory_space<vmem>>) dst(%dma_wait3A_113 : memref<10240x64xf32, #tpu.memory_space<vmem_shared>>)
        tpu.yield
      }) : () -> ()
      %mul3A_83 = arith.constant 2 : i32
      %mul3A_84 = arith.muli %mul3A_83, %scan3A_64 : i32
      %add3A_85 = arith.constant 1 : i32
      %add3A_86 = arith.addi %mul3A_84, %add3A_85 : i32
      %dma_wait3A_87 = arith.constant 0 : i32
      %dma_wait3A_88 = arith.constant 0 : i32
      %dma_wait3A_89 = tpu.memref_slice %arg2[%dma_wait3A_87, %dma_wait3A_88] : memref<10240x64xf32, #tpu.memory_space<hbm>> -> memref<80x64xf32, #tpu.memory_space<hbm>>
      %dma_wait3A_90 = arith.constant 0 : i32
      %dma_wait3A_91 = arith.constant 0 : i32
      %dma_wait3A_92 = tpu.memref_slice %arg2[%dma_wait3A_90, %dma_wait3A_91] : memref<10240x64xf32, #tpu.memory_space<hbm>> -> memref<80x64xf32, #tpu.memory_space<hbm>>
      tpu.wait_dma2 semaphore(%arg13 : memref<!tpu.dma_semaphore, #tpu.memory_space<semaphore_mem>>) src(%dma_wait3A_92 : memref<80x64xf32, #tpu.memory_space<hbm>>) dst(%arg9 : memref<80x64xf32, #tpu.memory_space<vmem>>)
      %add3A_93 = arith.constant 1 : i32
      %add3A_94 = arith.addi %add3A_86, %add3A_93 : i32
      %dma_start3A_95 = arith.constant 0 : i32
      %dma_start3A_96 = tpu.memref_slice %arg6[%add3A_94, %dma_start3A_95] : memref<125x80xi32, #tpu.memory_space<vmem>> -> memref<1x80xi32, #tpu.memory_space<vmem>>
      %dma_start3A_97 = tpu.memref_squeeze %dma_start3A_96 : memref<1x80xi32, #tpu.memory_space<vmem>> -> memref<80xi32, #tpu.memory_space<vmem>>
      %dma_start3A_98 = arith.constant 0 : i32
      %dma_start3A_99 = arith.constant 0 : i32
      %dma_start3A_100 = tpu.memref_slice %arg2[%dma_start3A_98, %dma_start3A_99] : memref<10240x64xf32, #tpu.memory_space<hbm>> -> memref<10240x64xf32, #tpu.memory_space<hbm>>
      tpu.enqueue_indirect_dma source(%dma_start3A_100 : memref<10240x64xf32, #tpu.memory_space<hbm>>) target(%arg8 : memref<80x64xf32, #tpu.memory_space<vmem>>) offsets(%dma_start3A_97 : memref<80xi32, #tpu.memory_space<vmem>>) semaphore(%arg12 : memref<!tpu.dma_semaphore, #tpu.memory_space<semaphore_mem>>)
      "tpu.region"() ({
        %run_scoped3A_101 = tpu.sem_alloc : memref<!tpu.dma_semaphore, #tpu.memory_space<semaphore_mem>>
        %dma_start3A_102 = arith.constant 0 : i32
        %dma_start3A_103 = tpu.memref_slice %arg7[%add3A_86, %dma_start3A_102] : memref<125x80xi32, #tpu.memory_space<vmem>> -> memref<1x80xi32, #tpu.memory_space<vmem>>
        %dma_start3A_104 = tpu.memref_squeeze %dma_start3A_103 : memref<1x80xi32, #tpu.memory_space<vmem>> -> memref<80xi32, #tpu.memory_space<vmem>>
        %dma_start3A_105 = arith.constant 0 : i32
        %dma_start3A_106 = arith.constant 0 : i32
        %dma_start3A_107 = tpu.memref_slice %arg11[%dma_start3A_105, %dma_start3A_106] : memref<10240x64xf32, #tpu.memory_space<vmem_shared>> -> memref<10240x64xf32, #tpu.memory_space<vmem_shared>>
        tpu.enqueue_indirect_dma source(%arg9 : memref<80x64xf32, #tpu.memory_space<vmem>>) target(%dma_start3A_107 : memref<10240x64xf32, #tpu.memory_space<vmem_shared>>) offsets(%dma_start3A_104 : memref<80xi32, #tpu.memory_space<vmem>>) semaphore(%run_scoped3A_101 : memref<!tpu.dma_semaphore, #tpu.memory_space<semaphore_mem>>) {add = true}
        %dma_wait3A_108 = arith.constant 0 : i32
        %dma_wait3A_109 = tpu.memref_slice %arg7[%add3A_86, %dma_wait3A_108] : memref<125x80xi32, #tpu.memory_space<vmem>> -> memref<1x80xi32, #tpu.memory_space<vmem>>
        %dma_wait3A_110 = tpu.memref_squeeze %dma_wait3A_109 : memref<1x80xi32, #tpu.memory_space<vmem>> -> memref<80xi32, #tpu.memory_space<vmem>>
        %dma_wait3A_111 = arith.constant 0 : i32
        %dma_wait3A_112 = arith.constant 0 : i32
        %dma_wait3A_113 = tpu.memref_slice %arg11[%dma_wait3A_111, %dma_wait3A_112] : memref<10240x64xf32, #tpu.memory_space<vmem_shared>> -> memref<10240x64xf32, #tpu.memory_space<vmem_shared>>
        tpu.wait_indirect_dma semaphore(%run_scoped3A_101 : memref<!tpu.dma_semaphore, #tpu.memory_space<semaphore_mem>>) src(%arg9 : memref<80x64xf32, #tpu.memory_space<vmem>>) dst(%dma_wait3A_113 : memref<10240x64xf32, #tpu.memory_space<vmem_shared>>)
        tpu.yield
      }) : () -> ()
    }
    %scan3A_37 = arith.constant 62 : i32
    %dma_wait3A = arith.constant 0 : i32
    %dma_wait3A_38 = arith.constant 0 : i32
    %dma_wait3A_39 = tpu.memref_slice %arg2[%dma_wait3A, %dma_wait3A_38] : memref<10240x64xf32, #tpu.memory_space<hbm>> -> memref<80x64xf32, #tpu.memory_space<hbm>>
    %dma_wait3A_40 = arith.constant 0 : i32
    %dma_wait3A_41 = arith.constant 0 : i32
    %dma_wait3A_42 = tpu.memref_slice %arg2[%dma_wait3A_40, %dma_wait3A_41] : memref<10240x64xf32, #tpu.memory_space<hbm>> -> memref<80x64xf32, #tpu.memory_space<hbm>>
    tpu.wait_dma2 semaphore(%arg12 : memref<!tpu.dma_semaphore, #tpu.memory_space<semaphore_mem>>) src(%dma_wait3A_42 : memref<80x64xf32, #tpu.memory_space<hbm>>) dst(%arg8 : memref<80x64xf32, #tpu.memory_space<vmem>>)
    %run_scoped3A = arith.constant 124 : i32
    "tpu.region"() ({
      %run_scoped3A_64 = tpu.sem_alloc : memref<!tpu.dma_semaphore, #tpu.memory_space<semaphore_mem>>
      %dma_start3A_65 = arith.constant 0 : i32
      %dma_start3A_66 = tpu.memref_slice %arg7[%run_scoped3A, %dma_start3A_65] : memref<125x80xi32, #tpu.memory_space<vmem>> -> memref<1x80xi32, #tpu.memory_space<vmem>>
      %dma_start3A_67 = tpu.memref_squeeze %dma_start3A_66 : memref<1x80xi32, #tpu.memory_space<vmem>> -> memref<80xi32, #tpu.memory_space<vmem>>
      %dma_start3A_68 = arith.constant 0 : i32
      %dma_start3A_69 = arith.constant 0 : i32
      %dma_start3A_70 = tpu.memref_slice %arg11[%dma_start3A_68, %dma_start3A_69] : memref<10240x64xf32, #tpu.memory_space<vmem_shared>> -> memref<10240x64xf32, #tpu.memory_space<vmem_shared>>
      tpu.enqueue_indirect_dma source(%arg8 : memref<80x64xf32, #tpu.memory_space<vmem>>) target(%dma_start3A_70 : memref<10240x64xf32, #tpu.memory_space<vmem_shared>>) offsets(%dma_start3A_67 : memref<80xi32, #tpu.memory_space<vmem>>) semaphore(%run_scoped3A_64 : memref<!tpu.dma_semaphore, #tpu.memory_space<semaphore_mem>>) {add = true}
      %dma_wait3A_71 = arith.constant 0 : i32
      %dma_wait3A_72 = tpu.memref_slice %arg7[%run_scoped3A, %dma_wait3A_71] : memref<125x80xi32, #tpu.memory_space<vmem>> -> memref<1x80xi32, #tpu.memory_space<vmem>>
      %dma_wait3A_73 = tpu.memref_squeeze %dma_wait3A_72 : memref<1x80xi32, #tpu.memory_space<vmem>> -> memref<80xi32, #tpu.memory_space<vmem>>
      %dma_wait3A_74 = arith.constant 0 : i32
      %dma_wait3A_75 = arith.constant 0 : i32
      %dma_wait3A_76 = tpu.memref_slice %arg11[%dma_wait3A_74, %dma_wait3A_75] : memref<10240x64xf32, #tpu.memory_space<vmem_shared>> -> memref<10240x64xf32, #tpu.memory_space<vmem_shared>>
      tpu.wait_indirect_dma semaphore(%run_scoped3A_64 : memref<!tpu.dma_semaphore, #tpu.memory_space<semaphore_mem>>) src(%arg8 : memref<80x64xf32, #tpu.memory_space<vmem>>) dst(%dma_wait3A_76 : memref<10240x64xf32, #tpu.memory_space<vmem_shared>>)
      tpu.yield
    }) : () -> ()
    %barrier3A_43 = arith.constant 0 : index
    tpu.barrier barrier_id(%barrier3A_43)
    %mul3A_44 = arith.constant 640 : i32
    %mul3A_45 = arith.muli %arg1, %mul3A_44 : i32
    %add3A_46 = arith.constant 0 : i32
    %add3A_47 = arith.addi %mul3A_45, %add3A_46 : i32
    "tpu.region"() ({
      %run_scoped3A_64 = tpu.sem_alloc : memref<!tpu.dma_semaphore, #tpu.memory_space<semaphore_mem>>
      %dma_start3A_65 = arith.constant 0 : i32
      %dma_start3A_66 = tpu.memref_slice %arg5[%arg0, %add3A_47, %dma_start3A_65] : memref<2x10240x64xf32, #tpu.memory_space<hbm>> -> memref<1x128x64xf32, #tpu.memory_space<hbm>>
      %dma_start3A_67 = tpu.memref_squeeze %dma_start3A_66 : memref<1x128x64xf32, #tpu.memory_space<hbm>> -> memref<128x64xf32, #tpu.memory_space<hbm>>
      %dma_start3A_68 = arith.constant 0 : i32
      %dma_start3A_69 = tpu.memref_slice %arg11[%add3A_47, %dma_start3A_68] : memref<10240x64xf32, #tpu.memory_space<vmem_shared>> -> memref<128x64xf32, #tpu.memory_space<vmem_shared>>
      tpu.enqueue_dma source(%dma_start3A_69 : memref<128x64xf32, #tpu.memory_space<vmem_shared>>) target(%dma_start3A_67 : memref<128x64xf32, #tpu.memory_space<hbm>>) target_semaphore(%run_scoped3A_64 : memref<!tpu.dma_semaphore, #tpu.memory_space<semaphore_mem>>)
      %dma_wait3A_70 = arith.constant 0 : i32
      %dma_wait3A_71 = tpu.memref_slice %arg5[%arg0, %add3A_47, %dma_wait3A_70] : memref<2x10240x64xf32, #tpu.memory_space<hbm>> -> memref<1x128x64xf32, #tpu.memory_space<hbm>>
      %dma_wait3A_72 = tpu.memref_squeeze %dma_wait3A_71 : memref<1x128x64xf32, #tpu.memory_space<hbm>> -> memref<128x64xf32, #tpu.memory_space<hbm>>
      %dma_wait3A_73 = arith.constant 0 : i32
      %dma_wait3A_74 = tpu.memref_slice %arg11[%add3A_47, %dma_wait3A_73] : memref<10240x64xf32, #tpu.memory_space<vmem_shared>> -> memref<128x64xf32, #tpu.memory_space<vmem_shared>>
      tpu.wait_dma2 semaphore(%run_scoped3A_64 : memref<!tpu.dma_semaphore, #tpu.memory_space<semaphore_mem>>) src(%dma_wait3A_74 : memref<128x64xf32, #tpu.memory_space<vmem_shared>>) dst(%dma_wait3A_72 : memref<128x64xf32, #tpu.memory_space<hbm>>)
      tpu.yield
    }) : () -> ()
    %mul3A_48 = arith.constant 640 : i32
    %mul3A_49 = arith.muli %arg1, %mul3A_48 : i32
    %add3A_50 = arith.constant 128 : i32
    %add3A_51 = arith.addi %mul3A_49, %add3A_50 : i32
    "tpu.region"() ({
      %run_scoped3A_64 = tpu.sem_alloc : memref<!tpu.dma_semaphore, #tpu.memory_space<semaphore_mem>>
      %dma_start3A_65 = arith.constant 0 : i32
      %dma_start3A_66 = tpu.memref_slice %arg5[%arg0, %add3A_51, %dma_start3A_65] : memref<2x10240x64xf32, #tpu.memory_space<hbm>> -> memref<1x128x64xf32, #tpu.memory_space<hbm>>
      %dma_start3A_67 = tpu.memref_squeeze %dma_start3A_66 : memref<1x128x64xf32, #tpu.memory_space<hbm>> -> memref<128x64xf32, #tpu.memory_space<hbm>>
      %dma_start3A_68 = arith.constant 0 : i32
      %dma_start3A_69 = tpu.memref_slice %arg11[%add3A_51, %dma_start3A_68] : memref<10240x64xf32, #tpu.memory_space<vmem_shared>> -> memref<128x64xf32, #tpu.memory_space<vmem_shared>>
      tpu.enqueue_dma source(%dma_start3A_69 : memref<128x64xf32, #tpu.memory_space<vmem_shared>>) target(%dma_start3A_67 : memref<128x64xf32, #tpu.memory_space<hbm>>) target_semaphore(%run_scoped3A_64 : memref<!tpu.dma_semaphore, #tpu.memory_space<semaphore_mem>>)
      %dma_wait3A_70 = arith.constant 0 : i32
      %dma_wait3A_71 = tpu.memref_slice %arg5[%arg0, %add3A_51, %dma_wait3A_70] : memref<2x10240x64xf32, #tpu.memory_space<hbm>> -> memref<1x128x64xf32, #tpu.memory_space<hbm>>
      %dma_wait3A_72 = tpu.memref_squeeze %dma_wait3A_71 : memref<1x128x64xf32, #tpu.memory_space<hbm>> -> memref<128x64xf32, #tpu.memory_space<hbm>>
      %dma_wait3A_73 = arith.constant 0 : i32
      %dma_wait3A_74 = tpu.memref_slice %arg11[%add3A_51, %dma_wait3A_73] : memref<10240x64xf32, #tpu.memory_space<vmem_shared>> -> memref<128x64xf32, #tpu.memory_space<vmem_shared>>
      tpu.wait_dma2 semaphore(%run_scoped3A_64 : memref<!tpu.dma_semaphore, #tpu.memory_space<semaphore_mem>>) src(%dma_wait3A_74 : memref<128x64xf32, #tpu.memory_space<vmem_shared>>) dst(%dma_wait3A_72 : memref<128x64xf32, #tpu.memory_space<hbm>>)
      tpu.yield
    }) : () -> ()
    %mul3A_52 = arith.constant 640 : i32
    %mul3A_53 = arith.muli %arg1, %mul3A_52 : i32
    %add3A_54 = arith.constant 256 : i32
    %add3A_55 = arith.addi %mul3A_53, %add3A_54 : i32
    "tpu.region"() ({
      %run_scoped3A_64 = tpu.sem_alloc : memref<!tpu.dma_semaphore, #tpu.memory_space<semaphore_mem>>
      %dma_start3A_65 = arith.constant 0 : i32
      %dma_start3A_66 = tpu.memref_slice %arg5[%arg0, %add3A_55, %dma_start3A_65] : memref<2x10240x64xf32, #tpu.memory_space<hbm>> -> memref<1x128x64xf32, #tpu.memory_space<hbm>>
      %dma_start3A_67 = tpu.memref_squeeze %dma_start3A_66 : memref<1x128x64xf32, #tpu.memory_space<hbm>> -> memref<128x64xf32, #tpu.memory_space<hbm>>
      %dma_start3A_68 = arith.constant 0 : i32
      %dma_start3A_69 = tpu.memref_slice %arg11[%add3A_55, %dma_start3A_68] : memref<10240x64xf32, #tpu.memory_space<vmem_shared>> -> memref<128x64xf32, #tpu.memory_space<vmem_shared>>
      tpu.enqueue_dma source(%dma_start3A_69 : memref<128x64xf32, #tpu.memory_space<vmem_shared>>) target(%dma_start3A_67 : memref<128x64xf32, #tpu.memory_space<hbm>>) target_semaphore(%run_scoped3A_64 : memref<!tpu.dma_semaphore, #tpu.memory_space<semaphore_mem>>)
      %dma_wait3A_70 = arith.constant 0 : i32
      %dma_wait3A_71 = tpu.memref_slice %arg5[%arg0, %add3A_55, %dma_wait3A_70] : memref<2x10240x64xf32, #tpu.memory_space<hbm>> -> memref<1x128x64xf32, #tpu.memory_space<hbm>>
      %dma_wait3A_72 = tpu.memref_squeeze %dma_wait3A_71 : memref<1x128x64xf32, #tpu.memory_space<hbm>> -> memref<128x64xf32, #tpu.memory_space<hbm>>
      %dma_wait3A_73 = arith.constant 0 : i32
      %dma_wait3A_74 = tpu.memref_slice %arg11[%add3A_55, %dma_wait3A_73] : memref<10240x64xf32, #tpu.memory_space<vmem_shared>> -> memref<128x64xf32, #tpu.memory_space<vmem_shared>>
      tpu.wait_dma2 semaphore(%run_scoped3A_64 : memref<!tpu.dma_semaphore, #tpu.memory_space<semaphore_mem>>) src(%dma_wait3A_74 : memref<128x64xf32, #tpu.memory_space<vmem_shared>>) dst(%dma_wait3A_72 : memref<128x64xf32, #tpu.memory_space<hbm>>)
      tpu.yield
    }) : () -> ()
    %mul3A_56 = arith.constant 640 : i32
    %mul3A_57 = arith.muli %arg1, %mul3A_56 : i32
    %add3A_58 = arith.constant 384 : i32
    %add3A_59 = arith.addi %mul3A_57, %add3A_58 : i32
    "tpu.region"() ({
      %run_scoped3A_64 = tpu.sem_alloc : memref<!tpu.dma_semaphore, #tpu.memory_space<semaphore_mem>>
      %dma_start3A_65 = arith.constant 0 : i32
      %dma_start3A_66 = tpu.memref_slice %arg5[%arg0, %add3A_59, %dma_start3A_65] : memref<2x10240x64xf32, #tpu.memory_space<hbm>> -> memref<1x128x64xf32, #tpu.memory_space<hbm>>
      %dma_start3A_67 = tpu.memref_squeeze %dma_start3A_66 : memref<1x128x64xf32, #tpu.memory_space<hbm>> -> memref<128x64xf32, #tpu.memory_space<hbm>>
      %dma_start3A_68 = arith.constant 0 : i32
      %dma_start3A_69 = tpu.memref_slice %arg11[%add3A_59, %dma_start3A_68] : memref<10240x64xf32, #tpu.memory_space<vmem_shared>> -> memref<128x64xf32, #tpu.memory_space<vmem_shared>>
      tpu.enqueue_dma source(%dma_start3A_69 : memref<128x64xf32, #tpu.memory_space<vmem_shared>>) target(%dma_start3A_67 : memref<128x64xf32, #tpu.memory_space<hbm>>) target_semaphore(%run_scoped3A_64 : memref<!tpu.dma_semaphore, #tpu.memory_space<semaphore_mem>>)
      %dma_wait3A_70 = arith.constant 0 : i32
      %dma_wait3A_71 = tpu.memref_slice %arg5[%arg0, %add3A_59, %dma_wait3A_70] : memref<2x10240x64xf32, #tpu.memory_space<hbm>> -> memref<1x128x64xf32, #tpu.memory_space<hbm>>
      %dma_wait3A_72 = tpu.memref_squeeze %dma_wait3A_71 : memref<1x128x64xf32, #tpu.memory_space<hbm>> -> memref<128x64xf32, #tpu.memory_space<hbm>>
      %dma_wait3A_73 = arith.constant 0 : i32
      %dma_wait3A_74 = tpu.memref_slice %arg11[%add3A_59, %dma_wait3A_73] : memref<10240x64xf32, #tpu.memory_space<vmem_shared>> -> memref<128x64xf32, #tpu.memory_space<vmem_shared>>
      tpu.wait_dma2 semaphore(%run_scoped3A_64 : memref<!tpu.dma_semaphore, #tpu.memory_space<semaphore_mem>>) src(%dma_wait3A_74 : memref<128x64xf32, #tpu.memory_space<vmem_shared>>) dst(%dma_wait3A_72 : memref<128x64xf32, #tpu.memory_space<hbm>>)
      tpu.yield
    }) : () -> ()
    %mul3A_60 = arith.constant 640 : i32
    %mul3A_61 = arith.muli %arg1, %mul3A_60 : i32
    %add3A_62 = arith.constant 512 : i32
    %add3A_63 = arith.addi %mul3A_61, %add3A_62 : i32
    "tpu.region"() ({
      %run_scoped3A_64 = tpu.sem_alloc : memref<!tpu.dma_semaphore, #tpu.memory_space<semaphore_mem>>
      %dma_start3A_65 = arith.constant 0 : i32
      %dma_start3A_66 = tpu.memref_slice %arg5[%arg0, %add3A_63, %dma_start3A_65] : memref<2x10240x64xf32, #tpu.memory_space<hbm>> -> memref<1x128x64xf32, #tpu.memory_space<hbm>>
      %dma_start3A_67 = tpu.memref_squeeze %dma_start3A_66 : memref<1x128x64xf32, #tpu.memory_space<hbm>> -> memref<128x64xf32, #tpu.memory_space<hbm>>
      %dma_start3A_68 = arith.constant 0 : i32
      %dma_start3A_69 = tpu.memref_slice %arg11[%add3A_63, %dma_start3A_68] : memref<10240x64xf32, #tpu.memory_space<vmem_shared>> -> memref<128x64xf32, #tpu.memory_space<vmem_shared>>
      tpu.enqueue_dma source(%dma_start3A_69 : memref<128x64xf32, #tpu.memory_space<vmem_shared>>) target(%dma_start3A_67 : memref<128x64xf32, #tpu.memory_space<hbm>>) target_semaphore(%run_scoped3A_64 : memref<!tpu.dma_semaphore, #tpu.memory_space<semaphore_mem>>)
      %dma_wait3A_70 = arith.constant 0 : i32
      %dma_wait3A_71 = tpu.memref_slice %arg5[%arg0, %add3A_63, %dma_wait3A_70] : memref<2x10240x64xf32, #tpu.memory_space<hbm>> -> memref<1x128x64xf32, #tpu.memory_space<hbm>>
      %dma_wait3A_72 = tpu.memref_squeeze %dma_wait3A_71 : memref<1x128x64xf32, #tpu.memory_space<hbm>> -> memref<128x64xf32, #tpu.memory_space<hbm>>
      %dma_wait3A_73 = arith.constant 0 : i32
      %dma_wait3A_74 = tpu.memref_slice %arg11[%add3A_63, %dma_wait3A_73] : memref<10240x64xf32, #tpu.memory_space<vmem_shared>> -> memref<128x64xf32, #tpu.memory_space<vmem_shared>>
      tpu.wait_dma2 semaphore(%run_scoped3A_64 : memref<!tpu.dma_semaphore, #tpu.memory_space<semaphore_mem>>) src(%dma_wait3A_74 : memref<128x64xf32, #tpu.memory_space<vmem_shared>>) dst(%dma_wait3A_72 : memref<128x64xf32, #tpu.memory_space<hbm>>)
      tpu.yield
    }) : () -> ()
    return
  }
}

module attributes {stable_mosaic.version = 14 : i64} {
  func.func @_tc0_body(%arg0: memref<10240x128xf32, #tpu.memory_space<vmem>>, %arg1: memref<128x64xf32, #tpu.memory_space<vmem>>, %arg2: memref<2x10240x1xf32, #tpu.memory_space<vmem>>, %arg3: memref<10240x1xf32, #tpu.memory_space<vmem>>, %arg4: memref<10240x64xf32, #tpu.memory_space<vmem>>) attributes {dimension_semantics = [], scalar_prefetch = 0 : i64, scratch_operands = 0 : i64, tpu.core_type = #tpu.core_type<tc>} {
    %get3A = arith.constant 0 : index
    %get3A_0 = arith.constant 0 : index
    %get3A_1 = arith.constant 0 : index
    %get3A_2 = vector.load %arg2[%get3A, %get3A_0, %get3A_1] : memref<2x10240x1xf32, #tpu.memory_space<vmem>>, vector<2x10240x1xf32>
    %slice3A = vector.extract_strided_slice %get3A_2 {offsets = [0, 0, 0], sizes = [1, 10240, 1], strides = [1, 1, 1]} : vector<2x10240x1xf32> to vector<1x10240x1xf32>
    %squeeze3A = vector.shape_cast %slice3A : vector<1x10240x1xf32> to vector<10240x1xf32>
    %slice3A_3 = vector.extract_strided_slice %get3A_2 {offsets = [1, 0, 0], sizes = [1, 10240, 1], strides = [1, 1, 1]} : vector<2x10240x1xf32> to vector<1x10240x1xf32>
    %squeeze3A_4 = vector.shape_cast %slice3A_3 : vector<1x10240x1xf32> to vector<10240x1xf32>
    %add3A = arith.addf %squeeze3A, %squeeze3A_4 : vector<10240x1xf32>
    %add3A_5 = arith.constant 1.000000e+00 : f32
    %add3A_6 = vector.broadcast %add3A_5 : f32 to vector<10240x1xf32>
    %add3A_7 = arith.addf %add3A, %add3A_6 : vector<10240x1xf32>
    %rsqrt3A = math.rsqrt %add3A_7 : vector<10240x1xf32>
    %get3A_8 = arith.constant 0 : index
    %get3A_9 = arith.constant 0 : index
    %get3A_10 = vector.load %arg0[%get3A_8, %get3A_9] : memref<10240x128xf32, #tpu.memory_space<vmem>>, vector<10240x128xf32>
    %get3A_11 = arith.constant 0 : index
    %get3A_12 = arith.constant 0 : index
    %get3A_13 = vector.load %arg1[%get3A_11, %get3A_12] : memref<128x64xf32, #tpu.memory_space<vmem>>, vector<128x64xf32>
    %dot_general3A = arith.constant dense<0.000000e+00> : vector<10240x64xf32>
    %dot_general3A_14 = tpu.matmul %get3A_10, %get3A_13, %dot_general3A {dimension_numbers = #tpu.dot_dimension_numbers<[1], [0], [0], [1], [0, 0, 1, 1], [], []>, transpose_lhs_hint = false} : vector<10240x128xf32>, vector<128x64xf32>, vector<10240x64xf32> -> vector<10240x64xf32>
    %swap3A = arith.constant 0 : index
    %swap3A_15 = arith.constant 0 : index
    %swap3A_16 = vector.load %arg3[%swap3A, %swap3A_15] : memref<10240x1xf32, #tpu.memory_space<vmem>>, vector<10240x1xf32>
    tpu.vector_store %arg3[%swap3A, %swap3A_15], %rsqrt3A {strides = array<i32>} : memref<10240x1xf32, #tpu.memory_space<vmem>>, vector<10240x1xf32>,
    %mul3A = vector.broadcast %rsqrt3A : vector<10240x1xf32> to vector<10240x64xf32>
    %mul3A_17 = arith.mulf %dot_general3A_14, %mul3A : vector<10240x64xf32>
    %swap3A_18 = arith.constant 0 : index
    %swap3A_19 = arith.constant 0 : index
    %swap3A_20 = vector.load %arg4[%swap3A_18, %swap3A_19] : memref<10240x64xf32, #tpu.memory_space<vmem>>, vector<10240x64xf32>
    tpu.vector_store %arg4[%swap3A_18, %swap3A_19], %mul3A_17 {strides = array<i32>} : memref<10240x64xf32, #tpu.memory_space<vmem>>, vector<10240x64xf32>,
    return
  }
}

module attributes {stable_mosaic.version = 14 : i64} {
  func.func @_tc_mid_body(%arg0: memref<2x10240x64xf32, #tpu.memory_space<vmem>>, %arg1: memref<10240x64xf32, #tpu.memory_space<vmem>>, %arg2: memref<10240x1xf32, #tpu.memory_space<vmem>>, %arg3: memref<1x64xf32, #tpu.memory_space<vmem>>, %arg4: memref<1x64xf32, #tpu.memory_space<vmem>>, %arg5: memref<1x64xf32, #tpu.memory_space<vmem>>, %arg6: memref<64x64xf32, #tpu.memory_space<vmem>>, %arg7: memref<10240x64xf32, #tpu.memory_space<vmem>>) attributes {dimension_semantics = [], scalar_prefetch = 0 : i64, scratch_operands = 0 : i64, tpu.core_type = #tpu.core_type<tc>} {
    %get3A = arith.constant 0 : index
    %get3A_0 = arith.constant 0 : index
    %get3A_1 = arith.constant 0 : index
    %get3A_2 = vector.load %arg0[%get3A, %get3A_0, %get3A_1] : memref<2x10240x64xf32, #tpu.memory_space<vmem>>, vector<2x10240x64xf32>
    %get3A_3 = arith.constant 0 : index
    %get3A_4 = arith.constant 0 : index
    %get3A_5 = vector.load %arg2[%get3A_3, %get3A_4] : memref<10240x1xf32, #tpu.memory_space<vmem>>, vector<10240x1xf32>
    %slice3A = vector.extract_strided_slice %get3A_2 {offsets = [0, 0, 0], sizes = [1, 10240, 64], strides = [1, 1, 1]} : vector<2x10240x64xf32> to vector<1x10240x64xf32>
    %squeeze3A = vector.shape_cast %slice3A : vector<1x10240x64xf32> to vector<10240x64xf32>
    %slice3A_6 = vector.extract_strided_slice %get3A_2 {offsets = [1, 0, 0], sizes = [1, 10240, 64], strides = [1, 1, 1]} : vector<2x10240x64xf32> to vector<1x10240x64xf32>
    %squeeze3A_7 = vector.shape_cast %slice3A_6 : vector<1x10240x64xf32> to vector<10240x64xf32>
    %add3A = arith.addf %squeeze3A, %squeeze3A_7 : vector<10240x64xf32>
    %get3A_8 = arith.constant 0 : index
    %get3A_9 = arith.constant 0 : index
    %get3A_10 = vector.load %arg1[%get3A_8, %get3A_9] : memref<10240x64xf32, #tpu.memory_space<vmem>>, vector<10240x64xf32>
    %add3A_11 = arith.addf %add3A, %get3A_10 : vector<10240x64xf32>
    %mul3A = vector.broadcast %get3A_5 : vector<10240x1xf32> to vector<10240x64xf32>
    %mul3A_12 = arith.mulf %add3A_11, %mul3A : vector<10240x64xf32>
    %get3A_13 = arith.constant 0 : index
    %get3A_14 = arith.constant 0 : index
    %get3A_15 = vector.load %arg3[%get3A_13, %get3A_14] : memref<1x64xf32, #tpu.memory_space<vmem>>, vector<1x64xf32>
    %add3A_16 = vector.broadcast %get3A_15 : vector<1x64xf32> to vector<10240x64xf32>
    %add3A_17 = arith.addf %mul3A_12, %add3A_16 : vector<10240x64xf32>
    %get3A_18 = arith.constant 0 : index
    %get3A_19 = arith.constant 0 : index
    %get3A_20 = vector.load %arg4[%get3A_18, %get3A_19] : memref<1x64xf32, #tpu.memory_space<vmem>>, vector<1x64xf32>
    %get3A_21 = arith.constant 0 : index
    %get3A_22 = arith.constant 0 : index
    %get3A_23 = vector.load %arg5[%get3A_21, %get3A_22] : memref<1x64xf32, #tpu.memory_space<vmem>>, vector<1x64xf32>
    %iota3A = tpu.iota {dimensions = array<i32: 0>} : vector<10240x1xi32>
    %lt3A = arith.constant 10000 : i32
    %lt3A_24 = vector.broadcast %lt3A : i32 to vector<10240x1xi32>
    %lt3A_25 = arith.cmpi slt, %iota3A, %lt3A_24 : vector<10240x1xi32>
    %jit3A = arith.constant 0.000000e+00 : f32
    %broadcast_in_dim3A = vector.shape_cast %lt3A_25 : vector<10240x1xi1> to vector<10240x1xi1>
    %broadcast_in_dim3A_26 = vector.broadcast %broadcast_in_dim3A : vector<10240x1xi1> to vector<10240x64xi1>
    %broadcast_in_dim3A_27 = vector.broadcast %jit3A : f32 to vector<10240x64xf32>
    %select_n3A = arith.select %broadcast_in_dim3A_26, %add3A_17, %broadcast_in_dim3A_27 : vector<10240x64xi1>, vector<10240x64xf32>
    %reduce_sum3A = arith.constant dense<0.000000e+00> : vector<64xf32>
    %reduce_sum3A_28 = vector.multi_reduction <add>, %select_n3A, %reduce_sum3A [0] : vector<10240x64xf32> to vector<64xf32>
    %broadcast_in_dim3A_29 = vector.shape_cast %reduce_sum3A_28 : vector<64xf32> to vector<1x64xf32>
    %div3A = arith.constant 1.000000e+04 : f32
    %div3A_30 = vector.broadcast %div3A : f32 to vector<1x64xf32>
    %div3A_31 = arith.divf %broadcast_in_dim3A_29, %div3A_30 : vector<1x64xf32>
    %sub3A = vector.broadcast %div3A_31 : vector<1x64xf32> to vector<10240x64xf32>
    %sub3A_32 = arith.subf %add3A_17, %sub3A : vector<10240x64xf32>
    %jit3A_33 = arith.constant 0.000000e+00 : f32
    %broadcast_in_dim3A_34 = vector.shape_cast %lt3A_25 : vector<10240x1xi1> to vector<10240x1xi1>
    %broadcast_in_dim3A_35 = vector.broadcast %broadcast_in_dim3A_34 : vector<10240x1xi1> to vector<10240x64xi1>
    %broadcast_in_dim3A_36 = vector.broadcast %jit3A_33 : f32 to vector<10240x64xf32>
    %select_n3A_37 = arith.select %broadcast_in_dim3A_35, %sub3A_32, %broadcast_in_dim3A_36 : vector<10240x64xi1>, vector<10240x64xf32>
    %mul3A_38 = arith.mulf %select_n3A_37, %select_n3A_37 : vector<10240x64xf32>
    %reduce_sum3A_39 = arith.constant dense<0.000000e+00> : vector<64xf32>
    %reduce_sum3A_40 = vector.multi_reduction <add>, %mul3A_38, %reduce_sum3A_39 [0] : vector<10240x64xf32> to vector<64xf32>
    %broadcast_in_dim3A_41 = vector.shape_cast %reduce_sum3A_40 : vector<64xf32> to vector<1x64xf32>
    %div3A_42 = arith.constant 1.000000e+04 : f32
    %div3A_43 = vector.broadcast %div3A_42 : f32 to vector<1x64xf32>
    %div3A_44 = arith.divf %broadcast_in_dim3A_41, %div3A_43 : vector<1x64xf32>
    %sub3A_45 = vector.broadcast %div3A_31 : vector<1x64xf32> to vector<10240x64xf32>
    %sub3A_46 = arith.subf %add3A_17, %sub3A_45 : vector<10240x64xf32>
    %add3A_47 = arith.constant 9.99999974E-6 : f32
    %add3A_48 = vector.broadcast %add3A_47 : f32 to vector<1x64xf32>
    %add3A_49 = arith.addf %div3A_44, %add3A_48 : vector<1x64xf32>
    %rsqrt3A = math.rsqrt %add3A_49 : vector<1x64xf32>
    %mul3A_50 = vector.broadcast %rsqrt3A : vector<1x64xf32> to vector<10240x64xf32>
    %mul3A_51 = arith.mulf %sub3A_46, %mul3A_50 : vector<10240x64xf32>
    %mul3A_52 = vector.broadcast %get3A_20 : vector<1x64xf32> to vector<10240x64xf32>
    %mul3A_53 = arith.mulf %mul3A_51, %mul3A_52 : vector<10240x64xf32>
    %add3A_54 = vector.broadcast %get3A_23 : vector<1x64xf32> to vector<10240x64xf32>
    %add3A_55 = arith.addf %mul3A_53, %add3A_54 : vector<10240x64xf32>
    %max3A = arith.constant 0.000000e+00 : f32
    %max3A_56 = vector.broadcast %max3A : f32 to vector<10240x64xf32>
    %max3A_57 = arith.maximumf %add3A_55, %max3A_56 : vector<10240x64xf32>
    %jit3A_58 = arith.constant 0.000000e+00 : f32
    %broadcast_in_dim3A_59 = vector.shape_cast %lt3A_25 : vector<10240x1xi1> to vector<10240x1xi1>
    %broadcast_in_dim3A_60 = vector.broadcast %broadcast_in_dim3A_59 : vector<10240x1xi1> to vector<10240x64xi1>
    %broadcast_in_dim3A_61 = vector.broadcast %jit3A_58 : f32 to vector<10240x64xf32>
    %select_n3A_62 = arith.select %broadcast_in_dim3A_60, %max3A_57, %broadcast_in_dim3A_61 : vector<10240x64xi1>, vector<10240x64xf32>
    %get3A_63 = arith.constant 0 : index
    %get3A_64 = arith.constant 0 : index
    %get3A_65 = vector.load %arg6[%get3A_63, %get3A_64] : memref<64x64xf32, #tpu.memory_space<vmem>>, vector<64x64xf32>
    %dot_general3A = arith.constant dense<0.000000e+00> : vector<10240x64xf32>
    %dot_general3A_66 = tpu.matmul %select_n3A_62, %get3A_65, %dot_general3A {dimension_numbers = #tpu.dot_dimension_numbers<[1], [0], [0], [1], [0, 0, 1, 1], [], []>, transpose_lhs_hint = false} : vector<10240x64xf32>, vector<64x64xf32>, vector<10240x64xf32> -> vector<10240x64xf32>
    %mul3A_67 = vector.broadcast %get3A_5 : vector<10240x1xf32> to vector<10240x64xf32>
    %mul3A_68 = arith.mulf %dot_general3A_66, %mul3A_67 : vector<10240x64xf32>
    %swap3A = arith.constant 0 : index
    %swap3A_69 = arith.constant 0 : index
    %swap3A_70 = vector.load %arg7[%swap3A, %swap3A_69] : memref<10240x64xf32, #tpu.memory_space<vmem>>, vector<10240x64xf32>
    tpu.vector_store %arg7[%swap3A, %swap3A_69], %mul3A_68 {strides = array<i32>} : memref<10240x64xf32, #tpu.memory_space<vmem>>, vector<10240x64xf32>,
    return
  }
}

module attributes {stable_mosaic.version = 14 : i64} {
  func.func @_tc_fin_body(%arg0: memref<2x10240x64xf32, #tpu.memory_space<vmem>>, %arg1: memref<10240x64xf32, #tpu.memory_space<vmem>>, %arg2: memref<10240x1xf32, #tpu.memory_space<vmem>>, %arg3: memref<1x64xf32, #tpu.memory_space<vmem>>, %arg4: memref<1x64xf32, #tpu.memory_space<vmem>>, %arg5: memref<1x64xf32, #tpu.memory_space<vmem>>, %arg6: memref<64x1xf32, #tpu.memory_space<vmem>>, %arg7: memref<1x1xf32, #tpu.memory_space<vmem>>, %arg8: memref<10240x1xf32, #tpu.memory_space<vmem>>) attributes {dimension_semantics = [], scalar_prefetch = 0 : i64, scratch_operands = 0 : i64, tpu.core_type = #tpu.core_type<tc>} {
    %get3A = arith.constant 0 : index
    %get3A_0 = arith.constant 0 : index
    %get3A_1 = arith.constant 0 : index
    %get3A_2 = vector.load %arg0[%get3A, %get3A_0, %get3A_1] : memref<2x10240x64xf32, #tpu.memory_space<vmem>>, vector<2x10240x64xf32>
    %slice3A = vector.extract_strided_slice %get3A_2 {offsets = [0, 0, 0], sizes = [1, 10240, 64], strides = [1, 1, 1]} : vector<2x10240x64xf32> to vector<1x10240x64xf32>
    %squeeze3A = vector.shape_cast %slice3A : vector<1x10240x64xf32> to vector<10240x64xf32>
    %slice3A_3 = vector.extract_strided_slice %get3A_2 {offsets = [1, 0, 0], sizes = [1, 10240, 64], strides = [1, 1, 1]} : vector<2x10240x64xf32> to vector<1x10240x64xf32>
    %squeeze3A_4 = vector.shape_cast %slice3A_3 : vector<1x10240x64xf32> to vector<10240x64xf32>
    %add3A = arith.addf %squeeze3A, %squeeze3A_4 : vector<10240x64xf32>
    %get3A_5 = arith.constant 0 : index
    %get3A_6 = arith.constant 0 : index
    %get3A_7 = vector.load %arg1[%get3A_5, %get3A_6] : memref<10240x64xf32, #tpu.memory_space<vmem>>, vector<10240x64xf32>
    %add3A_8 = arith.addf %add3A, %get3A_7 : vector<10240x64xf32>
    %get3A_9 = arith.constant 0 : index
    %get3A_10 = arith.constant 0 : index
    %get3A_11 = vector.load %arg2[%get3A_9, %get3A_10] : memref<10240x1xf32, #tpu.memory_space<vmem>>, vector<10240x1xf32>
    %mul3A = vector.broadcast %get3A_11 : vector<10240x1xf32> to vector<10240x64xf32>
    %mul3A_12 = arith.mulf %add3A_8, %mul3A : vector<10240x64xf32>
    %get3A_13 = arith.constant 0 : index
    %get3A_14 = arith.constant 0 : index
    %get3A_15 = vector.load %arg3[%get3A_13, %get3A_14] : memref<1x64xf32, #tpu.memory_space<vmem>>, vector<1x64xf32>
    %add3A_16 = vector.broadcast %get3A_15 : vector<1x64xf32> to vector<10240x64xf32>
    %add3A_17 = arith.addf %mul3A_12, %add3A_16 : vector<10240x64xf32>
    %get3A_18 = arith.constant 0 : index
    %get3A_19 = arith.constant 0 : index
    %get3A_20 = vector.load %arg4[%get3A_18, %get3A_19] : memref<1x64xf32, #tpu.memory_space<vmem>>, vector<1x64xf32>
    %get3A_21 = arith.constant 0 : index
    %get3A_22 = arith.constant 0 : index
    %get3A_23 = vector.load %arg5[%get3A_21, %get3A_22] : memref<1x64xf32, #tpu.memory_space<vmem>>, vector<1x64xf32>
    %iota3A = tpu.iota {dimensions = array<i32: 0>} : vector<10240x1xi32>
    %lt3A = arith.constant 10000 : i32
    %lt3A_24 = vector.broadcast %lt3A : i32 to vector<10240x1xi32>
    %lt3A_25 = arith.cmpi slt, %iota3A, %lt3A_24 : vector<10240x1xi32>
    %jit3A = arith.constant 0.000000e+00 : f32
    %broadcast_in_dim3A = vector.shape_cast %lt3A_25 : vector<10240x1xi1> to vector<10240x1xi1>
    %broadcast_in_dim3A_26 = vector.broadcast %broadcast_in_dim3A : vector<10240x1xi1> to vector<10240x64xi1>
    %broadcast_in_dim3A_27 = vector.broadcast %jit3A : f32 to vector<10240x64xf32>
    %select_n3A = arith.select %broadcast_in_dim3A_26, %add3A_17, %broadcast_in_dim3A_27 : vector<10240x64xi1>, vector<10240x64xf32>
    %reduce_sum3A = arith.constant dense<0.000000e+00> : vector<64xf32>
    %reduce_sum3A_28 = vector.multi_reduction <add>, %select_n3A, %reduce_sum3A [0] : vector<10240x64xf32> to vector<64xf32>
    %broadcast_in_dim3A_29 = vector.shape_cast %reduce_sum3A_28 : vector<64xf32> to vector<1x64xf32>
    %div3A = arith.constant 1.000000e+04 : f32
    %div3A_30 = vector.broadcast %div3A : f32 to vector<1x64xf32>
    %div3A_31 = arith.divf %broadcast_in_dim3A_29, %div3A_30 : vector<1x64xf32>
    %sub3A = vector.broadcast %div3A_31 : vector<1x64xf32> to vector<10240x64xf32>
    %sub3A_32 = arith.subf %add3A_17, %sub3A : vector<10240x64xf32>
    %jit3A_33 = arith.constant 0.000000e+00 : f32
    %broadcast_in_dim3A_34 = vector.shape_cast %lt3A_25 : vector<10240x1xi1> to vector<10240x1xi1>
    %broadcast_in_dim3A_35 = vector.broadcast %broadcast_in_dim3A_34 : vector<10240x1xi1> to vector<10240x64xi1>
    %broadcast_in_dim3A_36 = vector.broadcast %jit3A_33 : f32 to vector<10240x64xf32>
    %select_n3A_37 = arith.select %broadcast_in_dim3A_35, %sub3A_32, %broadcast_in_dim3A_36 : vector<10240x64xi1>, vector<10240x64xf32>
    %mul3A_38 = arith.mulf %select_n3A_37, %select_n3A_37 : vector<10240x64xf32>
    %reduce_sum3A_39 = arith.constant dense<0.000000e+00> : vector<64xf32>
    %reduce_sum3A_40 = vector.multi_reduction <add>, %mul3A_38, %reduce_sum3A_39 [0] : vector<10240x64xf32> to vector<64xf32>
    %broadcast_in_dim3A_41 = vector.shape_cast %reduce_sum3A_40 : vector<64xf32> to vector<1x64xf32>
    %div3A_42 = arith.constant 1.000000e+04 : f32
    %div3A_43 = vector.broadcast %div3A_42 : f32 to vector<1x64xf32>
    %div3A_44 = arith.divf %broadcast_in_dim3A_41, %div3A_43 : vector<1x64xf32>
    %sub3A_45 = vector.broadcast %div3A_31 : vector<1x64xf32> to vector<10240x64xf32>
    %sub3A_46 = arith.subf %add3A_17, %sub3A_45 : vector<10240x64xf32>
    %add3A_47 = arith.constant 9.99999974E-6 : f32
    %add3A_48 = vector.broadcast %add3A_47 : f32 to vector<1x64xf32>
    %add3A_49 = arith.addf %div3A_44, %add3A_48 : vector<1x64xf32>
    %rsqrt3A = math.rsqrt %add3A_49 : vector<1x64xf32>
    %mul3A_50 = vector.broadcast %rsqrt3A : vector<1x64xf32> to vector<10240x64xf32>
    %mul3A_51 = arith.mulf %sub3A_46, %mul3A_50 : vector<10240x64xf32>
    %mul3A_52 = vector.broadcast %get3A_20 : vector<1x64xf32> to vector<10240x64xf32>
    %mul3A_53 = arith.mulf %mul3A_51, %mul3A_52 : vector<10240x64xf32>
    %add3A_54 = vector.broadcast %get3A_23 : vector<1x64xf32> to vector<10240x64xf32>
    %add3A_55 = arith.addf %mul3A_53, %add3A_54 : vector<10240x64xf32>
    %max3A = arith.constant 0.000000e+00 : f32
    %max3A_56 = vector.broadcast %max3A : f32 to vector<10240x64xf32>
    %max3A_57 = arith.maximumf %add3A_55, %max3A_56 : vector<10240x64xf32>
    %jit3A_58 = arith.constant 0.000000e+00 : f32
    %broadcast_in_dim3A_59 = vector.shape_cast %lt3A_25 : vector<10240x1xi1> to vector<10240x1xi1>
    %broadcast_in_dim3A_60 = vector.broadcast %broadcast_in_dim3A_59 : vector<10240x1xi1> to vector<10240x64xi1>
    %broadcast_in_dim3A_61 = vector.broadcast %jit3A_58 : f32 to vector<10240x64xf32>
    %select_n3A_62 = arith.select %broadcast_in_dim3A_60, %max3A_57, %broadcast_in_dim3A_61 : vector<10240x64xi1>, vector<10240x64xf32>
    %get3A_63 = arith.constant 0 : index
    %get3A_64 = arith.constant 0 : index
    %get3A_65 = vector.load %arg6[%get3A_63, %get3A_64] : memref<64x1xf32, #tpu.memory_space<vmem>>, vector<64x1xf32>
    %dot_general3A = arith.constant dense<0.000000e+00> : vector<10240x1xf32>
    %dot_general3A_66 = tpu.matmul %select_n3A_62, %get3A_65, %dot_general3A {dimension_numbers = #tpu.dot_dimension_numbers<[1], [0], [0], [1], [0, 0, 1, 1], [], []>, transpose_lhs_hint = false} : vector<10240x64xf32>, vector<64x1xf32>, vector<10240x1xf32> -> vector<10240x1xf32>
    %get3A_67 = arith.constant 0 : index
    %get3A_68 = arith.constant 0 : index
    %get3A_69 = vector.load %arg7[%get3A_67, %get3A_68] : memref<1x1xf32, #tpu.memory_space<vmem>>, vector<1x1xf32>
    %add3A_70 = vector.broadcast %get3A_69 : vector<1x1xf32> to vector<10240x1xf32>
    %add3A_71 = arith.addf %dot_general3A_66, %add3A_70 : vector<10240x1xf32>
    %swap3A = arith.constant 0 : index
    %swap3A_72 = arith.constant 0 : index
    %swap3A_73 = vector.load %arg8[%swap3A, %swap3A_72] : memref<10240x1xf32, #tpu.memory_space<vmem>>, vector<10240x1xf32>
    tpu.vector_store %arg8[%swap3A, %swap3A_72], %add3A_71 {strides = array<i32>} : memref<10240x1xf32, #tpu.memory_space<vmem>>, vector<10240x1xf32>,
    return
  }
}

</mosaic_0001>

<sc_bundles>
// kernel: kernel.10.cloned.1.call-start
scs
__scs_entry_jumppad:
0x0: {  	(pc) =	sbr.rel $0x88, $3  }
0x1: {  	(tag) =	ssettag $0x0;
	lr =	simm.s32 $0x1  }
0x2: {  	[smem:$0x3F91] =	sst lr;
	_ =	strace $0xD0000000  }
0x3: {  	_ = 	snop  }
0x4: {  	_ = 	snop  }
0x5: {  	_ = 	snop  }
0x6: {  	_ = 	snop  }
0x7: {  	_ = 	snop  }
__scs_overlays_trampoline_lowered:
0x8: {  	[smem:$0x3FA0] =	sst s0  }
0x9: {  	[smem:$0x3FA1] =	sst s1  }
0xa: {  	[smem:$0x3FA2] =	sst s2  }
0xb: {  	[smem:$0x3FA3] =	sst s3  }
0xc: {  	[smem:$0x3FA4] =	sst s4  }
0xd: {  	[smem:$0x3FA5] =	sst s5  }
0xe: {  	[smem:$0x3FA6] =	sst s6  }
0xf: {  	[smem:$0x3FA7] =	sst s7  }
0x10: {  	[smem:$0x3FA8] =	sst s8  }
0x11: {  	[smem:$0x3FA9] =	sst s9;
	s0 =	simm.s32 @!p0 $0x0  }
0x12: {  	s1 =	sld [smem:$0x3F8F];
	s0 =	simm.s32 @p0 $0x1  }
0x13: {  	[smem:$0x3FAA] =	sst s0;
	s0 =	simm.s32 @!p1 $0x0  }
0x14: {  	s2 =	sld [smem:$0x3F8E];
	s0 =	simm.s32 @p1 $0x1  }
0x15: {  	[smem:$0x3FAB] =	sst s0;
	s0 =	simm.s32 @!p2 $0x0  }
0x16: {  	s3 =	sld [smem:$0x3FDB];
	s0 =	simm.s32 @p2 $0x1  }
0x17: {  	s4 =	simm.s32 $0x1BF5;
	[smem:$0x3FAD] =	sst s0  }
0x18: {  	s0 =	sld [smem:$0x3F90];
	_ =	swait.ge [sflag:s4], $0x0  }
0x19: {  	s7 =	sld [smem:$0x3F91]  }
0x1a: {  	s8 =	sadd.s32 $0xFFFFE003, lr  }
0x1b: {  	s9 =	sadd.s32 $0xFFFFFEF7, lr;
	s5 =	simm.s32 $0xFFFFFFFF;
	p2 =	slt.u32 s8, $0xFFFFF086  }
0x1c: {  	p1 =	slt.u32 s9, $0xF7A;
	s5 =	simm.s32 @!p2 $0x0  }
0x1d: {  	s5 =	simm.s32 @p1 $0x1;
	p0 =	seq.s32 s7, s2  }
0x1e: {  	s7 =	smul.u32 @!p0 $0xF7A, s2;
	p2 =	seq.s32 @!p0 s5, $0x0  }
0x1f: {  	s9 =	smul.u32 $0xF7A, s1;
	s8 =	simm.s32 @!p0 $0x1BF5;
	p2 =	por !p2, p0  }
0x20: {  	[sflag:s8] =	ssyncset.s32 @!p0 $0xFFFFF086;
	s6 =	sadd.s32 @!p0 s3, s7;
	s7 =	simm.s32 @!p0 $0x108  }
0x21: {  	s3 =	sadd.s32 s3, s9;
	s6 =	sadd.s32 @!p0 $0x88, s6;
	s7 =	simm.s32 @p2 $0x1082  }
0x22: {  	[simem:s7], [sflag:s8] =	dma.local @!p0 [hbm:s6], $0xF7A  }
0x23: {  	s9 =	sor.u32 $0xD0000000, s2;
	s6 =	simm.s32 $0x108;
	_ =	swait.ge @!p0 [sflag:s8], $0x0  }
0x24: {  	s3 =	sadd.s32 $0x88, s3;
	s6 =	simm.s32 @!p1 $0x1082;
	[sflag:s4] =	ssyncset.s32 $0xFFFFF086  }
0x25: {  	[simem:s6], [sflag:s4] =	dma.local [hbm:s3], $0xF7A  }
0x26: {  	[smem:$0x3F91] =	sst s1;
	(tag) =	ssettag s2;
	_ =	strace s9  }
0x27: {  	s1 =	sld [smem:$0x3FA1]  }
0x28: {  	s2 =	sld [smem:$0x3FA2]  }
0x29: {  	s4 =	sld [smem:$0x3FA4]  }
0x2a: {  	p0 =	seq.s32 s5, $0x0;
	s5 =	sld [smem:$0x3FA5]  }
0x2b: {  	s6 =	sld [smem:$0x3FA6]  }
0x2c: {  	s7 =	sld [smem:$0x3FA7]  }
0x2d: {  	s3 =	simm.s32 $0x108;
	s8 =	sld [smem:$0x3FA8]  }
0x2e: {  	s3 =	simm.s32 @!p0 $0x1082;
	s9 =	sld [smem:$0x3FA9]  }
0x2f: {  	lr =	sadd.s32 s0, s3;
	s0 =	sld [smem:$0x3FA0]  }
0x30: {  	s3 =	sld [smem:$0x3FA3]  }
0x31: {  	[smem:$0x3FAC] =	sst s10  }
0x32: {  	s10 =	sld [smem:$0x3FAA];
	_ =	sdelay $0x3  }
0x33: {  	p0 =	seq.s32 s10, $0x1;
	s10 =	sld [smem:$0x3FAC];
	_ =	sdelay $0x3  }
0x34: {  	[smem:$0x3FAC] =	sst s10  }
0x35: {  	s10 =	sld [smem:$0x3FAB];
	_ =	sdelay $0x3  }
0x36: {  	p1 =	seq.s32 s10, $0x1;
	s10 =	sld [smem:$0x3FAC];
	_ =	sdelay $0x3  }
0x37: {  	[smem:$0x3FAC] =	sst s10  }
0x38: {  	s10 =	sld [smem:$0x3FAD]  }
0x39: {  	_ = 	snop;
	(pc) =	sbr.ind lr, $3  }
0x3a: {  	_ = 	snop  }
0x3b: {  	_ = 	snop  }
0x3c: {  	p2 =	seq.s32 s10, $0x1;
	s10 =	sld [smem:$0x3FAC]  }
0x3d: {  	_ =	shalt  }
0x3e: {  	_ =	shalt  }
0x3f: {  	_ =	shalt  }
0x40: {  	_ =	shalt  }
0x41: {  	_ =	shalt  }
0x42: {  	_ =	shalt  }
0x43: {  	_ =	shalt  }
0x44: {  	_ =	shalt  }
0x45: {  	_ =	shalt  }
0x46: {  	_ =	shalt  }
0x47: {  	_ =	shalt  }
0x48: {  	_ =	shalt  }
0x49: {  	_ =	shalt  }
0x4a: {  	_ =	shalt  }
0x4b: {  	_ =	shalt  }
0x4c: {  	_ =	shalt  }
0x4d: {  	_ =	shalt  }
0x4e: {  	_ =	shalt  }
0x4f: {  	_ =	shalt  }
0x50: {  	_ =	shalt  }
0x51: {  	_ =	shalt  }
0x52: {  	_ =	shalt  }
0x53: {  	_ =	shalt  }
0x54: {  	_ =	shalt  }
0x55: {  	_ =	shalt  }
0x56: {  	_ =	shalt  }
0x57: {  	_ =	shalt  }
0x58: {  	_ =	shalt  }
0x59: {  	_ =	shalt  }
0x5a: {  	_ =	shalt  }
0x5b: {  	_ =	shalt  }
0x5c: {  	_ =	shalt  }
0x5d: {  	_ =	shalt  }
0x5e: {  	_ =	shalt  }
0x5f: {  	_ =	shalt  }
0x60: {  	_ =	shalt  }
0x61: {  	_ =	shalt  }
0x62: {  	_ =	shalt  }
0x63: {  	_ =	shalt  }
0x64: {  	_ =	shalt  }
0x65: {  	_ =	shalt  }
0x66: {  	_ =	shalt  }
0x67: {  	_ =	shalt  }
0x68: {  	_ =	shalt  }
0x69: {  	_ =	shalt  }
0x6a: {  	_ =	shalt  }
0x6b: {  	_ =	shalt  }
0x6c: {  	_ =	shalt  }
0x6d: {  	_ =	shalt  }
0x6e: {  	_ =	shalt  }
0x6f: {  	_ =	shalt  }
0x70: {  	_ =	shalt  }
0x71: {  	_ =	shalt  }
0x72: {  	_ =	shalt  }
0x73: {  	_ =	shalt  }
0x74: {  	_ =	shalt  }
0x75: {  	_ =	shalt  }
0x76: {  	_ =	shalt  }
0x77: {  	_ =	shalt  }
0x78: {  	_ =	shalt  }
0x79: {  	_ =	shalt  }
0x7a: {  	_ =	shalt  }
0x7b: {  	_ =	shalt  }
0x7c: {  	_ =	shalt  }
0x7d: {  	_ =	shalt  }
0x7e: {  	_ =	shalt  }
0x7f: {  	_ =	shalt  }
0x80: {  	_ =	shalt  }
0x81: {  	_ =	shalt  }
0x82: {  	_ =	shalt  }
0x83: {  	_ =	shalt  }
0x84: {  	_ =	shalt  }
0x85: {  	_ =	shalt  }
0x86: {  	_ =	shalt  }
0x87: {  	_ =	shalt  }
.Lfunc_end0:
.L_simem_size_0:
called_computation_lowered:
.L_overlay_start_0:
0x88: {  	s2 =	sld [smem:$0x3FD9]  }
0x89: {  	s3 =	sld [smem:$0x3FFE];
	_ =	sdelay $0x1  }
0x8a: {  	s1 =	srdreg.scid  }
0x8b: {  	s0 =	sand.u32 $0x1, s1  }
0x8c: {  	s16 =	sshll.u32 s0, $0xA;
	s2 =	sadd.s32 s3, s2  }
0x8d: {  	s2 =	sadd.s32 s2, s16  }
0x8e: {  	[smem:$0x3FB8] =	sst s2  }
0x8f: {  	_ = 	snop  }
0x90: {  	(tm) =	ssettm $0x1  }
0x91: {  	s17 =	sld [smem:$0x3FFB];
	_ =	sdelay $0x3  }
0x92: {  	_ =	strace s17  }
0x93: {  	s2 =	sld [smem:$0x3FFC];
	_ =	sdelay $0x3  }
0x94: {  	_ =	strace s2  }
0x95: {  	s2 =	sld [smem:$0x3FFD];
	_ =	sdelay $0x3  }
0x96: {  	_ =	strace s2  }
0x97: {  	_ =	strace $0x8FFFFFFF  }
0x98: {  	s18 =	sld [smem:$0x3FDB];
	_ =	sdelay $0x1  }
0x99: {  	s19 =	simm.s32 $_scs_section_size  }
0x9a: {  	s4 =	simm.s32 $_size__tile_overlayer_lowered;
	s5 =	simm.s32 $_tile_overlayer_lowered  }
0x9b: {  	s22 =	simm.s32 $0x1BFF;
	s21 =	sshll.u32 s5, $0x1;
	s2 =	sadd.s32 s19, s18  }
0x9c: {  	s6 =	simm.s32 $0x0;
	s20 =	sshll.u32 s4, $0x1;
	s4 =	sadd.s32 s21, s2  }
0x9d: {  	[timem:s6], [sflag:s22] =	dma.local [hbm:s4], s20  }
0x9e: {  	_ =	swait.ge [sflag:s22], s20  }
0x9f: {  	s3 =	ssub.s32 $0x0, s20;
	[sflag:s22] =	ssyncset.done $0x0  }
0xa0: {  	[sflag:s22] =	ssyncadd.s32 s3;
	_ =	sdelay $0x1  }
0xa1: {  	s23 =	simm.s32 $0x1B8B  }
0xa2: {  	_ =	swait.ge [sflag:s23], $0x1  }
0xa3: {  	[sflag:s23] =	ssyncset.done $0x0  }
0xa4: {  	s25 =	simm.s32 $0x1B8E;
	s24 =	sld [smem:$0x3FFE];
	[sflag:s23] =	ssyncadd.s32 $0xFFFFFFFF  }
0xa5: {  	s26 =	simm.s32 $execute0_lowered;
	[smem:$0x3FD2] =	sst s25  }
0xa6: {  	s4 =	sshll.u32 s26, $0x1;
	_ =	strace $0x80000046;
	[dreg:$0x1] =	wrdreg $0xFFFFFFFF  }
0xa7: {  	s28 =	simm.s32 $_size_execute0_lowered;
	s2 =	sadd.s32 s2, s4;
	[dreg:$0x0] =	wrdreg $0x0  }
0xa8: {  	s4 =	sshll.u32 s28, $0x1;
	[dreg:$0x2] =	wrdreg s2  }
0xa9: {  	[dreg:$0x3] =	wrdreg s4  }
0xaa: {  	[dreg:$0x4] =	wrdreg $0xC0  }
0xab: {  	_ =	task [dreg:s6], $0x5FFFF  }
0xac: {  	[dreg:$0x1] =	wrdreg $0xFFFFFFFF  }
0xad: {  	[dreg:$0x0] =	wrdreg $0x60  }
0xae: {  	[dreg:$0x2] =	wrdreg s24  }
0xaf: {  	[dreg:$0x3] =	wrdreg $0x96200  }
0xb0: {  	[dreg:$0x4] =	wrdreg $0x9  }
0xb1: {  	_ =	task.clear_ibuf [dreg:s6], $0x5FFFF;
	_ =	strace $0x90000046  }
0xb2: {  	s29 =	simm.s32 $0x9;
	_ =	strace $0x80000048  }
0xb3: {  	_ =	swait.ge [sflag:s29], $0x1  }
0xb4: {  	[sflag:s29] =	ssyncadd.s32 $0xFFFFFFFF  }
0xb5: {  	_ =	strace $0x90000048  }
0xb6: {  	_ =	sfence  }
0xb7: {  	s30 =	sld [smem:$0x0];
	_ =	sdelay $0x2  }
0xb8: {  	s31 =	sshll.u32 s1, $0xD;
	s1 =	sshrl.u32 s1, $0x2  }
0xb9: {  	s3 =	sand.u32 $0x4000, s31;
	s1 =	sadd.s32 s1, s30  }
0xba: {  	s0 =	sor.u32 s3, s0;
	s1 =	sshll.u32 s1, $0x11  }
0xbb: {  	s0 =	sor.u32 s1, s0  }
0xbc: {  	s0 =	sadd.s32 $0x8F2B, s0  }
0xbd: {  	[sflag:s0] =	ssyncadd.remote.s32 $0x1  }
0xbe: {  	_ =	sfence.sel $0xFFFF  }
0xbf: {  	[dreg:$0x0] =	wrdreg $0xFFFFFFFF;
	(pc) =	sbr.abs _section_cstart, $3  }
0xc0: {  	[dreg:$0x1] =	wrdreg $0xFFFFFFFF  }
0xc1: {  	_ =	task.clear_ibuf [dreg:s6], $0x2FFFF;
	_ =	strace $0x9FFFFFFF  }
0xc2: {  	(tm) =	ssettm $0x7FFFFFFF  }
0xc3: {  	_ =	shalt  }
tec
execute0_lowered:
.L_overlay_start_1:
0x0: {  	(tag) =	ssettag $0x1  }
0x1: {  	s5 =	rddreg [dreg:$0x0]  }
0x2: {  	s0 =	srdreg.scid;
	s2 =	rddreg [dreg:$0x1]  }
0x3: {  	s1 =	stileid.u32;
	s3 =	simm.s32 $0x0;
	s21 =	simm.s32 $0x50  }
0x4: {  	s22 =	simm.s32 $0x4E20;
	s23 =	simm.s32 $0x1;
	s24 =	simm.s32 $0x6220  }
0x5: {  	s25 =	simm.s32 $0x2;
	s8 =	sand.u32 $0x1, s0;
	s0 =	rddreg [dreg:$0x2]  }
0x6: {  	s26 =	simm.s32 $0x4DD0;
	s28 =	simm.s32 $0x0;
	[smem:$0x7FF] =	sst s3  }
0x7: {  	s16 =	sadd.s32 $0x2A200, s5;
	s11 =	smul.u32 $0xA000, s1;
	s4 =	sshll.u32 s8, $0x4  }
0x8: {  	_ =	strace $0x80000047;
	s7 =	ssub.s32 $0x2, s8;
	s14 =	smul.u32 $0xA0000, s8  }
0x9: {  	s4 =	sor.u32 s1, s4;
	s29 =	sshrl.u32 s7, $0x1;
	s12 =	sadd.s32 $0x2000, s11  }
0xa: {  	s15 =	sadd.s32 $0x4000, s11;
	s18 =	sadd.s32 $0x6000, s11;
	s19 =	sadd.s32 $0x8000, s11  }
0xb: {  	s6 =	smul.u32 $0x4E2, s4;
	s4 =	sadd.s32 $0x16200, s5;
	s17 =	ssub.s32 s7, s29  }
0xc: {  	s7 =	sadd.s32 s11, s2;
	s8 =	sadd.s32 s12, s2;
	s9 =	sadd.s32 s15, s2  }
0xd: {  	s10 =	sadd.s32 s18, s2;
	s13 =	sadd.s32 s11, s14;
	s20 =	sadd.s32 s14, s12  }
0xe: {  	s11 =	sadd.s32 s19, s2;
	s15 =	sadd.s32 s14, s15;
	s18 =	sadd.s32 s14, s18  }
0xf: {  	s19 =	sadd.s32 s14, s19;
	s13 =	sshrl.u32 s13, $0x3;
	s30 =	sshrl.u32 s20, $0x3  }
0x10: {  	s15 =	sshrl.u32 s15, $0x3;
	s18 =	sshrl.u32 s18, $0x3;
	s31 =	sshrl.u32 s19, $0x3  }
0x11: {  	s17 =	smax.u32 s17, $0x1;
	s19 =	simm.s32 $0x2710;
	s20 =	simm.s32 $0x7620  }
0x12: {  	s6 =	sadd.s32 s6, s5;
	s12 =	sadd.s32 s16, s13;
	s13 =	sadd.s32 s16, s30  }
0x13: {  	s14 =	sadd.s32 s16, s15;
	s15 =	sadd.s32 s16, s18;
	s16 =	sadd.s32 s16, s31  }
0x14: {  	v0 =	vimm.f32 $0.0e+00;
	s18 =	simm.s32 $0x3;
	s5 =	sadd.s32 $0xC400, s6;
	s6 =	sadd.s32 $0x2600, s6  }
.LBB2_1:
0x15: {  	[tilespmem:s3], [sflag:$0x3] =	stream.linear.gather [hbm4b:s5+s3], $0x2710, $0x38;
	[tilespmem:$0x13620] =	vst v63  }
0x16: {  	_ =	swait.ge [sflag:s18], $0x2710  }
0x17: {  	[sflag:s18] =	ssyncset.done $0x0  }
0x18: {  	[sflag:s18] =	ssyncadd.s32 $0xFFFFD8F0  }
0x19: {  	[tilespmem:s19], [sflag:$0x3] =	stream.linear.gather [hbm4b:s6+s3], $0x2710, $0x38;
	[tilespmem:$0x13620] =	vst v63  }
0x1a: {  	_ =	swait.ge [sflag:s18], $0x2710  }
0x1b: {  	[sflag:s18] =	ssyncset.done $0x0  }
0x1c: {  	s30 =	simm.s32 $0x100;
	s29 =	simm.s32 $0x0;
	[sflag:s18] =	ssyncadd.s32 $0xFFFFD8F0  }
.LBB2_2:
0x1d: {  	p0 =	sne.s32 s30, $0x7F00;
	[tilespmem:s29+$0x7650] =	vst v0;
	s31 =	smov.u32 s30;
	s30 =	sadd.s32 $0x100, s30  }
.Ltmp0:
0x1e: {  	[tilespmem:s29+$0x7640] =	vst v0;
	(pc) =	sbr.rel @p0 .LBB2_2-.Ltmp0, $3  }
0x1f: {  	[tilespmem:s29+$0x7620] =	vst v0  }
0x20: {  	[tilespmem:s29+$0x7630] =	vst v0;
	_ =	sdelay $0x1  }
0x21: {  	s29 =	sshra.s32 s31, $0x2  }
0x22: {  	[tilespmem:s29+$0x7650] =	vst v0  }
0x23: {  	[tilespmem:s29+$0x7640] =	vst v0  }
0x24: {  	[tilespmem:s29+$0x7620] =	vst v0  }
0x25: {  	[tilespmem:s29+$0x7630] =	vst v0  }
0x26: {  	[spmem:s7] =	stream.linear.scatter [tilespmem:s20], [sflag:$0x3], $0x2000, $0x38;
	[tilespmem:$0x13620] =	vst v63  }
0x27: {  	_ =	swait.ge [sflag:s18], $0x2000  }
0x28: {  	[sflag:s18] =	ssyncset.done $0x0  }
0x29: {  	[sflag:s18] =	ssyncadd.s32 $0xFFFFE000  }
0x2a: {  	[spmem:s8] =	stream.linear.scatter [tilespmem:s20], [sflag:$0x3], $0x2000, $0x38;
	[tilespmem:$0x13620] =	vst v63  }
0x2b: {  	_ =	swait.ge [sflag:s18], $0x2000  }
0x2c: {  	[sflag:s18] =	ssyncset.done $0x0  }
0x2d: {  	[sflag:s18] =	ssyncadd.s32 $0xFFFFE000  }
0x2e: {  	[spmem:s9] =	stream.linear.scatter [tilespmem:s20], [sflag:$0x3], $0x2000, $0x38;
	[tilespmem:$0x13620] =	vst v63  }
0x2f: {  	_ =	swait.ge [sflag:s18], $0x2000  }
0x30: {  	[sflag:s18] =	ssyncset.done $0x0  }
0x31: {  	[sflag:s18] =	ssyncadd.s32 $0xFFFFE000  }
0x32: {  	[spmem:s10] =	stream.linear.scatter [tilespmem:s20], [sflag:$0x3], $0x2000, $0x38;
	[tilespmem:$0x13620] =	vst v63  }
0x33: {  	_ =	swait.ge [sflag:s18], $0x2000  }
0x34: {  	[sflag:s18] =	ssyncset.done $0x0  }
0x35: {  	[sflag:s18] =	ssyncadd.s32 $0xFFFFE000  }
0x36: {  	[spmem:s11] =	stream.linear.scatter [tilespmem:s20], [sflag:$0x3], $0x2000, $0x38;
	[tilespmem:$0x13620] =	vst v63  }
0x37: {  	_ =	swait.ge [sflag:s18], $0x2000  }
0x38: {  	[sflag:s18] =	ssyncset.done $0x0  }
0x39: {  	[sflag:s18] =	ssyncadd.s32 $0xFFFFE000  }
0x3a: {  	s29 =	simm.s32 $0x0;
	[bflag:$0x0] =	sbarrier.arrive $0xFFFF  }
0x3b: {  	[tilespmem:s22], [sflag:$0x1] =	stream.indirect.gather [hbm4b:s4+s21], $0x40, s29, s21, $0xb8;
	[tilespmem:$0x13620] =	vst v63  }
0x3c: {  	_ =	swait.ge [sflag:s23], $0x1400  }
0x3d: {  	[sflag:s23] =	ssyncset.done $0x0  }
0x3e: {  	s29 =	simm.s32 $0x50;
	[sflag:s23] =	ssyncadd.s32 $0xFFFFEC00  }
0x3f: {  	[tilespmem:s24], [sflag:$0x2] =	stream.indirect.gather [hbm4b:s4+s21], $0x40, s29, s21, $0xb8;
	[tilespmem:$0x13620] =	vst v63  }
0x40: {  	s29 =	simm.s32 $0x2710  }
0x41: {  	[spmem:s2] =	stream.indirect.scatter.add.f32 [tilespmem:s22], [sflag:$0x3], $0x40, s29, s21, $0xb8;
	[tilespmem:$0x13620] =	vst v63  }
0x42: {  	_ =	swait.ge [sflag:s18], $0x1400  }
0x43: {  	[sflag:s18] =	ssyncset.done $0x0  }
0x44: {  	[sflag:s18] =	ssyncadd.s32 $0xFFFFEC00  }
0x45: {  	_ =	swait.ge [sflag:s25], $0x1400  }
0x46: {  	[sflag:s25] =	ssyncset.done $0x0  }
0x47: {  	s29 =	simm.s32 $0xA0;
	[sflag:s25] =	ssyncadd.s32 $0xFFFFEC00  }
0x48: {  	[tilespmem:s22], [sflag:$0x1] =	stream.indirect.gather [hbm4b:s4+s21], $0x40, s29, s21, $0xb8;
	[tilespmem:$0x13620] =	vst v63  }
0x49: {  	s29 =	simm.s32 $0x2760  }
0x4a: {  	[spmem:s2] =	stream.indirect.scatter.add.f32 [tilespmem:s24], [sflag:$0x3], $0x40, s29, s21, $0xb8;
	[tilespmem:$0x13620] =	vst v63  }
0x4b: {  	_ =	swait.ge [sflag:s18], $0x1400  }
0x4c: {  	s29 =	simm.s32 $0x280;
	[sflag:s18] =	ssyncset.done $0x0  }
.LBB2_4:
0x4d: {  	p0 =	sne.s32 s29, $0x9880  }
0x4e: {  	[sflag:s18] =	ssyncadd.s32 $0xFFFFEC00;
	s30 =	smov.u32 s29;
	s29 =	sadd.s32 $0x280, s29  }
0x4f: {  	_ = 	snop  }
0x50: {  	_ =	swait.ge [sflag:s23], $0x1400  }
0x51: {  	s30 =	sshra.s32 s30, $0x2;
	[sflag:s23] =	ssyncset.done $0x0  }
0x52: {  	s31 =	sadd.s32 $0x50, s30;
	[sflag:s23] =	ssyncadd.s32 $0xFFFFEC00  }
0x53: {  	[tilespmem:s24], [sflag:$0x2] =	stream.indirect.gather [hbm4b:s4+s21], $0x40, s31, s21, $0xb8;
	[tilespmem:$0x13620] =	vst v63  }
0x54: {  	s31 =	sadd.s32 $0x2710, s30  }
0x55: {  	[spmem:s2] =	stream.indirect.scatter.add.f32 [tilespmem:s22], [sflag:$0x3], $0x40, s31, s21, $0xb8;
	[tilespmem:$0x13620] =	vst v63  }
0x56: {  	_ =	swait.ge [sflag:s18], $0x1400  }
0x57: {  	[sflag:s18] =	ssyncset.done $0x0  }
0x58: {  	[sflag:s18] =	ssyncadd.s32 $0xFFFFEC00  }
0x59: {  	_ =	swait.ge [sflag:s25], $0x1400  }
0x5a: {  	[sflag:s25] =	ssyncset.done $0x0  }
0x5b: {  	s31 =	sadd.s32 $0xA0, s30;
	[sflag:s25] =	ssyncadd.s32 $0xFFFFEC00  }
0x5c: {  	[tilespmem:s22], [sflag:$0x1] =	stream.indirect.gather [hbm4b:s4+s21], $0x40, s31, s21, $0xb8;
	[tilespmem:$0x13620] =	vst v63  }
.Ltmp1:
0x5d: {  	_ = 	snop;
	(pc) =	sbr.rel @p0 .LBB2_4-.Ltmp1, $4  }
0x5e: {  	s30 =	sadd.s32 $0x2760, s30  }
0x5f: {  	[spmem:s2] =	stream.indirect.scatter.add.f32 [tilespmem:s24], [sflag:$0x3], $0x40, s30, s21, $0xb8;
	[tilespmem:$0x13620] =	vst v63  }
0x60: {  	_ =	swait.ge [sflag:s18], $0x1400  }
0x61: {  	[sflag:s18] =	ssyncset.done $0x0  }
0x62: {  	[sflag:s18] =	ssyncadd.s32 $0xFFFFEC00  }
0x63: {  	_ =	swait.ge [sflag:s23], $0x1400  }
0x64: {  	[sflag:s23] =	ssyncset.done $0x0  }
0x65: {  	[sflag:s23] =	ssyncadd.s32 $0xFFFFEC00  }
0x66: {  	[spmem:s2] =	stream.indirect.scatter.add.f32 [tilespmem:s22], [sflag:$0x3], $0x40, s26, s21, $0xb8;
	[tilespmem:$0x13620] =	vst v63  }
0x67: {  	_ =	swait.ge [sflag:s18], $0x1400  }
0x68: {  	[sflag:s18] =	ssyncset.done $0x0  }
0x69: {  	s29 =	sshll.u32 s1, $0x6;
	[sflag:s18] =	ssyncadd.s32 $0xFFFFEC00  }
0x6a: {  	s30 =	sshrl.u32 s7, $0x3;
	s29 =	sor.u32 $0x1C03, s29;
	[bflag:$0x0] =	sbarrier.arrive $0xFFFF  }
0x6b: {  	[hbm:s12], [sflag:s29] =	dma.local [spmem:s30], $0x400  }
0x6c: {  	_ =	swait.ge [sflag:s18], $0x400  }
0x6d: {  	[sflag:s18] =	ssyncset.done $0x0  }
0x6e: {  	s31 =	sshrl.u32 s8, $0x3;
	[sflag:s18] =	ssyncadd.s32 $0xFFFFFC00  }
0x6f: {  	[hbm:s13], [sflag:s29] =	dma.local [spmem:s31], $0x400  }
0x70: {  	_ =	swait.ge [sflag:s18], $0x400  }
0x71: {  	[sflag:s18] =	ssyncset.done $0x0  }
0x72: {  	s31 =	sshrl.u32 s9, $0x3;
	[sflag:s18] =	ssyncadd.s32 $0xFFFFFC00  }
0x73: {  	[hbm:s14], [sflag:s29] =	dma.local [spmem:s31], $0x400  }
0x74: {  	_ =	swait.ge [sflag:s18], $0x400  }
0x75: {  	[sflag:s18] =	ssyncset.done $0x0  }
0x76: {  	s31 =	sshrl.u32 s10, $0x3;
	[sflag:s18] =	ssyncadd.s32 $0xFFFFFC00  }
0x77: {  	[hbm:s15], [sflag:s29] =	dma.local [spmem:s31], $0x400  }
0x78: {  	s28 =	sadd.s32 $0x1, s28;
	_ =	swait.ge [sflag:s18], $0x400  }
0x79: {  	p0 =	sne.s32 s28, s17;
	[sflag:s18] =	ssyncset.done $0x0  }
.Ltmp2:
0x7a: {  	s31 =	sshrl.u32 s11, $0x3;
	[sflag:s18] =	ssyncadd.s32 $0xFFFFFC00;
	(pc) =	sbr.rel @p0 .LBB2_1-.Ltmp2, $4  }
0x7b: {  	[hbm:s16], [sflag:s29] =	dma.local [spmem:s31], $0x400  }
0x7c: {  	_ =	swait.ge [sflag:s18], $0x400  }
0x7d: {  	[sflag:s18] =	ssyncset.done $0x0  }
0x7e: {  	[sflag:s18] =	ssyncadd.s32 $0xFFFFFC00  }
0x7f: {  	_ =	sfence.sel $0x180000  }
0x80: {  	[bflag:$0x0] =	sbarrier.arrive $0xFFFF  }
0x81: {  	p0 =	sne.s32 s1, $0x0;
	_ =	strace $0x90000047  }
0x82: {  	s0 =	sadd.s32 @!p0 $0x100000, s0;
	[bflag:$0x2] =	sbarrier.arrive $0xFFFF  }
0x83: {  	[sflag:s0] =	ssyncadd.tile.s32 @!p0 $0x1;
	_ =	shalt  }
.Lfunc_end2:
_tile_overlayer_lowered:
.L_overlay_start_2:
0x84: {  	(tag) =	ssettag $0x2  }
0x85: {  	s0 =	rddreg [dreg:$0x0];
	s2 =	stileid.u32  }
0x86: {  	s1 =	rddreg [dreg:$0x1];
	p0 =	sne.s32 s2, $0x0  }
0x87: {  	s3 =	rddreg [dreg:$0x2];
	[bflag:$0x3] =	sbarrier.arrive $0xFFFF;
	s2 =	simm.s32 @!p0 $0x1C03  }
0x88: {  	[timem:s3], [sflag:s2] =	dma.local @!p0 [hbm:s0], s1  }
0x89: {  	s0 =	simm.s32 @!p0 $0x3  }
0x8a: {  	_ =	swait.ge @!p0 [sflag:s0], s1  }
0x8b: {  	s1 =	ssub.s32 @!p0 $0x0, s1;
	[sflag:s0] =	ssyncset.done @!p0 $0x0  }
0x8c: {  	[sflag:s0] =	ssyncadd.s32 @!p0 s1  }
0x8d: {  	[bflag:$0x3] =	sbarrier.arrive $0xFFFF  }
0x8e: {  	_ =	shalt  }

// kernel: kernel.13.cloned.1.call-start
scs
__scs_entry_jumppad:
0x0: {  	(pc) =	sbr.rel $0x88, $3  }
0x1: {  	(tag) =	ssettag $0x0;
	lr =	simm.s32 $0x1  }
0x2: {  	[smem:$0x3F91] =	sst lr;
	_ =	strace $0xD0000000  }
0x3: {  	_ = 	snop  }
0x4: {  	_ = 	snop  }
0x5: {  	_ = 	snop  }
0x6: {  	_ = 	snop  }
0x7: {  	_ = 	snop  }
__scs_overlays_trampoline_lowered:
0x8: {  	[smem:$0x3FA0] =	sst s0  }
0x9: {  	[smem:$0x3FA1] =	sst s1  }
0xa: {  	[smem:$0x3FA2] =	sst s2  }
0xb: {  	[smem:$0x3FA3] =	sst s3  }
0xc: {  	[smem:$0x3FA4] =	sst s4  }
0xd: {  	[smem:$0x3FA5] =	sst s5  }
0xe: {  	[smem:$0x3FA6] =	sst s6  }
0xf: {  	[smem:$0x3FA7] =	sst s7  }
0x10: {  	[smem:$0x3FA8] =	sst s8  }
0x11: {  	[smem:$0x3FA9] =	sst s9;
	s0 =	simm.s32 @!p0 $0x0  }
0x12: {  	s1 =	sld [smem:$0x3F8F];
	s0 =	simm.s32 @p0 $0x1  }
0x13: {  	[smem:$0x3FAA] =	sst s0;
	s0 =	simm.s32 @!p1 $0x0  }
0x14: {  	s2 =	sld [smem:$0x3F8E];
	s0 =	simm.s32 @p1 $0x1  }
0x15: {  	[smem:$0x3FAB] =	sst s0;
	s0 =	simm.s32 @!p2 $0x0  }
0x16: {  	s3 =	sld [smem:$0x3FDB];
	s0 =	simm.s32 @p2 $0x1  }
0x17: {  	s4 =	simm.s32 $0x1BF5;
	[smem:$0x3FAD] =	sst s0  }
0x18: {  	s0 =	sld [smem:$0x3F90];
	_ =	swait.ge [sflag:s4], $0x0  }
0x19: {  	s7 =	sld [smem:$0x3F91]  }
0x1a: {  	s8 =	sadd.s32 $0xFFFFE003, lr  }
0x1b: {  	s9 =	sadd.s32 $0xFFFFFEF7, lr;
	s5 =	simm.s32 $0xFFFFFFFF;
	p2 =	slt.u32 s8, $0xFFFFF086  }
0x1c: {  	p1 =	slt.u32 s9, $0xF7A;
	s5 =	simm.s32 @!p2 $0x0  }
0x1d: {  	s5 =	simm.s32 @p1 $0x1;
	p0 =	seq.s32 s7, s2  }
0x1e: {  	s7 =	smul.u32 @!p0 $0xF7A, s2;
	p2 =	seq.s32 @!p0 s5, $0x0  }
0x1f: {  	s9 =	smul.u32 $0xF7A, s1;
	s8 =	simm.s32 @!p0 $0x1BF5;
	p2 =	por !p2, p0  }
0x20: {  	[sflag:s8] =	ssyncset.s32 @!p0 $0xFFFFF086;
	s6 =	sadd.s32 @!p0 s3, s7;
	s7 =	simm.s32 @!p0 $0x108  }
0x21: {  	s3 =	sadd.s32 s3, s9;
	s6 =	sadd.s32 @!p0 $0x88, s6;
	s7 =	simm.s32 @p2 $0x1082  }
0x22: {  	[simem:s7], [sflag:s8] =	dma.local @!p0 [hbm:s6], $0xF7A  }
0x23: {  	s9 =	sor.u32 $0xD0000000, s2;
	s6 =	simm.s32 $0x108;
	_ =	swait.ge @!p0 [sflag:s8], $0x0  }
0x24: {  	s3 =	sadd.s32 $0x88, s3;
	s6 =	simm.s32 @!p1 $0x1082;
	[sflag:s4] =	ssyncset.s32 $0xFFFFF086  }
0x25: {  	[simem:s6], [sflag:s4] =	dma.local [hbm:s3], $0xF7A  }
0x26: {  	[smem:$0x3F91] =	sst s1;
	(tag) =	ssettag s2;
	_ =	strace s9  }
0x27: {  	s1 =	sld [smem:$0x3FA1]  }
0x28: {  	s2 =	sld [smem:$0x3FA2]  }
0x29: {  	s4 =	sld [smem:$0x3FA4]  }
0x2a: {  	p0 =	seq.s32 s5, $0x0;
	s5 =	sld [smem:$0x3FA5]  }
0x2b: {  	s6 =	sld [smem:$0x3FA6]  }
0x2c: {  	s7 =	sld [smem:$0x3FA7]  }
0x2d: {  	s3 =	simm.s32 $0x108;
	s8 =	sld [smem:$0x3FA8]  }
0x2e: {  	s3 =	simm.s32 @!p0 $0x1082;
	s9 =	sld [smem:$0x3FA9]  }
0x2f: {  	lr =	sadd.s32 s0, s3;
	s0 =	sld [smem:$0x3FA0]  }
0x30: {  	s3 =	sld [smem:$0x3FA3]  }
0x31: {  	[smem:$0x3FAC] =	sst s10  }
0x32: {  	s10 =	sld [smem:$0x3FAA];
	_ =	sdelay $0x3  }
0x33: {  	p0 =	seq.s32 s10, $0x1;
	s10 =	sld [smem:$0x3FAC];
	_ =	sdelay $0x3  }
0x34: {  	[smem:$0x3FAC] =	sst s10  }
0x35: {  	s10 =	sld [smem:$0x3FAB];
	_ =	sdelay $0x3  }
0x36: {  	p1 =	seq.s32 s10, $0x1;
	s10 =	sld [smem:$0x3FAC];
	_ =	sdelay $0x3  }
0x37: {  	[smem:$0x3FAC] =	sst s10  }
0x38: {  	s10 =	sld [smem:$0x3FAD]  }
0x39: {  	_ = 	snop;
	(pc) =	sbr.ind lr, $3  }
0x3a: {  	_ = 	snop  }
0x3b: {  	_ = 	snop  }
0x3c: {  	p2 =	seq.s32 s10, $0x1;
	s10 =	sld [smem:$0x3FAC]  }
0x3d: {  	_ =	shalt  }
0x3e: {  	_ =	shalt  }
0x3f: {  	_ =	shalt  }
0x40: {  	_ =	shalt  }
0x41: {  	_ =	shalt  }
0x42: {  	_ =	shalt  }
0x43: {  	_ =	shalt  }
0x44: {  	_ =	shalt  }
0x45: {  	_ =	shalt  }
0x46: {  	_ =	shalt  }
0x47: {  	_ =	shalt  }
0x48: {  	_ =	shalt  }
0x49: {  	_ =	shalt  }
0x4a: {  	_ =	shalt  }
0x4b: {  	_ =	shalt  }
0x4c: {  	_ =	shalt  }
0x4d: {  	_ =	shalt  }
0x4e: {  	_ =	shalt  }
0x4f: {  	_ =	shalt  }
0x50: {  	_ =	shalt  }
0x51: {  	_ =	shalt  }
0x52: {  	_ =	shalt  }
0x53: {  	_ =	shalt  }
0x54: {  	_ =	shalt  }
0x55: {  	_ =	shalt  }
0x56: {  	_ =	shalt  }
0x57: {  	_ =	shalt  }
0x58: {  	_ =	shalt  }
0x59: {  	_ =	shalt  }
0x5a: {  	_ =	shalt  }
0x5b: {  	_ =	shalt  }
0x5c: {  	_ =	shalt  }
0x5d: {  	_ =	shalt  }
0x5e: {  	_ =	shalt  }
0x5f: {  	_ =	shalt  }
0x60: {  	_ =	shalt  }
0x61: {  	_ =	shalt  }
0x62: {  	_ =	shalt  }
0x63: {  	_ =	shalt  }
0x64: {  	_ =	shalt  }
0x65: {  	_ =	shalt  }
0x66: {  	_ =	shalt  }
0x67: {  	_ =	shalt  }
0x68: {  	_ =	shalt  }
0x69: {  	_ =	shalt  }
0x6a: {  	_ =	shalt  }
0x6b: {  	_ =	shalt  }
0x6c: {  	_ =	shalt  }
0x6d: {  	_ =	shalt  }
0x6e: {  	_ =	shalt  }
0x6f: {  	_ =	shalt  }
0x70: {  	_ =	shalt  }
0x71: {  	_ =	shalt  }
0x72: {  	_ =	shalt  }
0x73: {  	_ =	shalt  }
0x74: {  	_ =	shalt  }
0x75: {  	_ =	shalt  }
0x76: {  	_ =	shalt  }
0x77: {  	_ =	shalt  }
0x78: {  	_ =	shalt  }
0x79: {  	_ =	shalt  }
0x7a: {  	_ =	shalt  }
0x7b: {  	_ =	shalt  }
0x7c: {  	_ =	shalt  }
0x7d: {  	_ =	shalt  }
0x7e: {  	_ =	shalt  }
0x7f: {  	_ =	shalt  }
0x80: {  	_ =	shalt  }
0x81: {  	_ =	shalt  }
0x82: {  	_ =	shalt  }
0x83: {  	_ =	shalt  }
0x84: {  	_ =	shalt  }
0x85: {  	_ =	shalt  }
0x86: {  	_ =	shalt  }
0x87: {  	_ =	shalt  }
.Lfunc_end0:
.L_simem_size_0:
called_computation.1_lowered:
.L_overlay_start_0:
0x88: {  	s2 =	sld [smem:$0x3FD9]  }
0x89: {  	s3 =	sld [smem:$0x3FFE];
	_ =	sdelay $0x1  }
0x8a: {  	s1 =	srdreg.scid  }
0x8b: {  	s0 =	sand.u32 $0x1, s1  }
0x8c: {  	s16 =	sshll.u32 s0, $0xA;
	s2 =	sadd.s32 s3, s2  }
0x8d: {  	s2 =	sadd.s32 s2, s16  }
0x8e: {  	[smem:$0x3FB8] =	sst s2  }
0x8f: {  	_ = 	snop  }
0x90: {  	(tm) =	ssettm $0x1  }
0x91: {  	s17 =	sld [smem:$0x3FFB];
	_ =	sdelay $0x3  }
0x92: {  	_ =	strace s17  }
0x93: {  	s2 =	sld [smem:$0x3FFC];
	_ =	sdelay $0x3  }
0x94: {  	_ =	strace s2  }
0x95: {  	s2 =	sld [smem:$0x3FFD];
	_ =	sdelay $0x3  }
0x96: {  	_ =	strace s2  }
0x97: {  	_ =	strace $0x8FFFFFFF  }
0x98: {  	s18 =	sld [smem:$0x3FDB];
	_ =	sdelay $0x1  }
0x99: {  	s19 =	simm.s32 $_scs_section_size  }
0x9a: {  	s4 =	simm.s32 $_size__tile_overlayer_lowered;
	s5 =	simm.s32 $_tile_overlayer_lowered  }
0x9b: {  	s22 =	simm.s32 $0x1BFF;
	s21 =	sshll.u32 s5, $0x1;
	s2 =	sadd.s32 s19, s18  }
0x9c: {  	s6 =	simm.s32 $0x0;
	s20 =	sshll.u32 s4, $0x1;
	s4 =	sadd.s32 s21, s2  }
0x9d: {  	[timem:s6], [sflag:s22] =	dma.local [hbm:s4], s20  }
0x9e: {  	_ =	swait.ge [sflag:s22], s20  }
0x9f: {  	s3 =	ssub.s32 $0x0, s20;
	[sflag:s22] =	ssyncset.done $0x0  }
0xa0: {  	[sflag:s22] =	ssyncadd.s32 s3;
	_ =	sdelay $0x1  }
0xa1: {  	s23 =	simm.s32 $0x1B8B  }
0xa2: {  	_ =	swait.ge [sflag:s23], $0x1  }
0xa3: {  	[sflag:s23] =	ssyncset.done $0x0  }
0xa4: {  	s25 =	simm.s32 $0x1B8E;
	s24 =	sld [smem:$0x3FFE];
	[sflag:s23] =	ssyncadd.s32 $0xFFFFFFFF  }
0xa5: {  	s26 =	simm.s32 $execute0_lowered;
	[smem:$0x3FD2] =	sst s25  }
0xa6: {  	s4 =	sshll.u32 s26, $0x1;
	_ =	strace $0x80000049;
	[dreg:$0x1] =	wrdreg $0xFFFFFFFF  }
0xa7: {  	s28 =	simm.s32 $_size_execute0_lowered;
	s2 =	sadd.s32 s2, s4;
	[dreg:$0x0] =	wrdreg $0x0  }
0xa8: {  	s4 =	sshll.u32 s28, $0x1;
	[dreg:$0x2] =	wrdreg s2  }
0xa9: {  	[dreg:$0x3] =	wrdreg s4  }
0xaa: {  	[dreg:$0x4] =	wrdreg $0xC0  }
0xab: {  	_ =	task [dreg:s6], $0x5FFFF  }
0xac: {  	[dreg:$0x1] =	wrdreg $0xFFFFFFFF  }
0xad: {  	[dreg:$0x0] =	wrdreg $0x60  }
0xae: {  	[dreg:$0x2] =	wrdreg s24  }
0xaf: {  	[dreg:$0x3] =	wrdreg $0x96200  }
0xb0: {  	[dreg:$0x4] =	wrdreg $0x9  }
0xb1: {  	_ =	task.clear_ibuf [dreg:s6], $0x5FFFF;
	_ =	strace $0x90000049  }
0xb2: {  	s29 =	simm.s32 $0x9;
	_ =	strace $0x8000004B  }
0xb3: {  	_ =	swait.ge [sflag:s29], $0x1  }
0xb4: {  	[sflag:s29] =	ssyncadd.s32 $0xFFFFFFFF  }
0xb5: {  	_ =	strace $0x9000004B  }
0xb6: {  	_ =	sfence  }
0xb7: {  	s30 =	sld [smem:$0x0];
	_ =	sdelay $0x2  }
0xb8: {  	s31 =	sshll.u32 s1, $0xD;
	s1 =	sshrl.u32 s1, $0x2  }
0xb9: {  	s3 =	sand.u32 $0x4000, s31;
	s1 =	sadd.s32 s1, s30  }
0xba: {  	s0 =	sor.u32 s3, s0;
	s1 =	sshll.u32 s1, $0x11  }
0xbb: {  	s0 =	sor.u32 s1, s0  }
0xbc: {  	s0 =	sadd.s32 $0x8F2B, s0  }
0xbd: {  	[sflag:s0] =	ssyncadd.remote.s32 $0x1  }
0xbe: {  	_ =	sfence.sel $0xFFFF  }
0xbf: {  	[dreg:$0x0] =	wrdreg $0xFFFFFFFF;
	(pc) =	sbr.abs _section_cstart, $3  }
0xc0: {  	[dreg:$0x1] =	wrdreg $0xFFFFFFFF  }
0xc1: {  	_ =	task.clear_ibuf [dreg:s6], $0x2FFFF;
	_ =	strace $0x9FFFFFFF  }
0xc2: {  	(tm) =	ssettm $0x7FFFFFFF  }
0xc3: {  	_ =	shalt  }
tec
execute0_lowered:
.L_overlay_start_1:
0x0: {  	(tag) =	ssettag $0x1  }
0x1: {  	s5 =	rddreg [dreg:$0x0]  }
0x2: {  	s0 =	srdreg.scid;
	s2 =	rddreg [dreg:$0x1]  }
0x3: {  	s1 =	stileid.u32;
	s3 =	simm.s32 $0x0;
	s21 =	simm.s32 $0x50  }
0x4: {  	s22 =	simm.s32 $0x4E20;
	s23 =	simm.s32 $0x1;
	s24 =	simm.s32 $0x6220  }
0x5: {  	s25 =	simm.s32 $0x2;
	s8 =	sand.u32 $0x1, s0;
	s0 =	rddreg [dreg:$0x2]  }
0x6: {  	s26 =	simm.s32 $0x4DD0;
	s28 =	simm.s32 $0x0;
	[smem:$0x7FF] =	sst s3  }
0x7: {  	s16 =	sadd.s32 $0x2A200, s5;
	s11 =	smul.u32 $0xA000, s1;
	s4 =	sshll.u32 s8, $0x4  }
0x8: {  	_ =	strace $0x8000004A;
	s7 =	ssub.s32 $0x2, s8;
	s14 =	smul.u32 $0xA0000, s8  }
0x9: {  	s4 =	sor.u32 s1, s4;
	s29 =	sshrl.u32 s7, $0x1;
	s12 =	sadd.s32 $0x2000, s11  }
0xa: {  	s15 =	sadd.s32 $0x4000, s11;
	s18 =	sadd.s32 $0x6000, s11;
	s19 =	sadd.s32 $0x8000, s11  }
0xb: {  	s6 =	smul.u32 $0x4E2, s4;
	s4 =	sadd.s32 $0x16200, s5;
	s17 =	ssub.s32 s7, s29  }
0xc: {  	s7 =	sadd.s32 s11, s2;
	s8 =	sadd.s32 s12, s2;
	s9 =	sadd.s32 s15, s2  }
0xd: {  	s10 =	sadd.s32 s18, s2;
	s13 =	sadd.s32 s11, s14;
	s20 =	sadd.s32 s14, s12  }
0xe: {  	s11 =	sadd.s32 s19, s2;
	s15 =	sadd.s32 s14, s15;
	s18 =	sadd.s32 s14, s18  }
0xf: {  	s19 =	sadd.s32 s14, s19;
	s13 =	sshrl.u32 s13, $0x3;
	s30 =	sshrl.u32 s20, $0x3  }
0x10: {  	s15 =	sshrl.u32 s15, $0x3;
	s18 =	sshrl.u32 s18, $0x3;
	s31 =	sshrl.u32 s19, $0x3  }
0x11: {  	s17 =	smax.u32 s17, $0x1;
	s19 =	simm.s32 $0x2710;
	s20 =	simm.s32 $0x7620  }
0x12: {  	s6 =	sadd.s32 s6, s5;
	s12 =	sadd.s32 s16, s13;
	s13 =	sadd.s32 s16, s30  }
0x13: {  	s14 =	sadd.s32 s16, s15;
	s15 =	sadd.s32 s16, s18;
	s16 =	sadd.s32 s16, s31  }
0x14: {  	v0 =	vimm.f32 $0.0e+00;
	s18 =	simm.s32 $0x3;
	s5 =	sadd.s32 $0xC400, s6;
	s6 =	sadd.s32 $0x2600, s6  }
.LBB2_1:
0x15: {  	[tilespmem:s3], [sflag:$0x3] =	stream.linear.gather [hbm4b:s5+s3], $0x2710, $0x38;
	[tilespmem:$0x13620] =	vst v63  }
0x16: {  	_ =	swait.ge [sflag:s18], $0x2710  }
0x17: {  	[sflag:s18] =	ssyncset.done $0x0  }
0x18: {  	[sflag:s18] =	ssyncadd.s32 $0xFFFFD8F0  }
0x19: {  	[tilespmem:s19], [sflag:$0x3] =	stream.linear.gather [hbm4b:s6+s3], $0x2710, $0x38;
	[tilespmem:$0x13620] =	vst v63  }
0x1a: {  	_ =	swait.ge [sflag:s18], $0x2710  }
0x1b: {  	[sflag:s18] =	ssyncset.done $0x0  }
0x1c: {  	s30 =	simm.s32 $0x100;
	s29 =	simm.s32 $0x0;
	[sflag:s18] =	ssyncadd.s32 $0xFFFFD8F0  }
.LBB2_2:
0x1d: {  	p0 =	sne.s32 s30, $0x7F00;
	[tilespmem:s29+$0x7650] =	vst v0;
	s31 =	smov.u32 s30;
	s30 =	sadd.s32 $0x100, s30  }
.Ltmp0:
0x1e: {  	[tilespmem:s29+$0x7640] =	vst v0;
	(pc) =	sbr.rel @p0 .LBB2_2-.Ltmp0, $3  }
0x1f: {  	[tilespmem:s29+$0x7620] =	vst v0  }
0x20: {  	[tilespmem:s29+$0x7630] =	vst v0;
	_ =	sdelay $0x1  }
0x21: {  	s29 =	sshra.s32 s31, $0x2  }
0x22: {  	[tilespmem:s29+$0x7650] =	vst v0  }
0x23: {  	[tilespmem:s29+$0x7640] =	vst v0  }
0x24: {  	[tilespmem:s29+$0x7620] =	vst v0  }
0x25: {  	[tilespmem:s29+$0x7630] =	vst v0  }
0x26: {  	[spmem:s7] =	stream.linear.scatter [tilespmem:s20], [sflag:$0x3], $0x2000, $0x38;
	[tilespmem:$0x13620] =	vst v63  }
0x27: {  	_ =	swait.ge [sflag:s18], $0x2000  }
0x28: {  	[sflag:s18] =	ssyncset.done $0x0  }
0x29: {  	[sflag:s18] =	ssyncadd.s32 $0xFFFFE000  }
0x2a: {  	[spmem:s8] =	stream.linear.scatter [tilespmem:s20], [sflag:$0x3], $0x2000, $0x38;
	[tilespmem:$0x13620] =	vst v63  }
0x2b: {  	_ =	swait.ge [sflag:s18], $0x2000  }
0x2c: {  	[sflag:s18] =	ssyncset.done $0x0  }
0x2d: {  	[sflag:s18] =	ssyncadd.s32 $0xFFFFE000  }
0x2e: {  	[spmem:s9] =	stream.linear.scatter [tilespmem:s20], [sflag:$0x3], $0x2000, $0x38;
	[tilespmem:$0x13620] =	vst v63  }
0x2f: {  	_ =	swait.ge [sflag:s18], $0x2000  }
0x30: {  	[sflag:s18] =	ssyncset.done $0x0  }
0x31: {  	[sflag:s18] =	ssyncadd.s32 $0xFFFFE000  }
0x32: {  	[spmem:s10] =	stream.linear.scatter [tilespmem:s20], [sflag:$0x3], $0x2000, $0x38;
	[tilespmem:$0x13620] =	vst v63  }
0x33: {  	_ =	swait.ge [sflag:s18], $0x2000  }
0x34: {  	[sflag:s18] =	ssyncset.done $0x0  }
0x35: {  	[sflag:s18] =	ssyncadd.s32 $0xFFFFE000  }
0x36: {  	[spmem:s11] =	stream.linear.scatter [tilespmem:s20], [sflag:$0x3], $0x2000, $0x38;
	[tilespmem:$0x13620] =	vst v63  }
0x37: {  	_ =	swait.ge [sflag:s18], $0x2000  }
0x38: {  	[sflag:s18] =	ssyncset.done $0x0  }
0x39: {  	[sflag:s18] =	ssyncadd.s32 $0xFFFFE000  }
0x3a: {  	s29 =	simm.s32 $0x0;
	[bflag:$0x0] =	sbarrier.arrive $0xFFFF  }
0x3b: {  	[tilespmem:s22], [sflag:$0x1] =	stream.indirect.gather [hbm4b:s4+s21], $0x40, s29, s21, $0xb8;
	[tilespmem:$0x13620] =	vst v63  }
0x3c: {  	_ =	swait.ge [sflag:s23], $0x1400  }
0x3d: {  	[sflag:s23] =	ssyncset.done $0x0  }
0x3e: {  	s29 =	simm.s32 $0x50;
	[sflag:s23] =	ssyncadd.s32 $0xFFFFEC00  }
0x3f: {  	[tilespmem:s24], [sflag:$0x2] =	stream.indirect.gather [hbm4b:s4+s21], $0x40, s29, s21, $0xb8;
	[tilespmem:$0x13620] =	vst v63  }
0x40: {  	s29 =	simm.s32 $0x2710  }
0x41: {  	[spmem:s2] =	stream.indirect.scatter.add.f32 [tilespmem:s22], [sflag:$0x3], $0x40, s29, s21, $0xb8;
	[tilespmem:$0x13620] =	vst v63  }
0x42: {  	_ =	swait.ge [sflag:s18], $0x1400  }
0x43: {  	[sflag:s18] =	ssyncset.done $0x0  }
0x44: {  	[sflag:s18] =	ssyncadd.s32 $0xFFFFEC00  }
0x45: {  	_ =	swait.ge [sflag:s25], $0x1400  }
0x46: {  	[sflag:s25] =	ssyncset.done $0x0  }
0x47: {  	s29 =	simm.s32 $0xA0;
	[sflag:s25] =	ssyncadd.s32 $0xFFFFEC00  }
0x48: {  	[tilespmem:s22], [sflag:$0x1] =	stream.indirect.gather [hbm4b:s4+s21], $0x40, s29, s21, $0xb8;
	[tilespmem:$0x13620] =	vst v63  }
0x49: {  	s29 =	simm.s32 $0x2760  }
0x4a: {  	[spmem:s2] =	stream.indirect.scatter.add.f32 [tilespmem:s24], [sflag:$0x3], $0x40, s29, s21, $0xb8;
	[tilespmem:$0x13620] =	vst v63  }
0x4b: {  	_ =	swait.ge [sflag:s18], $0x1400  }
0x4c: {  	s29 =	simm.s32 $0x280;
	[sflag:s18] =	ssyncset.done $0x0  }
.LBB2_4:
0x4d: {  	p0 =	sne.s32 s29, $0x9880  }
0x4e: {  	[sflag:s18] =	ssyncadd.s32 $0xFFFFEC00;
	s30 =	smov.u32 s29;
	s29 =	sadd.s32 $0x280, s29  }
0x4f: {  	_ = 	snop  }
0x50: {  	_ =	swait.ge [sflag:s23], $0x1400  }
0x51: {  	s30 =	sshra.s32 s30, $0x2;
	[sflag:s23] =	ssyncset.done $0x0  }
0x52: {  	s31 =	sadd.s32 $0x50, s30;
	[sflag:s23] =	ssyncadd.s32 $0xFFFFEC00  }
0x53: {  	[tilespmem:s24], [sflag:$0x2] =	stream.indirect.gather [hbm4b:s4+s21], $0x40, s31, s21, $0xb8;
	[tilespmem:$0x13620] =	vst v63  }
0x54: {  	s31 =	sadd.s32 $0x2710, s30  }
0x55: {  	[spmem:s2] =	stream.indirect.scatter.add.f32 [tilespmem:s22], [sflag:$0x3], $0x40, s31, s21, $0xb8;
	[tilespmem:$0x13620] =	vst v63  }
0x56: {  	_ =	swait.ge [sflag:s18], $0x1400  }
0x57: {  	[sflag:s18] =	ssyncset.done $0x0  }
0x58: {  	[sflag:s18] =	ssyncadd.s32 $0xFFFFEC00  }
0x59: {  	_ =	swait.ge [sflag:s25], $0x1400  }
0x5a: {  	[sflag:s25] =	ssyncset.done $0x0  }
0x5b: {  	s31 =	sadd.s32 $0xA0, s30;
	[sflag:s25] =	ssyncadd.s32 $0xFFFFEC00  }
0x5c: {  	[tilespmem:s22], [sflag:$0x1] =	stream.indirect.gather [hbm4b:s4+s21], $0x40, s31, s21, $0xb8;
	[tilespmem:$0x13620] =	vst v63  }
.Ltmp1:
0x5d: {  	_ = 	snop;
	(pc) =	sbr.rel @p0 .LBB2_4-.Ltmp1, $4  }
0x5e: {  	s30 =	sadd.s32 $0x2760, s30  }
0x5f: {  	[spmem:s2] =	stream.indirect.scatter.add.f32 [tilespmem:s24], [sflag:$0x3], $0x40, s30, s21, $0xb8;
	[tilespmem:$0x13620] =	vst v63  }
0x60: {  	_ =	swait.ge [sflag:s18], $0x1400  }
0x61: {  	[sflag:s18] =	ssyncset.done $0x0  }
0x62: {  	[sflag:s18] =	ssyncadd.s32 $0xFFFFEC00  }
0x63: {  	_ =	swait.ge [sflag:s23], $0x1400  }
0x64: {  	[sflag:s23] =	ssyncset.done $0x0  }
0x65: {  	[sflag:s23] =	ssyncadd.s32 $0xFFFFEC00  }
0x66: {  	[spmem:s2] =	stream.indirect.scatter.add.f32 [tilespmem:s22], [sflag:$0x3], $0x40, s26, s21, $0xb8;
	[tilespmem:$0x13620] =	vst v63  }
0x67: {  	_ =	swait.ge [sflag:s18], $0x1400  }
0x68: {  	[sflag:s18] =	ssyncset.done $0x0  }
0x69: {  	s29 =	sshll.u32 s1, $0x6;
	[sflag:s18] =	ssyncadd.s32 $0xFFFFEC00  }
0x6a: {  	s30 =	sshrl.u32 s7, $0x3;
	s29 =	sor.u32 $0x1C03, s29;
	[bflag:$0x0] =	sbarrier.arrive $0xFFFF  }
0x6b: {  	[hbm:s12], [sflag:s29] =	dma.local [spmem:s30], $0x400  }
0x6c: {  	_ =	swait.ge [sflag:s18], $0x400  }
0x6d: {  	[sflag:s18] =	ssyncset.done $0x0  }
0x6e: {  	s31 =	sshrl.u32 s8, $0x3;
	[sflag:s18] =	ssyncadd.s32 $0xFFFFFC00  }
0x6f: {  	[hbm:s13], [sflag:s29] =	dma.local [spmem:s31], $0x400  }
0x70: {  	_ =	swait.ge [sflag:s18], $0x400  }
0x71: {  	[sflag:s18] =	ssyncset.done $0x0  }
0x72: {  	s31 =	sshrl.u32 s9, $0x3;
	[sflag:s18] =	ssyncadd.s32 $0xFFFFFC00  }
0x73: {  	[hbm:s14], [sflag:s29] =	dma.local [spmem:s31], $0x400  }
0x74: {  	_ =	swait.ge [sflag:s18], $0x400  }
0x75: {  	[sflag:s18] =	ssyncset.done $0x0  }
0x76: {  	s31 =	sshrl.u32 s10, $0x3;
	[sflag:s18] =	ssyncadd.s32 $0xFFFFFC00  }
0x77: {  	[hbm:s15], [sflag:s29] =	dma.local [spmem:s31], $0x400  }
0x78: {  	s28 =	sadd.s32 $0x1, s28;
	_ =	swait.ge [sflag:s18], $0x400  }
0x79: {  	p0 =	sne.s32 s28, s17;
	[sflag:s18] =	ssyncset.done $0x0  }
.Ltmp2:
0x7a: {  	s31 =	sshrl.u32 s11, $0x3;
	[sflag:s18] =	ssyncadd.s32 $0xFFFFFC00;
	(pc) =	sbr.rel @p0 .LBB2_1-.Ltmp2, $4  }
0x7b: {  	[hbm:s16], [sflag:s29] =	dma.local [spmem:s31], $0x400  }
0x7c: {  	_ =	swait.ge [sflag:s18], $0x400  }
0x7d: {  	[sflag:s18] =	ssyncset.done $0x0  }
0x7e: {  	[sflag:s18] =	ssyncadd.s32 $0xFFFFFC00  }
0x7f: {  	_ =	sfence.sel $0x180000  }
0x80: {  	[bflag:$0x0] =	sbarrier.arrive $0xFFFF  }
0x81: {  	p0 =	sne.s32 s1, $0x0;
	_ =	strace $0x9000004A  }
0x82: {  	s0 =	sadd.s32 @!p0 $0x100000, s0;
	[bflag:$0x2] =	sbarrier.arrive $0xFFFF  }
0x83: {  	[sflag:s0] =	ssyncadd.tile.s32 @!p0 $0x1;
	_ =	shalt  }
.Lfunc_end2:
_tile_overlayer_lowered:
.L_overlay_start_2:
0x84: {  	(tag) =	ssettag $0x2  }
0x85: {  	s0 =	rddreg [dreg:$0x0];
	s2 =	stileid.u32  }
0x86: {  	s1 =	rddreg [dreg:$0x1];
	p0 =	sne.s32 s2, $0x0  }
0x87: {  	s3 =	rddreg [dreg:$0x2];
	[bflag:$0x3] =	sbarrier.arrive $0xFFFF;
	s2 =	simm.s32 @!p0 $0x1C03  }
0x88: {  	[timem:s3], [sflag:s2] =	dma.local @!p0 [hbm:s0], s1  }
0x89: {  	s0 =	simm.s32 @!p0 $0x3  }
0x8a: {  	_ =	swait.ge @!p0 [sflag:s0], s1  }
0x8b: {  	s1 =	ssub.s32 @!p0 $0x0, s1;
	[sflag:s0] =	ssyncset.done @!p0 $0x0  }
0x8c: {  	[sflag:s0] =	ssyncadd.s32 @!p0 s1  }
0x8d: {  	[bflag:$0x3] =	sbarrier.arrive $0xFFFF  }
0x8e: {  	_ =	shalt  }

// kernel: kernel.16.cloned.1.call-start
scs
__scs_entry_jumppad:
0x0: {  	(pc) =	sbr.rel $0x88, $3  }
0x1: {  	(tag) =	ssettag $0x0;
	lr =	simm.s32 $0x1  }
0x2: {  	[smem:$0x3F91] =	sst lr;
	_ =	strace $0xD0000000  }
0x3: {  	_ = 	snop  }
0x4: {  	_ = 	snop  }
0x5: {  	_ = 	snop  }
0x6: {  	_ = 	snop  }
0x7: {  	_ = 	snop  }
__scs_overlays_trampoline_lowered:
0x8: {  	[smem:$0x3FA0] =	sst s0  }
0x9: {  	[smem:$0x3FA1] =	sst s1  }
0xa: {  	[smem:$0x3FA2] =	sst s2  }
0xb: {  	[smem:$0x3FA3] =	sst s3  }
0xc: {  	[smem:$0x3FA4] =	sst s4  }
0xd: {  	[smem:$0x3FA5] =	sst s5  }
0xe: {  	[smem:$0x3FA6] =	sst s6  }
0xf: {  	[smem:$0x3FA7] =	sst s7  }
0x10: {  	[smem:$0x3FA8] =	sst s8  }
0x11: {  	[smem:$0x3FA9] =	sst s9;
	s0 =	simm.s32 @!p0 $0x0  }
0x12: {  	s1 =	sld [smem:$0x3F8F];
	s0 =	simm.s32 @p0 $0x1  }
0x13: {  	[smem:$0x3FAA] =	sst s0;
	s0 =	simm.s32 @!p1 $0x0  }
0x14: {  	s2 =	sld [smem:$0x3F8E];
	s0 =	simm.s32 @p1 $0x1  }
0x15: {  	[smem:$0x3FAB] =	sst s0;
	s0 =	simm.s32 @!p2 $0x0  }
0x16: {  	s3 =	sld [smem:$0x3FDB];
	s0 =	simm.s32 @p2 $0x1  }
0x17: {  	s4 =	simm.s32 $0x1BF5;
	[smem:$0x3FAD] =	sst s0  }
0x18: {  	s0 =	sld [smem:$0x3F90];
	_ =	swait.ge [sflag:s4], $0x0  }
0x19: {  	s7 =	sld [smem:$0x3F91]  }
0x1a: {  	s8 =	sadd.s32 $0xFFFFE003, lr  }
0x1b: {  	s9 =	sadd.s32 $0xFFFFFEF7, lr;
	s5 =	simm.s32 $0xFFFFFFFF;
	p2 =	slt.u32 s8, $0xFFFFF086  }
0x1c: {  	p1 =	slt.u32 s9, $0xF7A;
	s5 =	simm.s32 @!p2 $0x0  }
0x1d: {  	s5 =	simm.s32 @p1 $0x1;
	p0 =	seq.s32 s7, s2  }
0x1e: {  	s7 =	smul.u32 @!p0 $0xF7A, s2;
	p2 =	seq.s32 @!p0 s5, $0x0  }
0x1f: {  	s9 =	smul.u32 $0xF7A, s1;
	s8 =	simm.s32 @!p0 $0x1BF5;
	p2 =	por !p2, p0  }
0x20: {  	[sflag:s8] =	ssyncset.s32 @!p0 $0xFFFFF086;
	s6 =	sadd.s32 @!p0 s3, s7;
	s7 =	simm.s32 @!p0 $0x108  }
0x21: {  	s3 =	sadd.s32 s3, s9;
	s6 =	sadd.s32 @!p0 $0x88, s6;
	s7 =	simm.s32 @p2 $0x1082  }
0x22: {  	[simem:s7], [sflag:s8] =	dma.local @!p0 [hbm:s6], $0xF7A  }
0x23: {  	s9 =	sor.u32 $0xD0000000, s2;
	s6 =	simm.s32 $0x108;
	_ =	swait.ge @!p0 [sflag:s8], $0x0  }
0x24: {  	s3 =	sadd.s32 $0x88, s3;
	s6 =	simm.s32 @!p1 $0x1082;
	[sflag:s4] =	ssyncset.s32 $0xFFFFF086  }
0x25: {  	[simem:s6], [sflag:s4] =	dma.local [hbm:s3], $0xF7A  }
0x26: {  	[smem:$0x3F91] =	sst s1;
	(tag) =	ssettag s2;
	_ =	strace s9  }
0x27: {  	s1 =	sld [smem:$0x3FA1]  }
0x28: {  	s2 =	sld [smem:$0x3FA2]  }
0x29: {  	s4 =	sld [smem:$0x3FA4]  }
0x2a: {  	p0 =	seq.s32 s5, $0x0;
	s5 =	sld [smem:$0x3FA5]  }
0x2b: {  	s6 =	sld [smem:$0x3FA6]  }
0x2c: {  	s7 =	sld [smem:$0x3FA7]  }
0x2d: {  	s3 =	simm.s32 $0x108;
	s8 =	sld [smem:$0x3FA8]  }
0x2e: {  	s3 =	simm.s32 @!p0 $0x1082;
	s9 =	sld [smem:$0x3FA9]  }
0x2f: {  	lr =	sadd.s32 s0, s3;
	s0 =	sld [smem:$0x3FA0]  }
0x30: {  	s3 =	sld [smem:$0x3FA3]  }
0x31: {  	[smem:$0x3FAC] =	sst s10  }
0x32: {  	s10 =	sld [smem:$0x3FAA];
	_ =	sdelay $0x3  }
0x33: {  	p0 =	seq.s32 s10, $0x1;
	s10 =	sld [smem:$0x3FAC];
	_ =	sdelay $0x3  }
0x34: {  	[smem:$0x3FAC] =	sst s10  }
0x35: {  	s10 =	sld [smem:$0x3FAB];
	_ =	sdelay $0x3  }
0x36: {  	p1 =	seq.s32 s10, $0x1;
	s10 =	sld [smem:$0x3FAC];
	_ =	sdelay $0x3  }
0x37: {  	[smem:$0x3FAC] =	sst s10  }
0x38: {  	s10 =	sld [smem:$0x3FAD]  }
0x39: {  	_ = 	snop;
	(pc) =	sbr.ind lr, $3  }
0x3a: {  	_ = 	snop  }
0x3b: {  	_ = 	snop  }
0x3c: {  	p2 =	seq.s32 s10, $0x1;
	s10 =	sld [smem:$0x3FAC]  }
0x3d: {  	_ =	shalt  }
0x3e: {  	_ =	shalt  }
0x3f: {  	_ =	shalt  }
0x40: {  	_ =	shalt  }
0x41: {  	_ =	shalt  }
0x42: {  	_ =	shalt  }
0x43: {  	_ =	shalt  }
0x44: {  	_ =	shalt  }
0x45: {  	_ =	shalt  }
0x46: {  	_ =	shalt  }
0x47: {  	_ =	shalt  }
0x48: {  	_ =	shalt  }
0x49: {  	_ =	shalt  }
0x4a: {  	_ =	shalt  }
0x4b: {  	_ =	shalt  }
0x4c: {  	_ =	shalt  }
0x4d: {  	_ =	shalt  }
0x4e: {  	_ =	shalt  }
0x4f: {  	_ =	shalt  }
0x50: {  	_ =	shalt  }
0x51: {  	_ =	shalt  }
0x52: {  	_ =	shalt  }
0x53: {  	_ =	shalt  }
0x54: {  	_ =	shalt  }
0x55: {  	_ =	shalt  }
0x56: {  	_ =	shalt  }
0x57: {  	_ =	shalt  }
0x58: {  	_ =	shalt  }
0x59: {  	_ =	shalt  }
0x5a: {  	_ =	shalt  }
0x5b: {  	_ =	shalt  }
0x5c: {  	_ =	shalt  }
0x5d: {  	_ =	shalt  }
0x5e: {  	_ =	shalt  }
0x5f: {  	_ =	shalt  }
0x60: {  	_ =	shalt  }
0x61: {  	_ =	shalt  }
0x62: {  	_ =	shalt  }
0x63: {  	_ =	shalt  }
0x64: {  	_ =	shalt  }
0x65: {  	_ =	shalt  }
0x66: {  	_ =	shalt  }
0x67: {  	_ =	shalt  }
0x68: {  	_ =	shalt  }
0x69: {  	_ =	shalt  }
0x6a: {  	_ =	shalt  }
0x6b: {  	_ =	shalt  }
0x6c: {  	_ =	shalt  }
0x6d: {  	_ =	shalt  }
0x6e: {  	_ =	shalt  }
0x6f: {  	_ =	shalt  }
0x70: {  	_ =	shalt  }
0x71: {  	_ =	shalt  }
0x72: {  	_ =	shalt  }
0x73: {  	_ =	shalt  }
0x74: {  	_ =	shalt  }
0x75: {  	_ =	shalt  }
0x76: {  	_ =	shalt  }
0x77: {  	_ =	shalt  }
0x78: {  	_ =	shalt  }
0x79: {  	_ =	shalt  }
0x7a: {  	_ =	shalt  }
0x7b: {  	_ =	shalt  }
0x7c: {  	_ =	shalt  }
0x7d: {  	_ =	shalt  }
0x7e: {  	_ =	shalt  }
0x7f: {  	_ =	shalt  }
0x80: {  	_ =	shalt  }
0x81: {  	_ =	shalt  }
0x82: {  	_ =	shalt  }
0x83: {  	_ =	shalt  }
0x84: {  	_ =	shalt  }
0x85: {  	_ =	shalt  }
0x86: {  	_ =	shalt  }
0x87: {  	_ =	shalt  }
.Lfunc_end0:
.L_simem_size_0:
called_computation.2_lowered:
.L_overlay_start_0:
0x88: {  	s2 =	sld [smem:$0x3FD9]  }
0x89: {  	s3 =	sld [smem:$0x3FFE];
	_ =	sdelay $0x1  }
0x8a: {  	s1 =	srdreg.scid  }
0x8b: {  	s0 =	sand.u32 $0x1, s1  }
0x8c: {  	s16 =	sshll.u32 s0, $0xA;
	s2 =	sadd.s32 s3, s2  }
0x8d: {  	s2 =	sadd.s32 s2, s16  }
0x8e: {  	[smem:$0x3FB8] =	sst s2  }
0x8f: {  	_ = 	snop  }
0x90: {  	(tm) =	ssettm $0x1  }
0x91: {  	s17 =	sld [smem:$0x3FFB];
	_ =	sdelay $0x3  }
0x92: {  	_ =	strace s17  }
0x93: {  	s2 =	sld [smem:$0x3FFC];
	_ =	sdelay $0x3  }
0x94: {  	_ =	strace s2  }
0x95: {  	s2 =	sld [smem:$0x3FFD];
	_ =	sdelay $0x3  }
0x96: {  	_ =	strace s2  }
0x97: {  	_ =	strace $0x8FFFFFFF  }
0x98: {  	s18 =	sld [smem:$0x3FDB];
	_ =	sdelay $0x1  }
0x99: {  	s19 =	simm.s32 $_scs_section_size  }
0x9a: {  	s4 =	simm.s32 $_size__tile_overlayer_lowered;
	s5 =	simm.s32 $_tile_overlayer_lowered  }
0x9b: {  	s22 =	simm.s32 $0x1BFF;
	s21 =	sshll.u32 s5, $0x1;
	s2 =	sadd.s32 s19, s18  }
0x9c: {  	s6 =	simm.s32 $0x0;
	s20 =	sshll.u32 s4, $0x1;
	s4 =	sadd.s32 s21, s2  }
0x9d: {  	[timem:s6], [sflag:s22] =	dma.local [hbm:s4], s20  }
0x9e: {  	_ =	swait.ge [sflag:s22], s20  }
0x9f: {  	s3 =	ssub.s32 $0x0, s20;
	[sflag:s22] =	ssyncset.done $0x0  }
0xa0: {  	[sflag:s22] =	ssyncadd.s32 s3;
	_ =	sdelay $0x1  }
0xa1: {  	s23 =	simm.s32 $0x1B8B  }
0xa2: {  	_ =	swait.ge [sflag:s23], $0x1  }
0xa3: {  	[sflag:s23] =	ssyncset.done $0x0  }
0xa4: {  	s25 =	simm.s32 $0x1B8E;
	s24 =	sld [smem:$0x3FFE];
	[sflag:s23] =	ssyncadd.s32 $0xFFFFFFFF  }
0xa5: {  	s26 =	simm.s32 $execute0_lowered;
	[smem:$0x3FD2] =	sst s25  }
0xa6: {  	s4 =	sshll.u32 s26, $0x1;
	_ =	strace $0x8000004C;
	[dreg:$0x1] =	wrdreg $0xFFFFFFFF  }
0xa7: {  	s28 =	simm.s32 $_size_execute0_lowered;
	s2 =	sadd.s32 s2, s4;
	[dreg:$0x0] =	wrdreg $0x0  }
0xa8: {  	s4 =	sshll.u32 s28, $0x1;
	[dreg:$0x2] =	wrdreg s2  }
0xa9: {  	[dreg:$0x3] =	wrdreg s4  }
0xaa: {  	[dreg:$0x4] =	wrdreg $0xC0  }
0xab: {  	_ =	task [dreg:s6], $0x5FFFF  }
0xac: {  	[dreg:$0x1] =	wrdreg $0xFFFFFFFF  }
0xad: {  	[dreg:$0x0] =	wrdreg $0x60  }
0xae: {  	[dreg:$0x2] =	wrdreg s24  }
0xaf: {  	[dreg:$0x3] =	wrdreg $0x96200  }
0xb0: {  	[dreg:$0x4] =	wrdreg $0x9  }
0xb1: {  	_ =	task.clear_ibuf [dreg:s6], $0x5FFFF;
	_ =	strace $0x9000004C  }
0xb2: {  	s29 =	simm.s32 $0x9;
	_ =	strace $0x8000004E  }
0xb3: {  	_ =	swait.ge [sflag:s29], $0x1  }
0xb4: {  	[sflag:s29] =	ssyncadd.s32 $0xFFFFFFFF  }
0xb5: {  	_ =	strace $0x9000004E  }
0xb6: {  	_ =	sfence  }
0xb7: {  	s30 =	sld [smem:$0x0];
	_ =	sdelay $0x2  }
0xb8: {  	s31 =	sshll.u32 s1, $0xD;
	s1 =	sshrl.u32 s1, $0x2  }
0xb9: {  	s3 =	sand.u32 $0x4000, s31;
	s1 =	sadd.s32 s1, s30  }
0xba: {  	s0 =	sor.u32 s3, s0;
	s1 =	sshll.u32 s1, $0x11  }
0xbb: {  	s0 =	sor.u32 s1, s0  }
0xbc: {  	s0 =	sadd.s32 $0x8F2B, s0  }
0xbd: {  	[sflag:s0] =	ssyncadd.remote.s32 $0x1  }
0xbe: {  	_ =	sfence.sel $0xFFFF  }
0xbf: {  	[dreg:$0x0] =	wrdreg $0xFFFFFFFF;
	(pc) =	sbr.abs _section_cstart, $3  }
0xc0: {  	[dreg:$0x1] =	wrdreg $0xFFFFFFFF  }
0xc1: {  	_ =	task.clear_ibuf [dreg:s6], $0x2FFFF;
	_ =	strace $0x9FFFFFFF  }
0xc2: {  	(tm) =	ssettm $0x7FFFFFFF  }
0xc3: {  	_ =	shalt  }
tec
execute0_lowered:
.L_overlay_start_1:
0x0: {  	(tag) =	ssettag $0x1  }
0x1: {  	s5 =	rddreg [dreg:$0x0]  }
0x2: {  	s0 =	srdreg.scid;
	s2 =	rddreg [dreg:$0x1]  }
0x3: {  	s1 =	stileid.u32;
	s3 =	simm.s32 $0x0;
	s21 =	simm.s32 $0x50  }
0x4: {  	s22 =	simm.s32 $0x4E20;
	s23 =	simm.s32 $0x1;
	s24 =	simm.s32 $0x6220  }
0x5: {  	s25 =	simm.s32 $0x2;
	s8 =	sand.u32 $0x1, s0;
	s0 =	rddreg [dreg:$0x2]  }
0x6: {  	s26 =	simm.s32 $0x4DD0;
	s28 =	simm.s32 $0x0;
	[smem:$0x7FF] =	sst s3  }
0x7: {  	s16 =	sadd.s32 $0x2A200, s5;
	s11 =	smul.u32 $0xA000, s1;
	s4 =	sshll.u32 s8, $0x4  }
0x8: {  	_ =	strace $0x8000004D;
	s7 =	ssub.s32 $0x2, s8;
	s14 =	smul.u32 $0xA0000, s8  }
0x9: {  	s4 =	sor.u32 s1, s4;
	s29 =	sshrl.u32 s7, $0x1;
	s12 =	sadd.s32 $0x2000, s11  }
0xa: {  	s15 =	sadd.s32 $0x4000, s11;
	s18 =	sadd.s32 $0x6000, s11;
	s19 =	sadd.s32 $0x8000, s11  }
0xb: {  	s6 =	smul.u32 $0x4E2, s4;
	s4 =	sadd.s32 $0x16200, s5;
	s17 =	ssub.s32 s7, s29  }
0xc: {  	s7 =	sadd.s32 s11, s2;
	s8 =	sadd.s32 s12, s2;
	s9 =	sadd.s32 s15, s2  }
0xd: {  	s10 =	sadd.s32 s18, s2;
	s13 =	sadd.s32 s11, s14;
	s20 =	sadd.s32 s14, s12  }
0xe: {  	s11 =	sadd.s32 s19, s2;
	s15 =	sadd.s32 s14, s15;
	s18 =	sadd.s32 s14, s18  }
0xf: {  	s19 =	sadd.s32 s14, s19;
	s13 =	sshrl.u32 s13, $0x3;
	s30 =	sshrl.u32 s20, $0x3  }
0x10: {  	s15 =	sshrl.u32 s15, $0x3;
	s18 =	sshrl.u32 s18, $0x3;
	s31 =	sshrl.u32 s19, $0x3  }
0x11: {  	s17 =	smax.u32 s17, $0x1;
	s19 =	simm.s32 $0x2710;
	s20 =	simm.s32 $0x7620  }
0x12: {  	s6 =	sadd.s32 s6, s5;
	s12 =	sadd.s32 s16, s13;
	s13 =	sadd.s32 s16, s30  }
0x13: {  	s14 =	sadd.s32 s16, s15;
	s15 =	sadd.s32 s16, s18;
	s16 =	sadd.s32 s16, s31  }
0x14: {  	v0 =	vimm.f32 $0.0e+00;
	s18 =	simm.s32 $0x3;
	s5 =	sadd.s32 $0xC400, s6;
	s6 =	sadd.s32 $0x2600, s6  }
.LBB2_1:
0x15: {  	[tilespmem:s3], [sflag:$0x3] =	stream.linear.gather [hbm4b:s5+s3], $0x2710, $0x38;
	[tilespmem:$0x13620] =	vst v63  }
0x16: {  	_ =	swait.ge [sflag:s18], $0x2710  }
0x17: {  	[sflag:s18] =	ssyncset.done $0x0  }
0x18: {  	[sflag:s18] =	ssyncadd.s32 $0xFFFFD8F0  }
0x19: {  	[tilespmem:s19], [sflag:$0x3] =	stream.linear.gather [hbm4b:s6+s3], $0x2710, $0x38;
	[tilespmem:$0x13620] =	vst v63  }
0x1a: {  	_ =	swait.ge [sflag:s18], $0x2710  }
0x1b: {  	[sflag:s18] =	ssyncset.done $0x0  }
0x1c: {  	s30 =	simm.s32 $0x100;
	s29 =	simm.s32 $0x0;
	[sflag:s18] =	ssyncadd.s32 $0xFFFFD8F0  }
.LBB2_2:
0x1d: {  	p0 =	sne.s32 s30, $0x7F00;
	[tilespmem:s29+$0x7650] =	vst v0;
	s31 =	smov.u32 s30;
	s30 =	sadd.s32 $0x100, s30  }
.Ltmp0:
0x1e: {  	[tilespmem:s29+$0x7640] =	vst v0;
	(pc) =	sbr.rel @p0 .LBB2_2-.Ltmp0, $3  }
0x1f: {  	[tilespmem:s29+$0x7620] =	vst v0  }
0x20: {  	[tilespmem:s29+$0x7630] =	vst v0;
	_ =	sdelay $0x1  }
0x21: {  	s29 =	sshra.s32 s31, $0x2  }
0x22: {  	[tilespmem:s29+$0x7650] =	vst v0  }
0x23: {  	[tilespmem:s29+$0x7640] =	vst v0  }
0x24: {  	[tilespmem:s29+$0x7620] =	vst v0  }
0x25: {  	[tilespmem:s29+$0x7630] =	vst v0  }
0x26: {  	[spmem:s7] =	stream.linear.scatter [tilespmem:s20], [sflag:$0x3], $0x2000, $0x38;
	[tilespmem:$0x13620] =	vst v63  }
0x27: {  	_ =	swait.ge [sflag:s18], $0x2000  }
0x28: {  	[sflag:s18] =	ssyncset.done $0x0  }
0x29: {  	[sflag:s18] =	ssyncadd.s32 $0xFFFFE000  }
0x2a: {  	[spmem:s8] =	stream.linear.scatter [tilespmem:s20], [sflag:$0x3], $0x2000, $0x38;
	[tilespmem:$0x13620] =	vst v63  }
0x2b: {  	_ =	swait.ge [sflag:s18], $0x2000  }
0x2c: {  	[sflag:s18] =	ssyncset.done $0x0  }
0x2d: {  	[sflag:s18] =	ssyncadd.s32 $0xFFFFE000  }
0x2e: {  	[spmem:s9] =	stream.linear.scatter [tilespmem:s20], [sflag:$0x3], $0x2000, $0x38;
	[tilespmem:$0x13620] =	vst v63  }
0x2f: {  	_ =	swait.ge [sflag:s18], $0x2000  }
0x30: {  	[sflag:s18] =	ssyncset.done $0x0  }
0x31: {  	[sflag:s18] =	ssyncadd.s32 $0xFFFFE000  }
0x32: {  	[spmem:s10] =	stream.linear.scatter [tilespmem:s20], [sflag:$0x3], $0x2000, $0x38;
	[tilespmem:$0x13620] =	vst v63  }
0x33: {  	_ =	swait.ge [sflag:s18], $0x2000  }
0x34: {  	[sflag:s18] =	ssyncset.done $0x0  }
0x35: {  	[sflag:s18] =	ssyncadd.s32 $0xFFFFE000  }
0x36: {  	[spmem:s11] =	stream.linear.scatter [tilespmem:s20], [sflag:$0x3], $0x2000, $0x38;
	[tilespmem:$0x13620] =	vst v63  }
0x37: {  	_ =	swait.ge [sflag:s18], $0x2000  }
0x38: {  	[sflag:s18] =	ssyncset.done $0x0  }
0x39: {  	[sflag:s18] =	ssyncadd.s32 $0xFFFFE000  }
0x3a: {  	s29 =	simm.s32 $0x0;
	[bflag:$0x0] =	sbarrier.arrive $0xFFFF  }
0x3b: {  	[tilespmem:s22], [sflag:$0x1] =	stream.indirect.gather [hbm4b:s4+s21], $0x40, s29, s21, $0xb8;
	[tilespmem:$0x13620] =	vst v63  }
0x3c: {  	_ =	swait.ge [sflag:s23], $0x1400  }
0x3d: {  	[sflag:s23] =	ssyncset.done $0x0  }
0x3e: {  	s29 =	simm.s32 $0x50;
	[sflag:s23] =	ssyncadd.s32 $0xFFFFEC00  }
0x3f: {  	[tilespmem:s24], [sflag:$0x2] =	stream.indirect.gather [hbm4b:s4+s21], $0x40, s29, s21, $0xb8;
	[tilespmem:$0x13620] =	vst v63  }
0x40: {  	s29 =	simm.s32 $0x2710  }
0x41: {  	[spmem:s2] =	stream.indirect.scatter.add.f32 [tilespmem:s22], [sflag:$0x3], $0x40, s29, s21, $0xb8;
	[tilespmem:$0x13620] =	vst v63  }
0x42: {  	_ =	swait.ge [sflag:s18], $0x1400  }
0x43: {  	[sflag:s18] =	ssyncset.done $0x0  }
0x44: {  	[sflag:s18] =	ssyncadd.s32 $0xFFFFEC00  }
0x45: {  	_ =	swait.ge [sflag:s25], $0x1400  }
0x46: {  	[sflag:s25] =	ssyncset.done $0x0  }
0x47: {  	s29 =	simm.s32 $0xA0;
	[sflag:s25] =	ssyncadd.s32 $0xFFFFEC00  }
0x48: {  	[tilespmem:s22], [sflag:$0x1] =	stream.indirect.gather [hbm4b:s4+s21], $0x40, s29, s21, $0xb8;
	[tilespmem:$0x13620] =	vst v63  }
0x49: {  	s29 =	simm.s32 $0x2760  }
0x4a: {  	[spmem:s2] =	stream.indirect.scatter.add.f32 [tilespmem:s24], [sflag:$0x3], $0x40, s29, s21, $0xb8;
	[tilespmem:$0x13620] =	vst v63  }
0x4b: {  	_ =	swait.ge [sflag:s18], $0x1400  }
0x4c: {  	s29 =	simm.s32 $0x280;
	[sflag:s18] =	ssyncset.done $0x0  }
.LBB2_4:
0x4d: {  	p0 =	sne.s32 s29, $0x9880  }
0x4e: {  	[sflag:s18] =	ssyncadd.s32 $0xFFFFEC00;
	s30 =	smov.u32 s29;
	s29 =	sadd.s32 $0x280, s29  }
0x4f: {  	_ = 	snop  }
0x50: {  	_ =	swait.ge [sflag:s23], $0x1400  }
0x51: {  	s30 =	sshra.s32 s30, $0x2;
	[sflag:s23] =	ssyncset.done $0x0  }
0x52: {  	s31 =	sadd.s32 $0x50, s30;
	[sflag:s23] =	ssyncadd.s32 $0xFFFFEC00  }
0x53: {  	[tilespmem:s24], [sflag:$0x2] =	stream.indirect.gather [hbm4b:s4+s21], $0x40, s31, s21, $0xb8;
	[tilespmem:$0x13620] =	vst v63  }
0x54: {  	s31 =	sadd.s32 $0x2710, s30  }
0x55: {  	[spmem:s2] =	stream.indirect.scatter.add.f32 [tilespmem:s22], [sflag:$0x3], $0x40, s31, s21, $0xb8;
	[tilespmem:$0x13620] =	vst v63  }
0x56: {  	_ =	swait.ge [sflag:s18], $0x1400  }
0x57: {  	[sflag:s18] =	ssyncset.done $0x0  }
0x58: {  	[sflag:s18] =	ssyncadd.s32 $0xFFFFEC00  }
0x59: {  	_ =	swait.ge [sflag:s25], $0x1400  }
0x5a: {  	[sflag:s25] =	ssyncset.done $0x0  }
0x5b: {  	s31 =	sadd.s32 $0xA0, s30;
	[sflag:s25] =	ssyncadd.s32 $0xFFFFEC00  }
0x5c: {  	[tilespmem:s22], [sflag:$0x1] =	stream.indirect.gather [hbm4b:s4+s21], $0x40, s31, s21, $0xb8;
	[tilespmem:$0x13620] =	vst v63  }
.Ltmp1:
0x5d: {  	_ = 	snop;
	(pc) =	sbr.rel @p0 .LBB2_4-.Ltmp1, $4  }
0x5e: {  	s30 =	sadd.s32 $0x2760, s30  }
0x5f: {  	[spmem:s2] =	stream.indirect.scatter.add.f32 [tilespmem:s24], [sflag:$0x3], $0x40, s30, s21, $0xb8;
	[tilespmem:$0x13620] =	vst v63  }
0x60: {  	_ =	swait.ge [sflag:s18], $0x1400  }
0x61: {  	[sflag:s18] =	ssyncset.done $0x0  }
0x62: {  	[sflag:s18] =	ssyncadd.s32 $0xFFFFEC00  }
0x63: {  	_ =	swait.ge [sflag:s23], $0x1400  }
0x64: {  	[sflag:s23] =	ssyncset.done $0x0  }
0x65: {  	[sflag:s23] =	ssyncadd.s32 $0xFFFFEC00  }
0x66: {  	[spmem:s2] =	stream.indirect.scatter.add.f32 [tilespmem:s22], [sflag:$0x3], $0x40, s26, s21, $0xb8;
	[tilespmem:$0x13620] =	vst v63  }
0x67: {  	_ =	swait.ge [sflag:s18], $0x1400  }
0x68: {  	[sflag:s18] =	ssyncset.done $0x0  }
0x69: {  	s29 =	sshll.u32 s1, $0x6;
	[sflag:s18] =	ssyncadd.s32 $0xFFFFEC00  }
0x6a: {  	s30 =	sshrl.u32 s7, $0x3;
	s29 =	sor.u32 $0x1C03, s29;
	[bflag:$0x0] =	sbarrier.arrive $0xFFFF  }
0x6b: {  	[hbm:s12], [sflag:s29] =	dma.local [spmem:s30], $0x400  }
0x6c: {  	_ =	swait.ge [sflag:s18], $0x400  }
0x6d: {  	[sflag:s18] =	ssyncset.done $0x0  }
0x6e: {  	s31 =	sshrl.u32 s8, $0x3;
	[sflag:s18] =	ssyncadd.s32 $0xFFFFFC00  }
0x6f: {  	[hbm:s13], [sflag:s29] =	dma.local [spmem:s31], $0x400  }
0x70: {  	_ =	swait.ge [sflag:s18], $0x400  }
0x71: {  	[sflag:s18] =	ssyncset.done $0x0  }
0x72: {  	s31 =	sshrl.u32 s9, $0x3;
	[sflag:s18] =	ssyncadd.s32 $0xFFFFFC00  }
0x73: {  	[hbm:s14], [sflag:s29] =	dma.local [spmem:s31], $0x400  }
0x74: {  	_ =	swait.ge [sflag:s18], $0x400  }
0x75: {  	[sflag:s18] =	ssyncset.done $0x0  }
0x76: {  	s31 =	sshrl.u32 s10, $0x3;
	[sflag:s18] =	ssyncadd.s32 $0xFFFFFC00  }
0x77: {  	[hbm:s15], [sflag:s29] =	dma.local [spmem:s31], $0x400  }
0x78: {  	s28 =	sadd.s32 $0x1, s28;
	_ =	swait.ge [sflag:s18], $0x400  }
0x79: {  	p0 =	sne.s32 s28, s17;
	[sflag:s18] =	ssyncset.done $0x0  }
.Ltmp2:
0x7a: {  	s31 =	sshrl.u32 s11, $0x3;
	[sflag:s18] =	ssyncadd.s32 $0xFFFFFC00;
	(pc) =	sbr.rel @p0 .LBB2_1-.Ltmp2, $4  }
0x7b: {  	[hbm:s16], [sflag:s29] =	dma.local [spmem:s31], $0x400  }
0x7c: {  	_ =	swait.ge [sflag:s18], $0x400  }
0x7d: {  	[sflag:s18] =	ssyncset.done $0x0  }
0x7e: {  	[sflag:s18] =	ssyncadd.s32 $0xFFFFFC00  }
0x7f: {  	_ =	sfence.sel $0x180000  }
0x80: {  	[bflag:$0x0] =	sbarrier.arrive $0xFFFF  }
0x81: {  	p0 =	sne.s32 s1, $0x0;
	_ =	strace $0x9000004D  }
0x82: {  	s0 =	sadd.s32 @!p0 $0x100000, s0;
	[bflag:$0x2] =	sbarrier.arrive $0xFFFF  }
0x83: {  	[sflag:s0] =	ssyncadd.tile.s32 @!p0 $0x1;
	_ =	shalt  }
.Lfunc_end2:
_tile_overlayer_lowered:
.L_overlay_start_2:
0x84: {  	(tag) =	ssettag $0x2  }
0x85: {  	s0 =	rddreg [dreg:$0x0];
	s2 =	stileid.u32  }
0x86: {  	s1 =	rddreg [dreg:$0x1];
	p0 =	sne.s32 s2, $0x0  }
0x87: {  	s3 =	rddreg [dreg:$0x2];
	[bflag:$0x3] =	sbarrier.arrive $0xFFFF;
	s2 =	simm.s32 @!p0 $0x1C03  }
0x88: {  	[timem:s3], [sflag:s2] =	dma.local @!p0 [hbm:s0], s1  }
0x89: {  	s0 =	simm.s32 @!p0 $0x3  }
0x8a: {  	_ =	swait.ge @!p0 [sflag:s0], s1  }
0x8b: {  	s1 =	ssub.s32 @!p0 $0x0, s1;
	[sflag:s0] =	ssyncset.done @!p0 $0x0  }
0x8c: {  	[sflag:s0] =	ssyncadd.s32 @!p0 s1  }
0x8d: {  	[bflag:$0x3] =	sbarrier.arrive $0xFFFF  }
0x8e: {  	_ =	shalt  }

// kernel: kernel.19.cloned.1.call-start
scs
__scs_entry_jumppad:
0x0: {  	(pc) =	sbr.rel $0x88, $3  }
0x1: {  	(tag) =	ssettag $0x0;
	lr =	simm.s32 $0x1  }
0x2: {  	[smem:$0x3F91] =	sst lr;
	_ =	strace $0xD0000000  }
0x3: {  	_ = 	snop  }
0x4: {  	_ = 	snop  }
0x5: {  	_ = 	snop  }
0x6: {  	_ = 	snop  }
0x7: {  	_ = 	snop  }
__scs_overlays_trampoline_lowered:
0x8: {  	[smem:$0x3FA0] =	sst s0  }
0x9: {  	[smem:$0x3FA1] =	sst s1  }
0xa: {  	[smem:$0x3FA2] =	sst s2  }
0xb: {  	[smem:$0x3FA3] =	sst s3  }
0xc: {  	[smem:$0x3FA4] =	sst s4  }
0xd: {  	[smem:$0x3FA5] =	sst s5  }
0xe: {  	[smem:$0x3FA6] =	sst s6  }
0xf: {  	[smem:$0x3FA7] =	sst s7  }
0x10: {  	[smem:$0x3FA8] =	sst s8  }
0x11: {  	[smem:$0x3FA9] =	sst s9;
	s0 =	simm.s32 @!p0 $0x0  }
0x12: {  	s1 =	sld [smem:$0x3F8F];
	s0 =	simm.s32 @p0 $0x1  }
0x13: {  	[smem:$0x3FAA] =	sst s0;
	s0 =	simm.s32 @!p1 $0x0  }
0x14: {  	s2 =	sld [smem:$0x3F8E];
	s0 =	simm.s32 @p1 $0x1  }
0x15: {  	[smem:$0x3FAB] =	sst s0;
	s0 =	simm.s32 @!p2 $0x0  }
0x16: {  	s3 =	sld [smem:$0x3FDB];
	s0 =	simm.s32 @p2 $0x1  }
0x17: {  	s4 =	simm.s32 $0x1BF5;
	[smem:$0x3FAD] =	sst s0  }
0x18: {  	s0 =	sld [smem:$0x3F90];
	_ =	swait.ge [sflag:s4], $0x0  }
0x19: {  	s7 =	sld [smem:$0x3F91]  }
0x1a: {  	s8 =	sadd.s32 $0xFFFFE003, lr  }
0x1b: {  	s9 =	sadd.s32 $0xFFFFFEF7, lr;
	s5 =	simm.s32 $0xFFFFFFFF;
	p2 =	slt.u32 s8, $0xFFFFF086  }
0x1c: {  	p1 =	slt.u32 s9, $0xF7A;
	s5 =	simm.s32 @!p2 $0x0  }
0x1d: {  	s5 =	simm.s32 @p1 $0x1;
	p0 =	seq.s32 s7, s2  }
0x1e: {  	s7 =	smul.u32 @!p0 $0xF7A, s2;
	p2 =	seq.s32 @!p0 s5, $0x0  }
0x1f: {  	s9 =	smul.u32 $0xF7A, s1;
	s8 =	simm.s32 @!p0 $0x1BF5;
	p2 =	por !p2, p0  }
0x20: {  	[sflag:s8] =	ssyncset.s32 @!p0 $0xFFFFF086;
	s6 =	sadd.s32 @!p0 s3, s7;
	s7 =	simm.s32 @!p0 $0x108  }
0x21: {  	s3 =	sadd.s32 s3, s9;
	s6 =	sadd.s32 @!p0 $0x88, s6;
	s7 =	simm.s32 @p2 $0x1082  }
0x22: {  	[simem:s7], [sflag:s8] =	dma.local @!p0 [hbm:s6], $0xF7A  }
0x23: {  	s9 =	sor.u32 $0xD0000000, s2;
	s6 =	simm.s32 $0x108;
	_ =	swait.ge @!p0 [sflag:s8], $0x0  }
0x24: {  	s3 =	sadd.s32 $0x88, s3;
	s6 =	simm.s32 @!p1 $0x1082;
	[sflag:s4] =	ssyncset.s32 $0xFFFFF086  }
0x25: {  	[simem:s6], [sflag:s4] =	dma.local [hbm:s3], $0xF7A  }
0x26: {  	[smem:$0x3F91] =	sst s1;
	(tag) =	ssettag s2;
	_ =	strace s9  }
0x27: {  	s1 =	sld [smem:$0x3FA1]  }
0x28: {  	s2 =	sld [smem:$0x3FA2]  }
0x29: {  	s4 =	sld [smem:$0x3FA4]  }
0x2a: {  	p0 =	seq.s32 s5, $0x0;
	s5 =	sld [smem:$0x3FA5]  }
0x2b: {  	s6 =	sld [smem:$0x3FA6]  }
0x2c: {  	s7 =	sld [smem:$0x3FA7]  }
0x2d: {  	s3 =	simm.s32 $0x108;
	s8 =	sld [smem:$0x3FA8]  }
0x2e: {  	s3 =	simm.s32 @!p0 $0x1082;
	s9 =	sld [smem:$0x3FA9]  }
0x2f: {  	lr =	sadd.s32 s0, s3;
	s0 =	sld [smem:$0x3FA0]  }
0x30: {  	s3 =	sld [smem:$0x3FA3]  }
0x31: {  	[smem:$0x3FAC] =	sst s10  }
0x32: {  	s10 =	sld [smem:$0x3FAA];
	_ =	sdelay $0x3  }
0x33: {  	p0 =	seq.s32 s10, $0x1;
	s10 =	sld [smem:$0x3FAC];
	_ =	sdelay $0x3  }
0x34: {  	[smem:$0x3FAC] =	sst s10  }
0x35: {  	s10 =	sld [smem:$0x3FAB];
	_ =	sdelay $0x3  }
0x36: {  	p1 =	seq.s32 s10, $0x1;
	s10 =	sld [smem:$0x3FAC];
	_ =	sdelay $0x3  }
0x37: {  	[smem:$0x3FAC] =	sst s10  }
0x38: {  	s10 =	sld [smem:$0x3FAD]  }
0x39: {  	_ = 	snop;
	(pc) =	sbr.ind lr, $3  }
0x3a: {  	_ = 	snop  }
0x3b: {  	_ = 	snop  }
0x3c: {  	p2 =	seq.s32 s10, $0x1;
	s10 =	sld [smem:$0x3FAC]  }
0x3d: {  	_ =	shalt  }
0x3e: {  	_ =	shalt  }
0x3f: {  	_ =	shalt  }
0x40: {  	_ =	shalt  }
0x41: {  	_ =	shalt  }
0x42: {  	_ =	shalt  }
0x43: {  	_ =	shalt  }
0x44: {  	_ =	shalt  }
0x45: {  	_ =	shalt  }
0x46: {  	_ =	shalt  }
0x47: {  	_ =	shalt  }
0x48: {  	_ =	shalt  }
0x49: {  	_ =	shalt  }
0x4a: {  	_ =	shalt  }
0x4b: {  	_ =	shalt  }
0x4c: {  	_ =	shalt  }
0x4d: {  	_ =	shalt  }
0x4e: {  	_ =	shalt  }
0x4f: {  	_ =	shalt  }
0x50: {  	_ =	shalt  }
0x51: {  	_ =	shalt  }
0x52: {  	_ =	shalt  }
0x53: {  	_ =	shalt  }
0x54: {  	_ =	shalt  }
0x55: {  	_ =	shalt  }
0x56: {  	_ =	shalt  }
0x57: {  	_ =	shalt  }
0x58: {  	_ =	shalt  }
0x59: {  	_ =	shalt  }
0x5a: {  	_ =	shalt  }
0x5b: {  	_ =	shalt  }
0x5c: {  	_ =	shalt  }
0x5d: {  	_ =	shalt  }
0x5e: {  	_ =	shalt  }
0x5f: {  	_ =	shalt  }
0x60: {  	_ =	shalt  }
0x61: {  	_ =	shalt  }
0x62: {  	_ =	shalt  }
0x63: {  	_ =	shalt  }
0x64: {  	_ =	shalt  }
0x65: {  	_ =	shalt  }
0x66: {  	_ =	shalt  }
0x67: {  	_ =	shalt  }
0x68: {  	_ =	shalt  }
0x69: {  	_ =	shalt  }
0x6a: {  	_ =	shalt  }
0x6b: {  	_ =	shalt  }
0x6c: {  	_ =	shalt  }
0x6d: {  	_ =	shalt  }
0x6e: {  	_ =	shalt  }
0x6f: {  	_ =	shalt  }
0x70: {  	_ =	shalt  }
0x71: {  	_ =	shalt  }
0x72: {  	_ =	shalt  }
0x73: {  	_ =	shalt  }
0x74: {  	_ =	shalt  }
0x75: {  	_ =	shalt  }
0x76: {  	_ =	shalt  }
0x77: {  	_ =	shalt  }
0x78: {  	_ =	shalt  }
0x79: {  	_ =	shalt  }
0x7a: {  	_ =	shalt  }
0x7b: {  	_ =	shalt  }
0x7c: {  	_ =	shalt  }
0x7d: {  	_ =	shalt  }
0x7e: {  	_ =	shalt  }
0x7f: {  	_ =	shalt  }
0x80: {  	_ =	shalt  }
0x81: {  	_ =	shalt  }
0x82: {  	_ =	shalt  }
0x83: {  	_ =	shalt  }
0x84: {  	_ =	shalt  }
0x85: {  	_ =	shalt  }
0x86: {  	_ =	shalt  }
0x87: {  	_ =	shalt  }
.Lfunc_end0:
.L_simem_size_0:
called_computation.3_lowered:
.L_overlay_start_0:
0x88: {  	s2 =	sld [smem:$0x3FD9]  }
0x89: {  	s3 =	sld [smem:$0x3FFE];
	_ =	sdelay $0x1  }
0x8a: {  	s1 =	srdreg.scid  }
0x8b: {  	s0 =	sand.u32 $0x1, s1  }
0x8c: {  	s16 =	sshll.u32 s0, $0xA;
	s2 =	sadd.s32 s3, s2  }
0x8d: {  	s2 =	sadd.s32 s2, s16  }
0x8e: {  	[smem:$0x3FB8] =	sst s2  }
0x8f: {  	_ = 	snop  }
0x90: {  	(tm) =	ssettm $0x1  }
0x91: {  	s17 =	sld [smem:$0x3FFB];
	_ =	sdelay $0x3  }
0x92: {  	_ =	strace s17  }
0x93: {  	s2 =	sld [smem:$0x3FFC];
	_ =	sdelay $0x3  }
0x94: {  	_ =	strace s2  }
0x95: {  	s2 =	sld [smem:$0x3FFD];
	_ =	sdelay $0x3  }
0x96: {  	_ =	strace s2  }
0x97: {  	_ =	strace $0x8FFFFFFF  }
0x98: {  	s18 =	sld [smem:$0x3FDB];
	_ =	sdelay $0x1  }
0x99: {  	s19 =	simm.s32 $_scs_section_size  }
0x9a: {  	s4 =	simm.s32 $_size__tile_overlayer_lowered;
	s5 =	simm.s32 $_tile_overlayer_lowered  }
0x9b: {  	s22 =	simm.s32 $0x1BFF;
	s21 =	sshll.u32 s5, $0x1;
	s2 =	sadd.s32 s19, s18  }
0x9c: {  	s6 =	simm.s32 $0x0;
	s20 =	sshll.u32 s4, $0x1;
	s4 =	sadd.s32 s21, s2  }
0x9d: {  	[timem:s6], [sflag:s22] =	dma.local [hbm:s4], s20  }
0x9e: {  	_ =	swait.ge [sflag:s22], s20  }
0x9f: {  	s3 =	ssub.s32 $0x0, s20;
	[sflag:s22] =	ssyncset.done $0x0  }
0xa0: {  	[sflag:s22] =	ssyncadd.s32 s3;
	_ =	sdelay $0x1  }
0xa1: {  	s23 =	simm.s32 $0x1B8B  }
0xa2: {  	_ =	swait.ge [sflag:s23], $0x1  }
0xa3: {  	[sflag:s23] =	ssyncset.done $0x0  }
0xa4: {  	s25 =	simm.s32 $0x1B8E;
	s24 =	sld [smem:$0x3FFE];
	[sflag:s23] =	ssyncadd.s32 $0xFFFFFFFF  }
0xa5: {  	s26 =	simm.s32 $execute0_lowered;
	[smem:$0x3FD2] =	sst s25  }
0xa6: {  	s4 =	sshll.u32 s26, $0x1;
	_ =	strace $0x8000004F;
	[dreg:$0x1] =	wrdreg $0xFFFFFFFF  }
0xa7: {  	s28 =	simm.s32 $_size_execute0_lowered;
	s2 =	sadd.s32 s2, s4;
	[dreg:$0x0] =	wrdreg $0x0  }
0xa8: {  	s4 =	sshll.u32 s28, $0x1;
	[dreg:$0x2] =	wrdreg s2  }
0xa9: {  	[dreg:$0x3] =	wrdreg s4  }
0xaa: {  	[dreg:$0x4] =	wrdreg $0xC0  }
0xab: {  	_ =	task [dreg:s6], $0x5FFFF  }
0xac: {  	[dreg:$0x1] =	wrdreg $0xFFFFFFFF  }
0xad: {  	[dreg:$0x0] =	wrdreg $0x60  }
0xae: {  	[dreg:$0x2] =	wrdreg s24  }
0xaf: {  	[dreg:$0x3] =	wrdreg $0x96200  }
0xb0: {  	[dreg:$0x4] =	wrdreg $0x9  }
0xb1: {  	_ =	task.clear_ibuf [dreg:s6], $0x5FFFF;
	_ =	strace $0x9000004F  }
0xb2: {  	s29 =	simm.s32 $0x9;
	_ =	strace $0x80000051  }
0xb3: {  	_ =	swait.ge [sflag:s29], $0x1  }
0xb4: {  	[sflag:s29] =	ssyncadd.s32 $0xFFFFFFFF  }
0xb5: {  	_ =	strace $0x90000051  }
0xb6: {  	_ =	sfence  }
0xb7: {  	s30 =	sld [smem:$0x0];
	_ =	sdelay $0x2  }
0xb8: {  	s31 =	sshll.u32 s1, $0xD;
	s1 =	sshrl.u32 s1, $0x2  }
0xb9: {  	s3 =	sand.u32 $0x4000, s31;
	s1 =	sadd.s32 s1, s30  }
0xba: {  	s0 =	sor.u32 s3, s0;
	s1 =	sshll.u32 s1, $0x11  }
0xbb: {  	s0 =	sor.u32 s1, s0  }
0xbc: {  	s0 =	sadd.s32 $0x8F2B, s0  }
0xbd: {  	[sflag:s0] =	ssyncadd.remote.s32 $0x1  }
0xbe: {  	_ =	sfence.sel $0xFFFF  }
0xbf: {  	[dreg:$0x0] =	wrdreg $0xFFFFFFFF;
	(pc) =	sbr.abs _section_cstart, $3  }
0xc0: {  	[dreg:$0x1] =	wrdreg $0xFFFFFFFF  }
0xc1: {  	_ =	task.clear_ibuf [dreg:s6], $0x2FFFF;
	_ =	strace $0x9FFFFFFF  }
0xc2: {  	(tm) =	ssettm $0x7FFFFFFF  }
0xc3: {  	_ =	shalt  }
tec
execute0_lowered:
.L_overlay_start_1:
0x0: {  	(tag) =	ssettag $0x1  }
0x1: {  	s5 =	rddreg [dreg:$0x0]  }
0x2: {  	s0 =	srdreg.scid;
	s2 =	rddreg [dreg:$0x1]  }
0x3: {  	s1 =	stileid.u32;
	s3 =	simm.s32 $0x0;
	s21 =	simm.s32 $0x50  }
0x4: {  	s22 =	simm.s32 $0x4E20;
	s23 =	simm.s32 $0x1;
	s24 =	simm.s32 $0x6220  }
0x5: {  	s25 =	simm.s32 $0x2;
	s8 =	sand.u32 $0x1, s0;
	s0 =	rddreg [dreg:$0x2]  }
0x6: {  	s26 =	simm.s32 $0x4DD0;
	s28 =	simm.s32 $0x0;
	[smem:$0x7FF] =	sst s3  }
0x7: {  	s16 =	sadd.s32 $0x2A200, s5;
	s11 =	smul.u32 $0xA000, s1;
	s4 =	sshll.u32 s8, $0x4  }
0x8: {  	_ =	strace $0x80000050;
	s7 =	ssub.s32 $0x2, s8;
	s14 =	smul.u32 $0xA0000, s8  }
0x9: {  	s4 =	sor.u32 s1, s4;
	s29 =	sshrl.u32 s7, $0x1;
	s12 =	sadd.s32 $0x2000, s11  }
0xa: {  	s15 =	sadd.s32 $0x4000, s11;
	s18 =	sadd.s32 $0x6000, s11;
	s19 =	sadd.s32 $0x8000, s11  }
0xb: {  	s6 =	smul.u32 $0x4E2, s4;
	s4 =	sadd.s32 $0x16200, s5;
	s17 =	ssub.s32 s7, s29  }
0xc: {  	s7 =	sadd.s32 s11, s2;
	s8 =	sadd.s32 s12, s2;
	s9 =	sadd.s32 s15, s2  }
0xd: {  	s10 =	sadd.s32 s18, s2;
	s13 =	sadd.s32 s11, s14;
	s20 =	sadd.s32 s14, s12  }
0xe: {  	s11 =	sadd.s32 s19, s2;
	s15 =	sadd.s32 s14, s15;
	s18 =	sadd.s32 s14, s18  }
0xf: {  	s19 =	sadd.s32 s14, s19;
	s13 =	sshrl.u32 s13, $0x3;
	s30 =	sshrl.u32 s20, $0x3  }
0x10: {  	s15 =	sshrl.u32 s15, $0x3;
	s18 =	sshrl.u32 s18, $0x3;
	s31 =	sshrl.u32 s19, $0x3  }
0x11: {  	s17 =	smax.u32 s17, $0x1;
	s19 =	simm.s32 $0x2710;
	s20 =	simm.s32 $0x7620  }
0x12: {  	s6 =	sadd.s32 s6, s5;
	s12 =	sadd.s32 s16, s13;
	s13 =	sadd.s32 s16, s30  }
0x13: {  	s14 =	sadd.s32 s16, s15;
	s15 =	sadd.s32 s16, s18;
	s16 =	sadd.s32 s16, s31  }
0x14: {  	v0 =	vimm.f32 $0.0e+00;
	s18 =	simm.s32 $0x3;
	s5 =	sadd.s32 $0xC400, s6;
	s6 =	sadd.s32 $0x2600, s6  }
.LBB2_1:
0x15: {  	[tilespmem:s3], [sflag:$0x3] =	stream.linear.gather [hbm4b:s5+s3], $0x2710, $0x38;
	[tilespmem:$0x13620] =	vst v63  }
0x16: {  	_ =	swait.ge [sflag:s18], $0x2710  }
0x17: {  	[sflag:s18] =	ssyncset.done $0x0  }
0x18: {  	[sflag:s18] =	ssyncadd.s32 $0xFFFFD8F0  }
0x19: {  	[tilespmem:s19], [sflag:$0x3] =	stream.linear.gather [hbm4b:s6+s3], $0x2710, $0x38;
	[tilespmem:$0x13620] =	vst v63  }
0x1a: {  	_ =	swait.ge [sflag:s18], $0x2710  }
0x1b: {  	[sflag:s18] =	ssyncset.done $0x0  }
0x1c: {  	s30 =	simm.s32 $0x100;
	s29 =	simm.s32 $0x0;
	[sflag:s18] =	ssyncadd.s32 $0xFFFFD8F0  }
.LBB2_2:
0x1d: {  	p0 =	sne.s32 s30, $0x7F00;
	[tilespmem:s29+$0x7650] =	vst v0;
	s31 =	smov.u32 s30;
	s30 =	sadd.s32 $0x100, s30  }
.Ltmp0:
0x1e: {  	[tilespmem:s29+$0x7640] =	vst v0;
	(pc) =	sbr.rel @p0 .LBB2_2-.Ltmp0, $3  }
0x1f: {  	[tilespmem:s29+$0x7620] =	vst v0  }
0x20: {  	[tilespmem:s29+$0x7630] =	vst v0;
	_ =	sdelay $0x1  }
0x21: {  	s29 =	sshra.s32 s31, $0x2  }
0x22: {  	[tilespmem:s29+$0x7650] =	vst v0  }
0x23: {  	[tilespmem:s29+$0x7640] =	vst v0  }
0x24: {  	[tilespmem:s29+$0x7620] =	vst v0  }
0x25: {  	[tilespmem:s29+$0x7630] =	vst v0  }
0x26: {  	[spmem:s7] =	stream.linear.scatter [tilespmem:s20], [sflag:$0x3], $0x2000, $0x38;
	[tilespmem:$0x13620] =	vst v63  }
0x27: {  	_ =	swait.ge [sflag:s18], $0x2000  }
0x28: {  	[sflag:s18] =	ssyncset.done $0x0  }
0x29: {  	[sflag:s18] =	ssyncadd.s32 $0xFFFFE000  }
0x2a: {  	[spmem:s8] =	stream.linear.scatter [tilespmem:s20], [sflag:$0x3], $0x2000, $0x38;
	[tilespmem:$0x13620] =	vst v63  }
0x2b: {  	_ =	swait.ge [sflag:s18], $0x2000  }
0x2c: {  	[sflag:s18] =	ssyncset.done $0x0  }
0x2d: {  	[sflag:s18] =	ssyncadd.s32 $0xFFFFE000  }
0x2e: {  	[spmem:s9] =	stream.linear.scatter [tilespmem:s20], [sflag:$0x3], $0x2000, $0x38;
	[tilespmem:$0x13620] =	vst v63  }
0x2f: {  	_ =	swait.ge [sflag:s18], $0x2000  }
0x30: {  	[sflag:s18] =	ssyncset.done $0x0  }
0x31: {  	[sflag:s18] =	ssyncadd.s32 $0xFFFFE000  }
0x32: {  	[spmem:s10] =	stream.linear.scatter [tilespmem:s20], [sflag:$0x3], $0x2000, $0x38;
	[tilespmem:$0x13620] =	vst v63  }
0x33: {  	_ =	swait.ge [sflag:s18], $0x2000  }
0x34: {  	[sflag:s18] =	ssyncset.done $0x0  }
0x35: {  	[sflag:s18] =	ssyncadd.s32 $0xFFFFE000  }
0x36: {  	[spmem:s11] =	stream.linear.scatter [tilespmem:s20], [sflag:$0x3], $0x2000, $0x38;
	[tilespmem:$0x13620] =	vst v63  }
0x37: {  	_ =	swait.ge [sflag:s18], $0x2000  }
0x38: {  	[sflag:s18] =	ssyncset.done $0x0  }
0x39: {  	[sflag:s18] =	ssyncadd.s32 $0xFFFFE000  }
0x3a: {  	s29 =	simm.s32 $0x0;
	[bflag:$0x0] =	sbarrier.arrive $0xFFFF  }
0x3b: {  	[tilespmem:s22], [sflag:$0x1] =	stream.indirect.gather [hbm4b:s4+s21], $0x40, s29, s21, $0xb8;
	[tilespmem:$0x13620] =	vst v63  }
0x3c: {  	_ =	swait.ge [sflag:s23], $0x1400  }
0x3d: {  	[sflag:s23] =	ssyncset.done $0x0  }
0x3e: {  	s29 =	simm.s32 $0x50;
	[sflag:s23] =	ssyncadd.s32 $0xFFFFEC00  }
0x3f: {  	[tilespmem:s24], [sflag:$0x2] =	stream.indirect.gather [hbm4b:s4+s21], $0x40, s29, s21, $0xb8;
	[tilespmem:$0x13620] =	vst v63  }
0x40: {  	s29 =	simm.s32 $0x2710  }
0x41: {  	[spmem:s2] =	stream.indirect.scatter.add.f32 [tilespmem:s22], [sflag:$0x3], $0x40, s29, s21, $0xb8;
	[tilespmem:$0x13620] =	vst v63  }
0x42: {  	_ =	swait.ge [sflag:s18], $0x1400  }
0x43: {  	[sflag:s18] =	ssyncset.done $0x0  }
0x44: {  	[sflag:s18] =	ssyncadd.s32 $0xFFFFEC00  }
0x45: {  	_ =	swait.ge [sflag:s25], $0x1400  }
0x46: {  	[sflag:s25] =	ssyncset.done $0x0  }
0x47: {  	s29 =	simm.s32 $0xA0;
	[sflag:s25] =	ssyncadd.s32 $0xFFFFEC00  }
0x48: {  	[tilespmem:s22], [sflag:$0x1] =	stream.indirect.gather [hbm4b:s4+s21], $0x40, s29, s21, $0xb8;
	[tilespmem:$0x13620] =	vst v63  }
0x49: {  	s29 =	simm.s32 $0x2760  }
0x4a: {  	[spmem:s2] =	stream.indirect.scatter.add.f32 [tilespmem:s24], [sflag:$0x3], $0x40, s29, s21, $0xb8;
	[tilespmem:$0x13620] =	vst v63  }
0x4b: {  	_ =	swait.ge [sflag:s18], $0x1400  }
0x4c: {  	s29 =	simm.s32 $0x280;
	[sflag:s18] =	ssyncset.done $0x0  }
.LBB2_4:
0x4d: {  	p0 =	sne.s32 s29, $0x9880  }
0x4e: {  	[sflag:s18] =	ssyncadd.s32 $0xFFFFEC00;
	s30 =	smov.u32 s29;
	s29 =	sadd.s32 $0x280, s29  }
0x4f: {  	_ = 	snop  }
0x50: {  	_ =	swait.ge [sflag:s23], $0x1400  }
0x51: {  	s30 =	sshra.s32 s30, $0x2;
	[sflag:s23] =	ssyncset.done $0x0  }
0x52: {  	s31 =	sadd.s32 $0x50, s30;
	[sflag:s23] =	ssyncadd.s32 $0xFFFFEC00  }
0x53: {  	[tilespmem:s24], [sflag:$0x2] =	stream.indirect.gather [hbm4b:s4+s21], $0x40, s31, s21, $0xb8;
	[tilespmem:$0x13620] =	vst v63  }
0x54: {  	s31 =	sadd.s32 $0x2710, s30  }
0x55: {  	[spmem:s2] =	stream.indirect.scatter.add.f32 [tilespmem:s22], [sflag:$0x3], $0x40, s31, s21, $0xb8;
	[tilespmem:$0x13620] =	vst v63  }
0x56: {  	_ =	swait.ge [sflag:s18], $0x1400  }
0x57: {  	[sflag:s18] =	ssyncset.done $0x0  }
0x58: {  	[sflag:s18] =	ssyncadd.s32 $0xFFFFEC00  }
0x59: {  	_ =	swait.ge [sflag:s25], $0x1400  }
0x5a: {  	[sflag:s25] =	ssyncset.done $0x0  }
0x5b: {  	s31 =	sadd.s32 $0xA0, s30;
	[sflag:s25] =	ssyncadd.s32 $0xFFFFEC00  }
0x5c: {  	[tilespmem:s22], [sflag:$0x1] =	stream.indirect.gather [hbm4b:s4+s21], $0x40, s31, s21, $0xb8;
	[tilespmem:$0x13620] =	vst v63  }
.Ltmp1:
0x5d: {  	_ = 	snop;
	(pc) =	sbr.rel @p0 .LBB2_4-.Ltmp1, $4  }
0x5e: {  	s30 =	sadd.s32 $0x2760, s30  }
0x5f: {  	[spmem:s2] =	stream.indirect.scatter.add.f32 [tilespmem:s24], [sflag:$0x3], $0x40, s30, s21, $0xb8;
	[tilespmem:$0x13620] =	vst v63  }
0x60: {  	_ =	swait.ge [sflag:s18], $0x1400  }
0x61: {  	[sflag:s18] =	ssyncset.done $0x0  }
0x62: {  	[sflag:s18] =	ssyncadd.s32 $0xFFFFEC00  }
0x63: {  	_ =	swait.ge [sflag:s23], $0x1400  }
0x64: {  	[sflag:s23] =	ssyncset.done $0x0  }
0x65: {  	[sflag:s23] =	ssyncadd.s32 $0xFFFFEC00  }
0x66: {  	[spmem:s2] =	stream.indirect.scatter.add.f32 [tilespmem:s22], [sflag:$0x3], $0x40, s26, s21, $0xb8;
	[tilespmem:$0x13620] =	vst v63  }
0x67: {  	_ =	swait.ge [sflag:s18], $0x1400  }
0x68: {  	[sflag:s18] =	ssyncset.done $0x0  }
0x69: {  	s29 =	sshll.u32 s1, $0x6;
	[sflag:s18] =	ssyncadd.s32 $0xFFFFEC00  }
0x6a: {  	s30 =	sshrl.u32 s7, $0x3;
	s29 =	sor.u32 $0x1C03, s29;
	[bflag:$0x0] =	sbarrier.arrive $0xFFFF  }
0x6b: {  	[hbm:s12], [sflag:s29] =	dma.local [spmem:s30], $0x400  }
0x6c: {  	_ =	swait.ge [sflag:s18], $0x400  }
0x6d: {  	[sflag:s18] =	ssyncset.done $0x0  }
0x6e: {  	s31 =	sshrl.u32 s8, $0x3;
	[sflag:s18] =	ssyncadd.s32 $0xFFFFFC00  }
0x6f: {  	[hbm:s13], [sflag:s29] =	dma.local [spmem:s31], $0x400  }
0x70: {  	_ =	swait.ge [sflag:s18], $0x400  }
0x71: {  	[sflag:s18] =	ssyncset.done $0x0  }
0x72: {  	s31 =	sshrl.u32 s9, $0x3;
	[sflag:s18] =	ssyncadd.s32 $0xFFFFFC00  }
0x73: {  	[hbm:s14], [sflag:s29] =	dma.local [spmem:s31], $0x400  }
0x74: {  	_ =	swait.ge [sflag:s18], $0x400  }
0x75: {  	[sflag:s18] =	ssyncset.done $0x0  }
0x76: {  	s31 =	sshrl.u32 s10, $0x3;
	[sflag:s18] =	ssyncadd.s32 $0xFFFFFC00  }
0x77: {  	[hbm:s15], [sflag:s29] =	dma.local [spmem:s31], $0x400  }
0x78: {  	s28 =	sadd.s32 $0x1, s28;
	_ =	swait.ge [sflag:s18], $0x400  }
0x79: {  	p0 =	sne.s32 s28, s17;
	[sflag:s18] =	ssyncset.done $0x0  }
.Ltmp2:
0x7a: {  	s31 =	sshrl.u32 s11, $0x3;
	[sflag:s18] =	ssyncadd.s32 $0xFFFFFC00;
	(pc) =	sbr.rel @p0 .LBB2_1-.Ltmp2, $4  }
0x7b: {  	[hbm:s16], [sflag:s29] =	dma.local [spmem:s31], $0x400  }
0x7c: {  	_ =	swait.ge [sflag:s18], $0x400  }
0x7d: {  	[sflag:s18] =	ssyncset.done $0x0  }
0x7e: {  	[sflag:s18] =	ssyncadd.s32 $0xFFFFFC00  }
0x7f: {  	_ =	sfence.sel $0x180000  }
0x80: {  	[bflag:$0x0] =	sbarrier.arrive $0xFFFF  }
0x81: {  	p0 =	sne.s32 s1, $0x0;
	_ =	strace $0x90000050  }
0x82: {  	s0 =	sadd.s32 @!p0 $0x100000, s0;
	[bflag:$0x2] =	sbarrier.arrive $0xFFFF  }
0x83: {  	[sflag:s0] =	ssyncadd.tile.s32 @!p0 $0x1;
	_ =	shalt  }
.Lfunc_end2:
_tile_overlayer_lowered:
.L_overlay_start_2:
0x84: {  	(tag) =	ssettag $0x2  }
0x85: {  	s0 =	rddreg [dreg:$0x0];
	s2 =	stileid.u32  }
0x86: {  	s1 =	rddreg [dreg:$0x1];
	p0 =	sne.s32 s2, $0x0  }
0x87: {  	s3 =	rddreg [dreg:$0x2];
	[bflag:$0x3] =	sbarrier.arrive $0xFFFF;
	s2 =	simm.s32 @!p0 $0x1C03  }
0x88: {  	[timem:s3], [sflag:s2] =	dma.local @!p0 [hbm:s0], s1  }
0x89: {  	s0 =	simm.s32 @!p0 $0x3  }
0x8a: {  	_ =	swait.ge @!p0 [sflag:s0], s1  }
0x8b: {  	s1 =	ssub.s32 @!p0 $0x0, s1;
	[sflag:s0] =	ssyncset.done @!p0 $0x0  }
0x8c: {  	[sflag:s0] =	ssyncadd.s32 @!p0 s1  }
0x8d: {  	[bflag:$0x3] =	sbarrier.arrive $0xFFFF  }
0x8e: {  	_ =	shalt  }

</sc_bundles>
